<compile_context>
chip_gen: v7x
topology: tpu7x:2x2x1
jax: 0.10.2.dev20260603
libtpu: 0.0.44.dev20260713+nightly
codegen_flags: <defaults>
</compile_context>

<pallas_src>
import functools

import jax
import jax.numpy as jnp
from jax import lax
from jax.experimental import pallas as pl
from jax.experimental.pallas import tpu as pltpu
from jax.experimental.pallas import tpu_sc as plsc

BATCH = 16384
NT = 50
DIM = 32
VOCAB = 1000001
VPAD = 1000064
NTILES = VPAD // 128
NUM_CORES = 2
NUM_SUBCORES = 16
NW = NUM_CORES * NUM_SUBCORES
LANES = 128
BT_TILES = BATCH // LANES
BT_PER_W = BT_TILES // NW
UNITS = BT_PER_W * NT
NBUF = 4

_mesh = plsc.VectorSubcoreMesh(
    core_axis_name="c", subcore_axis_name="s",
    num_cores=NUM_CORES, num_subcores=NUM_SUBCORES)


@functools.partial(
    pl.kernel,
    out_type=jax.ShapeDtypeStruct((VPAD * DIM,), jnp.float32),
    mesh=_mesh,
    compiler_params=pltpu.CompilerParams(needs_layout_passes=False),
    scratch_types=[
        pltpu.VMEM((NBUF, DIM, 128), jnp.float32),
        pltpu.VMEM((128 * DIM,), jnp.float32),
        pltpu.VMEM((128 * DIM,), jnp.float32),
        pltpu.SemaphoreType.DMA,
        pltpu.SemaphoreType.DMA,
        pltpu.SemaphoreType.DMA,
    ],
)
def _tr_kernel(tableT_hbm, out_hbm, tiles_v, obuf0, obuf1, rsem, wsem0, wsem1):
    wid = lax.axis_index("s") * NUM_CORES + lax.axis_index("c")
    ntiles = jnp.where(wid < NTILES % NW, NTILES // NW + 1, NTILES // NW)
    start = wid * (NTILES // NW) + jnp.minimum(wid, NTILES % NW)
    iota = lax.iota(jnp.int32, 16)
    pos_k = [(iota + 16 * k) * DIM for k in range(8)]

    def fire_read(j):
        pltpu.async_copy(tableT_hbm.at[:, pl.ds((start + j) * 128, 128)],
                         tiles_v.at[j % NBUF], rsem)

    def wait_read(j):
        pltpu.make_async_copy(tableT_hbm.at[:, pl.ds((start + j) * 128, 128)],
                              tiles_v.at[j % NBUF], rsem).wait()

    for j in range(NBUF - 1):
        @pl.when(j < ntiles)
        def _():
            fire_read(j)

    @pl.loop(0, NTILES // NW + 1)
    def _tile(j):
        @pl.when(j < ntiles)
        def _():
            @pl.when(j + NBUF - 1 < ntiles)
            def _():
                fire_read(j + NBUF - 1)
            wait_read(j)
            tile = tiles_v.at[j % NBUF]

            def do_half(obuf, wsem):
                @pl.when(j >= 2)
                def _():
                    pltpu.make_async_copy(
                        obuf, out_hbm.at[pl.ds(0, 128 * DIM)], wsem).wait()

                @plsc.parallel_loop(0, DIM, unroll=4)
                def _transpose(c0):
                    cvec = (c0 + iota) & (DIM - 1)
                    for k in range(8):
                        v = plsc.load_gather(tile, [cvec, iota + 16 * k])
                        plsc.store_scatter(obuf, [pos_k[k] + cvec], v)

                pltpu.async_copy(
                    obuf,
                    out_hbm.at[pl.ds((start + j) * 128 * DIM, 128 * DIM)],
                    wsem)

            @pl.when(j % 2 == 0)
            def _():
                do_half(obuf0, wsem0)

            @pl.when(j % 2 == 1)
            def _():
                do_half(obuf1, wsem1)

    @pl.when(ntiles >= 1)
    def _():
        pltpu.make_async_copy(obuf0, out_hbm.at[pl.ds(0, 128 * DIM)],
                              wsem0).wait()

    @pl.when(ntiles >= 2)
    def _():
        pltpu.make_async_copy(obuf1, out_hbm.at[pl.ds(0, 128 * DIM)],
                              wsem1).wait()


@functools.partial(
    pl.kernel,
    out_type=jax.ShapeDtypeStruct((NT, DIM // 8, BT_TILES, 8, LANES),
                                  jnp.float32),
    mesh=_mesh,
    compiler_params=pltpu.CompilerParams(use_tc_tiling_on_sc=False,
                                         needs_layout_passes=False),
    scratch_types=[
        pltpu.VMEM((BT_PER_W, NT, LANES), jnp.int32),
        pltpu.VMEM((NBUF, LANES, DIM), jnp.float32),
        pltpu.VMEM((DIM // 8, 8, LANES), jnp.float32),
        pltpu.VMEM((DIM // 8, 8, LANES), jnp.float32),
        pltpu.SemaphoreType.DMA,
        pltpu.SemaphoreType.DMA,
        pltpu.SemaphoreType.DMA,
    ],
)
def _gather_kernel(textT_hbm, table_hbm, out_hbm, idx_v, rows_v, tbuf0, tbuf1,
                   gsem, wsem0, wsem1):
    wid = lax.axis_index("s") * NUM_CORES + lax.axis_index("c")
    iota = lax.iota(jnp.int32, 16)
    lane_ids = [iota + 16 * l0 for l0 in range(8)]

    for bti in range(BT_PER_W):
        bt = wid * BT_PER_W + bti
        pltpu.sync_copy(textT_hbm.at[:, pl.ds(bt * LANES, LANES)],
                        idx_v.at[bti])

    def fire_gather(u):
        t = u % NT
        bti = u // NT
        pltpu.async_copy(table_hbm.at[idx_v.at[bti, t]],
                         rows_v.at[u % NBUF], gsem)

    def wait_gather(u):
        t = u % NT
        bti = u // NT
        pltpu.make_async_copy(table_hbm.at[idx_v.at[bti, t]],
                              rows_v.at[u % NBUF], gsem).wait()

    def out_slot(u):
        t = u % NT
        bt = wid * BT_PER_W + u // NT
        return out_hbm.at[t, :, bt]

    for u in range(NBUF - 1):
        fire_gather(u)

    @pl.loop(0, UNITS)
    def _unit(u):
        @pl.when(u + NBUF - 1 < UNITS)
        def _():
            fire_gather(u + NBUF - 1)
        wait_gather(u)
        rows = rows_v.at[u % NBUF]

        def do_half(tbuf, wsem):
            @pl.when(u >= 2)
            def _():
                pltpu.make_async_copy(tbuf, out_slot(u), wsem).wait()

            @plsc.parallel_loop(0, DIM, unroll=4)
            def _transpose(c0):
                rvec = (c0 + iota) & (DIM - 1)
                rt = lax.shift_right_logical(rvec, 3)
                s = rvec & 7
                for q in range(8):
                    v = plsc.load_gather(rows, [lane_ids[q], rvec])
                    plsc.store_scatter(tbuf, [rt, s, lane_ids[q]], v)

            pltpu.async_copy(tbuf, out_slot(u), wsem)

        @pl.when(u % 2 == 0)
        def _():
            do_half(tbuf0, wsem0)

        @pl.when(u % 2 == 1)
        def _():
            do_half(tbuf1, wsem1)

    pltpu.make_async_copy(tbuf0, out_hbm.at[0, :, 0], wsem0).wait()
    pltpu.make_async_copy(tbuf1, out_hbm.at[0, :, 0], wsem1).wait()


def kernel(text, table):
    textT = text.T
    tableT = jnp.swapaxes(table, 0, 1)
    table_rm = _tr_kernel(tableT).reshape(VPAD, DIM)
    out5 = _gather_kernel(textT, table_rm)
    return out5.transpose(2, 4, 0, 1, 3).reshape(BATCH, NT, DIM)

# --- scband reference (transcript-rebuilt; emitter-appended) ---
"""Pipeline reference for scband-text-embedding-29119878267402 (READ-ONLY COPY).

The authoritative reference and input builder live on the scoring server;
editing this copy changes nothing except your own understanding.
"""

import jax, jax.numpy as jnp
import numpy as np

VOCAB = 1000000 + 1
TEXT_DIM = 32
BATCH = 16384
NT = 50

def setup_inputs(seed: int = 0) -> dict:
    key = jax.random.key(seed)
    k_idx, k_tab = jax.random.split(key)
    text = jax.random.randint(k_idx, (BATCH, NT), 0, VOCAB, dtype=jnp.int64 if jax.config.jax_enable_x64 else jnp.int32)
    table = jax.random.normal(k_tab, (VOCAB, TEXT_DIM), dtype=jnp.float32)
    return {"text": text, "table": table}

def reference(text, table):
    # nn.Embedding lookup: gather rows of the table by index
    return jnp.take(table, text, axis=0)

if __name__ == "__main__":
    import jax
    _d = setup_inputs()
    print(jax.jit(kernel)(*tuple(_d.values())))

</pallas_src>

<mosaic_0001>
#map = affine_map<(d0, d1) -> (0, 0)>
#map1 = affine_map<(d0, d1) -> (0)>
module attributes {stable_mosaic.version = 14 : i64} {
  func.func @_tr_kernel(%arg0: i32, %arg1: i32, %arg2: memref<32x1000001xf32, #tpu.memory_space<hbm>>, %arg3: memref<32002048xf32, #tpu.memory_space<hbm>>, %arg4: memref<4x32x128xf32, #tpu.memory_space<vmem>>, %arg5: memref<4096xf32, #tpu.memory_space<vmem>>, %arg6: memref<4096xf32, #tpu.memory_space<vmem>>, %arg7: memref<!tpu.dma_semaphore, #tpu.memory_space<semaphore_mem>>, %arg8: memref<!tpu.dma_semaphore, #tpu.memory_space<semaphore_mem>>, %arg9: memref<!tpu.dma_semaphore, #tpu.memory_space<semaphore_mem>>) attributes {dimension_semantics = [#tpu.dimension_semantics<core_parallel>, #tpu.dimension_semantics<subcore_parallel>], iteration_bounds = array<i64: 2, 16>, scalar_prefetch = 0 : i64, scratch_operands = 6 : i64, tpu.core_type = #tpu.core_type<sc_vector_subcore>, window_params = [{transform_indices = #map}, {transform_indices = #map1}]} {
    %mul3A = arith.constant 2 : i32
    %mul3A_0 = arith.muli %arg1, %mul3A : i32
    %add3A = arith.addi %mul3A_0, %arg0 : i32
    %lt3A = arith.constant 5 : i32
    %lt3A_1 = arith.cmpi slt, %add3A, %lt3A : i32
    %jit3A = arith.constant 245 : i32
    %jit3A_2 = arith.constant 244 : i32
    %select_n3A = arith.select %lt3A_1, %jit3A, %jit3A_2 : i32
    %mul3A_3 = arith.constant 244 : i32
    %mul3A_4 = arith.muli %add3A, %mul3A_3 : i32
    %min3A = arith.constant 5 : i32
    %min3A_5 = arith.minsi %add3A, %min3A : i32
    %add3A_6 = arith.addi %mul3A_4, %min3A_5 : i32
    %iota3A = tpu.iota {dimensions = array<i32: 0>} : vector<16xi32>
    %add3A_7 = arith.constant 0 : i32
    %add3A_8 = vector.broadcast %add3A_7 : i32 to vector<16xi32>
    %add3A_9 = arith.addi %iota3A, %add3A_8 : vector<16xi32>
    %mul3A_10 = arith.constant 32 : i32
    %mul3A_11 = vector.broadcast %mul3A_10 : i32 to vector<16xi32>
    %mul3A_12 = arith.muli %add3A_9, %mul3A_11 : vector<16xi32>
    %add3A_13 = arith.constant 16 : i32
    %add3A_14 = vector.broadcast %add3A_13 : i32 to vector<16xi32>
    %add3A_15 = arith.addi %iota3A, %add3A_14 : vector<16xi32>
    %mul3A_16 = arith.constant 32 : i32
    %mul3A_17 = vector.broadcast %mul3A_16 : i32 to vector<16xi32>
    %mul3A_18 = arith.muli %add3A_15, %mul3A_17 : vector<16xi32>
    %add3A_19 = arith.constant 32 : i32
    %add3A_20 = vector.broadcast %add3A_19 : i32 to vector<16xi32>
    %add3A_21 = arith.addi %iota3A, %add3A_20 : vector<16xi32>
    %mul3A_22 = arith.constant 32 : i32
    %mul3A_23 = vector.broadcast %mul3A_22 : i32 to vector<16xi32>
    %mul3A_24 = arith.muli %add3A_21, %mul3A_23 : vector<16xi32>
    %add3A_25 = arith.constant 48 : i32
    %add3A_26 = vector.broadcast %add3A_25 : i32 to vector<16xi32>
    %add3A_27 = arith.addi %iota3A, %add3A_26 : vector<16xi32>
    %mul3A_28 = arith.constant 32 : i32
    %mul3A_29 = vector.broadcast %mul3A_28 : i32 to vector<16xi32>
    %mul3A_30 = arith.muli %add3A_27, %mul3A_29 : vector<16xi32>
    %add3A_31 = arith.constant 64 : i32
    %add3A_32 = vector.broadcast %add3A_31 : i32 to vector<16xi32>
    %add3A_33 = arith.addi %iota3A, %add3A_32 : vector<16xi32>
    %mul3A_34 = arith.constant 32 : i32
    %mul3A_35 = vector.broadcast %mul3A_34 : i32 to vector<16xi32>
    %mul3A_36 = arith.muli %add3A_33, %mul3A_35 : vector<16xi32>
    %add3A_37 = arith.constant 80 : i32
    %add3A_38 = vector.broadcast %add3A_37 : i32 to vector<16xi32>
    %add3A_39 = arith.addi %iota3A, %add3A_38 : vector<16xi32>
    %mul3A_40 = arith.constant 32 : i32
    %mul3A_41 = vector.broadcast %mul3A_40 : i32 to vector<16xi32>
    %mul3A_42 = arith.muli %add3A_39, %mul3A_41 : vector<16xi32>
    %add3A_43 = arith.constant 96 : i32
    %add3A_44 = vector.broadcast %add3A_43 : i32 to vector<16xi32>
    %add3A_45 = arith.addi %iota3A, %add3A_44 : vector<16xi32>
    %mul3A_46 = arith.constant 32 : i32
    %mul3A_47 = vector.broadcast %mul3A_46 : i32 to vector<16xi32>
    %mul3A_48 = arith.muli %add3A_45, %mul3A_47 : vector<16xi32>
    %add3A_49 = arith.constant 112 : i32
    %add3A_50 = vector.broadcast %add3A_49 : i32 to vector<16xi32>
    %add3A_51 = arith.addi %iota3A, %add3A_50 : vector<16xi32>
    %mul3A_52 = arith.constant 32 : i32
    %mul3A_53 = vector.broadcast %mul3A_52 : i32 to vector<16xi32>
    %mul3A_54 = arith.muli %add3A_51, %mul3A_53 : vector<16xi32>
    %gt3A = arith.constant 0 : i32
    %gt3A_55 = arith.cmpi sgt, %select_n3A, %gt3A : i32
    %convert_element_type3A = arith.extui %gt3A_55 : i1 to i32
    %cond3A = arith.constant 0 : i32
    %cond3A_56 = arith.cmpi ne, %convert_element_type3A, %cond3A : i32
    scf.if %cond3A_56 {
      %add3A_80 = arith.constant 0 : i32
      %add3A_81 = arith.addi %add3A_6, %add3A_80 : i32
      %mul3A_82 = arith.constant 128 : i32
      %mul3A_83 = arith.muli %add3A_81, %mul3A_82 : i32
      %dma_start3A = arith.constant 0 : i32
      %dma_start3A_84 = arith.constant 0 : i32
      %dma_start3A_85 = arith.constant 0 : i32
      %dma_start3A_86 = tpu.memref_slice %arg4[%dma_start3A, %dma_start3A_84, %dma_start3A_85] : memref<4x32x128xf32, #tpu.memory_space<vmem>> -> memref<1x32x128xf32, #tpu.memory_space<vmem>>
      %dma_start3A_87 = tpu.memref_squeeze %dma_start3A_86 : memref<1x32x128xf32, #tpu.memory_space<vmem>> -> memref<32x128xf32, #tpu.memory_space<vmem>>
      %dma_start3A_88 = arith.constant 0 : i32
      %dma_start3A_89 = tpu.memref_slice %arg2[%dma_start3A_88, %mul3A_83] : memref<32x1000001xf32, #tpu.memory_space<hbm>> -> memref<32x128xf32, #tpu.memory_space<hbm>>
      %dma_start3A_90 = arith.constant 0 : i32
      %dma_start3A_91 = arith.constant 0 : i32
      %dma_start3A_92 = tpu.memref_slice %arg4[%dma_start3A, %dma_start3A_90, %dma_start3A_91] : memref<4x32x128xf32, #tpu.memory_space<vmem>> -> memref<1x32x128xf32, #tpu.memory_space<vmem>>
      %dma_start3A_93 = tpu.memref_squeeze %dma_start3A_92 : memref<1x32x128xf32, #tpu.memory_space<vmem>> -> memref<32x128xf32, #tpu.memory_space<vmem>>
      %dma_start3A_94 = arith.constant 0 : i32
      %dma_start3A_95 = tpu.memref_slice %arg2[%dma_start3A_94, %mul3A_83] : memref<32x1000001xf32, #tpu.memory_space<hbm>> -> memref<32x128xf32, #tpu.memory_space<hbm>>
      tpu.enqueue_dma source(%dma_start3A_95 : memref<32x128xf32, #tpu.memory_space<hbm>>) target(%dma_start3A_93 : memref<32x128xf32, #tpu.memory_space<vmem>>) target_semaphore(%arg7 : memref<!tpu.dma_semaphore, #tpu.memory_space<semaphore_mem>>)
    } else {
    }
    %gt3A_57 = arith.constant 1 : i32
    %gt3A_58 = arith.cmpi sgt, %select_n3A, %gt3A_57 : i32
    %convert_element_type3A_59 = arith.extui %gt3A_58 : i1 to i32
    %cond3A_60 = arith.constant 0 : i32
    %cond3A_61 = arith.cmpi ne, %convert_element_type3A_59, %cond3A_60 : i32
    scf.if %cond3A_61 {
      %add3A_80 = arith.constant 1 : i32
      %add3A_81 = arith.addi %add3A_6, %add3A_80 : i32
      %mul3A_82 = arith.constant 128 : i32
      %mul3A_83 = arith.muli %add3A_81, %mul3A_82 : i32
      %dma_start3A = arith.constant 1 : i32
      %dma_start3A_84 = arith.constant 0 : i32
      %dma_start3A_85 = arith.constant 0 : i32
      %dma_start3A_86 = tpu.memref_slice %arg4[%dma_start3A, %dma_start3A_84, %dma_start3A_85] : memref<4x32x128xf32, #tpu.memory_space<vmem>> -> memref<1x32x128xf32, #tpu.memory_space<vmem>>
      %dma_start3A_87 = tpu.memref_squeeze %dma_start3A_86 : memref<1x32x128xf32, #tpu.memory_space<vmem>> -> memref<32x128xf32, #tpu.memory_space<vmem>>
      %dma_start3A_88 = arith.constant 0 : i32
      %dma_start3A_89 = tpu.memref_slice %arg2[%dma_start3A_88, %mul3A_83] : memref<32x1000001xf32, #tpu.memory_space<hbm>> -> memref<32x128xf32, #tpu.memory_space<hbm>>
      %dma_start3A_90 = arith.constant 0 : i32
      %dma_start3A_91 = arith.constant 0 : i32
      %dma_start3A_92 = tpu.memref_slice %arg4[%dma_start3A, %dma_start3A_90, %dma_start3A_91] : memref<4x32x128xf32, #tpu.memory_space<vmem>> -> memref<1x32x128xf32, #tpu.memory_space<vmem>>
      %dma_start3A_93 = tpu.memref_squeeze %dma_start3A_92 : memref<1x32x128xf32, #tpu.memory_space<vmem>> -> memref<32x128xf32, #tpu.memory_space<vmem>>
      %dma_start3A_94 = arith.constant 0 : i32
      %dma_start3A_95 = tpu.memref_slice %arg2[%dma_start3A_94, %mul3A_83] : memref<32x1000001xf32, #tpu.memory_space<hbm>> -> memref<32x128xf32, #tpu.memory_space<hbm>>
      tpu.enqueue_dma source(%dma_start3A_95 : memref<32x128xf32, #tpu.memory_space<hbm>>) target(%dma_start3A_93 : memref<32x128xf32, #tpu.memory_space<vmem>>) target_semaphore(%arg7 : memref<!tpu.dma_semaphore, #tpu.memory_space<semaphore_mem>>)
    } else {
    }
    %gt3A_62 = arith.constant 2 : i32
    %gt3A_63 = arith.cmpi sgt, %select_n3A, %gt3A_62 : i32
    %convert_element_type3A_64 = arith.extui %gt3A_63 : i1 to i32
    %cond3A_65 = arith.constant 0 : i32
    %cond3A_66 = arith.cmpi ne, %convert_element_type3A_64, %cond3A_65 : i32
    scf.if %cond3A_66 {
      %add3A_80 = arith.constant 2 : i32
      %add3A_81 = arith.addi %add3A_6, %add3A_80 : i32
      %mul3A_82 = arith.constant 128 : i32
      %mul3A_83 = arith.muli %add3A_81, %mul3A_82 : i32
      %dma_start3A = arith.constant 2 : i32
      %dma_start3A_84 = arith.constant 0 : i32
      %dma_start3A_85 = arith.constant 0 : i32
      %dma_start3A_86 = tpu.memref_slice %arg4[%dma_start3A, %dma_start3A_84, %dma_start3A_85] : memref<4x32x128xf32, #tpu.memory_space<vmem>> -> memref<1x32x128xf32, #tpu.memory_space<vmem>>
      %dma_start3A_87 = tpu.memref_squeeze %dma_start3A_86 : memref<1x32x128xf32, #tpu.memory_space<vmem>> -> memref<32x128xf32, #tpu.memory_space<vmem>>
      %dma_start3A_88 = arith.constant 0 : i32
      %dma_start3A_89 = tpu.memref_slice %arg2[%dma_start3A_88, %mul3A_83] : memref<32x1000001xf32, #tpu.memory_space<hbm>> -> memref<32x128xf32, #tpu.memory_space<hbm>>
      %dma_start3A_90 = arith.constant 0 : i32
      %dma_start3A_91 = arith.constant 0 : i32
      %dma_start3A_92 = tpu.memref_slice %arg4[%dma_start3A, %dma_start3A_90, %dma_start3A_91] : memref<4x32x128xf32, #tpu.memory_space<vmem>> -> memref<1x32x128xf32, #tpu.memory_space<vmem>>
      %dma_start3A_93 = tpu.memref_squeeze %dma_start3A_92 : memref<1x32x128xf32, #tpu.memory_space<vmem>> -> memref<32x128xf32, #tpu.memory_space<vmem>>
      %dma_start3A_94 = arith.constant 0 : i32
      %dma_start3A_95 = tpu.memref_slice %arg2[%dma_start3A_94, %mul3A_83] : memref<32x1000001xf32, #tpu.memory_space<hbm>> -> memref<32x128xf32, #tpu.memory_space<hbm>>
      tpu.enqueue_dma source(%dma_start3A_95 : memref<32x128xf32, #tpu.memory_space<hbm>>) target(%dma_start3A_93 : memref<32x128xf32, #tpu.memory_space<vmem>>) target_semaphore(%arg7 : memref<!tpu.dma_semaphore, #tpu.memory_space<semaphore_mem>>)
    } else {
    }
    %scan3A = arith.constant 0 : i32
    %scan3A_67 = arith.constant 245 : i32
    %scan3A_68 = arith.addi %scan3A, %scan3A_67 : i32
    %scan3A_69 = arith.constant 1 : i32
    scf.for %scan3A_80 = %scan3A to %scan3A_68 step %scan3A_69  : i32 {
      %mul3A_81 = arith.constant 1 : i32
      %mul3A_82 = arith.muli %scan3A_80, %mul3A_81 : i32
      %add3A_83 = arith.constant 0 : i32
      %add3A_84 = arith.addi %add3A_83, %mul3A_82 : i32
      %lt3A_85 = arith.cmpi slt, %add3A_84, %select_n3A : i32
      %convert_element_type3A_86 = arith.extui %lt3A_85 : i1 to i32
      %cond3A_87 = arith.constant 0 : i32
      %cond3A_88 = arith.cmpi ne, %convert_element_type3A_86, %cond3A_87 : i32
      scf.if %cond3A_88 {
        %add3A_89 = arith.constant 4 : i32
        %add3A_90 = arith.addi %add3A_84, %add3A_89 : i32
        %sub3A = arith.constant 1 : i32
        %sub3A_91 = arith.subi %add3A_90, %sub3A : i32
        %lt3A_92 = arith.cmpi slt, %sub3A_91, %select_n3A : i32
        %convert_element_type3A_93 = arith.extui %lt3A_92 : i1 to i32
        %cond3A_94 = arith.constant 0 : i32
        %cond3A_95 = arith.cmpi ne, %convert_element_type3A_93, %cond3A_94 : i32
        scf.if %cond3A_95 {
          %add3A_180 = arith.constant 4 : i32
          %add3A_181 = arith.addi %add3A_84, %add3A_180 : i32
          %sub3A_182 = arith.constant 1 : i32
          %sub3A_183 = arith.subi %add3A_181, %sub3A_182 : i32
          %add3A_184 = arith.addi %add3A_6, %sub3A_183 : i32
          %mul3A_185 = arith.constant 128 : i32
          %mul3A_186 = arith.muli %add3A_184, %mul3A_185 : i32
          %jit3A_187 = arith.constant 4 : i32
          %eq3A_188 = arith.constant 0 : i32
          %eq3A_189 = arith.cmpi eq, %jit3A_187, %eq3A_188 : i32
          %jit3A_190 = arith.constant 1 : i32
          %select_n3A_191 = arith.select %eq3A_189, %jit3A_190, %jit3A_187 : i32
          %rem3A_192 = arith.remsi %sub3A_183, %select_n3A_191 : i32
          %ne3A_193 = arith.constant 0 : i32
          %ne3A_194 = arith.cmpi ne, %rem3A_192, %ne3A_193 : i32
          %lt3A_195 = arith.constant 0 : i32
          %lt3A_196 = arith.cmpi slt, %rem3A_192, %lt3A_195 : i32
          %lt3A_197 = arith.constant 0 : i32
          %lt3A_198 = arith.cmpi slt, %select_n3A_191, %lt3A_197 : i32
          %ne3A_199 = arith.xori %lt3A_196, %lt3A_198 : i1
          %and3A_200 = arith.andi %ne3A_199, %ne3A_194 : i1
          %add3A_201 = arith.addi %rem3A_192, %select_n3A_191 : i32
          %select_n3A_202 = arith.select %and3A_200, %add3A_201, %rem3A_192 : i32
          %dma_start3A = arith.constant 0 : i32
          %dma_start3A_203 = arith.constant 0 : i32
          %dma_start3A_204 = tpu.memref_slice %arg4[%select_n3A_202, %dma_start3A, %dma_start3A_203] : memref<4x32x128xf32, #tpu.memory_space<vmem>> -> memref<1x32x128xf32, #tpu.memory_space<vmem>>
          %dma_start3A_205 = tpu.memref_squeeze %dma_start3A_204 : memref<1x32x128xf32, #tpu.memory_space<vmem>> -> memref<32x128xf32, #tpu.memory_space<vmem>>
          %dma_start3A_206 = arith.constant 0 : i32
          %dma_start3A_207 = tpu.memref_slice %arg2[%dma_start3A_206, %mul3A_186] : memref<32x1000001xf32, #tpu.memory_space<hbm>> -> memref<32x128xf32, #tpu.memory_space<hbm>>
          %dma_start3A_208 = arith.constant 0 : i32
          %dma_start3A_209 = arith.constant 0 : i32
          %dma_start3A_210 = tpu.memref_slice %arg4[%select_n3A_202, %dma_start3A_208, %dma_start3A_209] : memref<4x32x128xf32, #tpu.memory_space<vmem>> -> memref<1x32x128xf32, #tpu.memory_space<vmem>>
          %dma_start3A_211 = tpu.memref_squeeze %dma_start3A_210 : memref<1x32x128xf32, #tpu.memory_space<vmem>> -> memref<32x128xf32, #tpu.memory_space<vmem>>
          %dma_start3A_212 = arith.constant 0 : i32
          %dma_start3A_213 = tpu.memref_slice %arg2[%dma_start3A_212, %mul3A_186] : memref<32x1000001xf32, #tpu.memory_space<hbm>> -> memref<32x128xf32, #tpu.memory_space<hbm>>
          tpu.enqueue_dma source(%dma_start3A_213 : memref<32x128xf32, #tpu.memory_space<hbm>>) target(%dma_start3A_211 : memref<32x128xf32, #tpu.memory_space<vmem>>) target_semaphore(%arg7 : memref<!tpu.dma_semaphore, #tpu.memory_space<semaphore_mem>>)
        } else {
        }
        %add3A_96 = arith.addi %add3A_6, %add3A_84 : i32
        %mul3A_97 = arith.constant 128 : i32
        %mul3A_98 = arith.muli %add3A_96, %mul3A_97 : i32
        %jit3A_99 = arith.constant 4 : i32
        %eq3A = arith.constant 0 : i32
        %eq3A_100 = arith.cmpi eq, %jit3A_99, %eq3A : i32
        %jit3A_101 = arith.constant 1 : i32
        %select_n3A_102 = arith.select %eq3A_100, %jit3A_101, %jit3A_99 : i32
        %rem3A = arith.remsi %add3A_84, %select_n3A_102 : i32
        %ne3A = arith.constant 0 : i32
        %ne3A_103 = arith.cmpi ne, %rem3A, %ne3A : i32
        %lt3A_104 = arith.constant 0 : i32
        %lt3A_105 = arith.cmpi slt, %rem3A, %lt3A_104 : i32
        %lt3A_106 = arith.constant 0 : i32
        %lt3A_107 = arith.cmpi slt, %select_n3A_102, %lt3A_106 : i32
        %ne3A_108 = arith.xori %lt3A_105, %lt3A_107 : i1
        %and3A = arith.andi %ne3A_108, %ne3A_103 : i1
        %add3A_109 = arith.addi %rem3A, %select_n3A_102 : i32
        %select_n3A_110 = arith.select %and3A, %add3A_109, %rem3A : i32
        %dma_wait3A = arith.constant 0 : i32
        %dma_wait3A_111 = arith.constant 0 : i32
        %dma_wait3A_112 = tpu.memref_slice %arg4[%select_n3A_110, %dma_wait3A, %dma_wait3A_111] : memref<4x32x128xf32, #tpu.memory_space<vmem>> -> memref<1x32x128xf32, #tpu.memory_space<vmem>>
        %dma_wait3A_113 = tpu.memref_squeeze %dma_wait3A_112 : memref<1x32x128xf32, #tpu.memory_space<vmem>> -> memref<32x128xf32, #tpu.memory_space<vmem>>
        %dma_wait3A_114 = arith.constant 0 : i32
        %dma_wait3A_115 = tpu.memref_slice %arg2[%dma_wait3A_114, %mul3A_98] : memref<32x1000001xf32, #tpu.memory_space<hbm>> -> memref<32x128xf32, #tpu.memory_space<hbm>>
        %dma_wait3A_116 = arith.constant 0 : i32
        %dma_wait3A_117 = arith.constant 0 : i32
        %dma_wait3A_118 = tpu.memref_slice %arg4[%select_n3A_110, %dma_wait3A_116, %dma_wait3A_117] : memref<4x32x128xf32, #tpu.memory_space<vmem>> -> memref<1x32x128xf32, #tpu.memory_space<vmem>>
        %dma_wait3A_119 = tpu.memref_squeeze %dma_wait3A_118 : memref<1x32x128xf32, #tpu.memory_space<vmem>> -> memref<32x128xf32, #tpu.memory_space<vmem>>
        %dma_wait3A_120 = arith.constant 0 : i32
        %dma_wait3A_121 = tpu.memref_slice %arg2[%dma_wait3A_120, %mul3A_98] : memref<32x1000001xf32, #tpu.memory_space<hbm>> -> memref<32x128xf32, #tpu.memory_space<hbm>>
        tpu.wait_dma2 semaphore(%arg7 : memref<!tpu.dma_semaphore, #tpu.memory_space<semaphore_mem>>) src(%dma_wait3A_121 : memref<32x128xf32, #tpu.memory_space<hbm>>) dst(%dma_wait3A_119 : memref<32x128xf32, #tpu.memory_space<vmem>>)
        %jit3A_122 = arith.constant 4 : i32
        %eq3A_123 = arith.constant 0 : i32
        %eq3A_124 = arith.cmpi eq, %jit3A_122, %eq3A_123 : i32
        %jit3A_125 = arith.constant 1 : i32
        %select_n3A_126 = arith.select %eq3A_124, %jit3A_125, %jit3A_122 : i32
        %rem3A_127 = arith.remsi %add3A_84, %select_n3A_126 : i32
        %ne3A_128 = arith.constant 0 : i32
        %ne3A_129 = arith.cmpi ne, %rem3A_127, %ne3A_128 : i32
        %lt3A_130 = arith.constant 0 : i32
        %lt3A_131 = arith.cmpi slt, %rem3A_127, %lt3A_130 : i32
        %lt3A_132 = arith.constant 0 : i32
        %lt3A_133 = arith.cmpi slt, %select_n3A_126, %lt3A_132 : i32
        %ne3A_134 = arith.xori %lt3A_131, %lt3A_133 : i1
        %and3A_135 = arith.andi %ne3A_134, %ne3A_129 : i1
        %add3A_136 = arith.addi %rem3A_127, %select_n3A_126 : i32
        %select_n3A_137 = arith.select %and3A_135, %add3A_136, %rem3A_127 : i32
        %jit3A_138 = arith.constant 2 : i32
        %eq3A_139 = arith.constant 0 : i32
        %eq3A_140 = arith.cmpi eq, %jit3A_138, %eq3A_139 : i32
        %jit3A_141 = arith.constant 1 : i32
        %select_n3A_142 = arith.select %eq3A_140, %jit3A_141, %jit3A_138 : i32
        %rem3A_143 = arith.remsi %add3A_84, %select_n3A_142 : i32
        %ne3A_144 = arith.constant 0 : i32
        %ne3A_145 = arith.cmpi ne, %rem3A_143, %ne3A_144 : i32
        %lt3A_146 = arith.constant 0 : i32
        %lt3A_147 = arith.cmpi slt, %rem3A_143, %lt3A_146 : i32
        %lt3A_148 = arith.constant 0 : i32
        %lt3A_149 = arith.cmpi slt, %select_n3A_142, %lt3A_148 : i32
        %ne3A_150 = arith.xori %lt3A_147, %lt3A_149 : i1
        %and3A_151 = arith.andi %ne3A_150, %ne3A_145 : i1
        %add3A_152 = arith.addi %rem3A_143, %select_n3A_142 : i32
        %select_n3A_153 = arith.select %and3A_151, %add3A_152, %rem3A_143 : i32
        %eq3A_154 = arith.constant 0 : i32
        %eq3A_155 = arith.cmpi eq, %select_n3A_153, %eq3A_154 : i32
        %convert_element_type3A_156 = arith.extui %eq3A_155 : i1 to i32
        %cond3A_157 = arith.constant 0 : i32
        %cond3A_158 = arith.cmpi ne, %convert_element_type3A_156, %cond3A_157 : i32
        scf.if %cond3A_158 {
          %ge3A_180 = arith.constant 2 : i32
          %ge3A_181 = arith.cmpi sge, %add3A_84, %ge3A_180 : i32
          %convert_element_type3A_182 = arith.extui %ge3A_181 : i1 to i32
          %cond3A_183 = arith.constant 0 : i32
          %cond3A_184 = arith.cmpi ne, %convert_element_type3A_182, %cond3A_183 : i32
          scf.if %cond3A_184 {
            %dma_wait3A_193 = arith.constant 0 : i32
            %dma_wait3A_194 = tpu.memref_slice %arg3[%dma_wait3A_193] : memref<32002048xf32, #tpu.memory_space<hbm>> -> memref<4096xf32, #tpu.memory_space<hbm>>
            %dma_wait3A_195 = arith.constant 0 : i32
            %dma_wait3A_196 = tpu.memref_slice %arg3[%dma_wait3A_195] : memref<32002048xf32, #tpu.memory_space<hbm>> -> memref<4096xf32, #tpu.memory_space<hbm>>
            tpu.wait_dma2 semaphore(%arg8 : memref<!tpu.dma_semaphore, #tpu.memory_space<semaphore_mem>>) src(%arg5 : memref<4096xf32, #tpu.memory_space<vmem>>) dst(%dma_wait3A_196 : memref<4096xf32, #tpu.memory_space<hbm>>)
          } else {
          }
          %parallel_loop3A = arith.constant 0 : i32
          %parallel_loop3A_185 = arith.constant 32 : i32
          %parallel_loop3A_186 = arith.constant 1 : i32
          scf.for %parallel_loop3A_193 = %parallel_loop3A to %parallel_loop3A_185 step %parallel_loop3A_186  : i32 {
            %parallel_loop3A_194 = vector.broadcast %parallel_loop3A_193 : i32 to vector<16xi32>
            %parallel_loop3A_195 = arith.addi %parallel_loop3A_194, %iota3A : vector<16xi32>
            %parallel_loop3A_196 = arith.constant 31 : i32
            %parallel_loop3A_197 = vector.broadcast %parallel_loop3A_196 : i32 to vector<16xi32>
            %parallel_loop3A_198 = arith.andi %parallel_loop3A_195, %parallel_loop3A_197 : vector<16xi32>
            %parallel_loop3A_199 = arith.constant 0 : i32
            %parallel_loop3A_200 = vector.broadcast %parallel_loop3A_199 : i32 to vector<16xi32>
            %parallel_loop3A_201 = arith.addi %iota3A, %parallel_loop3A_200 : vector<16xi32>
            %parallel_loop3A_202 = arith.constant 0 : i32
            %parallel_loop3A_203 = arith.constant 0 : i32
            %parallel_loop3A_204 = tpu.memref_slice %arg4[%select_n3A_137, %parallel_loop3A_202, %parallel_loop3A_203] : memref<4x32x128xf32, #tpu.memory_space<vmem>> -> memref<1x32x128xf32, #tpu.memory_space<vmem>>
            %parallel_loop3A_205 = tpu.memref_squeeze %parallel_loop3A_204 : memref<1x32x128xf32, #tpu.memory_space<vmem>> -> memref<32x128xf32, #tpu.memory_space<vmem>>
            %parallel_loop3A_206 = tpu.vector_load_idx %parallel_loop3A_205[%parallel_loop3A_198, %parallel_loop3A_201] : memref<32x128xf32, #tpu.memory_space<vmem>>[vector<16xi32>, vector<16xi32>], vector<16xf32>,
            %parallel_loop3A_207 = arith.addi %mul3A_12, %parallel_loop3A_198 : vector<16xi32>
            tpu.vector_store_idx %arg5[%parallel_loop3A_207], %parallel_loop3A_206 : memref<4096xf32, #tpu.memory_space<vmem>>[vector<16xi32>], vector<16xf32>,
            %parallel_loop3A_208 = arith.constant 16 : i32
            %parallel_loop3A_209 = vector.broadcast %parallel_loop3A_208 : i32 to vector<16xi32>
            %parallel_loop3A_210 = arith.addi %iota3A, %parallel_loop3A_209 : vector<16xi32>
            %parallel_loop3A_211 = arith.constant 0 : i32
            %parallel_loop3A_212 = arith.constant 0 : i32
            %parallel_loop3A_213 = tpu.memref_slice %arg4[%select_n3A_137, %parallel_loop3A_211, %parallel_loop3A_212] : memref<4x32x128xf32, #tpu.memory_space<vmem>> -> memref<1x32x128xf32, #tpu.memory_space<vmem>>
            %parallel_loop3A_214 = tpu.memref_squeeze %parallel_loop3A_213 : memref<1x32x128xf32, #tpu.memory_space<vmem>> -> memref<32x128xf32, #tpu.memory_space<vmem>>
            %parallel_loop3A_215 = tpu.vector_load_idx %parallel_loop3A_214[%parallel_loop3A_198, %parallel_loop3A_210] : memref<32x128xf32, #tpu.memory_space<vmem>>[vector<16xi32>, vector<16xi32>], vector<16xf32>,
            %parallel_loop3A_216 = arith.addi %mul3A_18, %parallel_loop3A_198 : vector<16xi32>
            tpu.vector_store_idx %arg5[%parallel_loop3A_216], %parallel_loop3A_215 : memref<4096xf32, #tpu.memory_space<vmem>>[vector<16xi32>], vector<16xf32>,
            %parallel_loop3A_217 = arith.constant 32 : i32
            %parallel_loop3A_218 = vector.broadcast %parallel_loop3A_217 : i32 to vector<16xi32>
            %parallel_loop3A_219 = arith.addi %iota3A, %parallel_loop3A_218 : vector<16xi32>
            %parallel_loop3A_220 = arith.constant 0 : i32
            %parallel_loop3A_221 = arith.constant 0 : i32
            %parallel_loop3A_222 = tpu.memref_slice %arg4[%select_n3A_137, %parallel_loop3A_220, %parallel_loop3A_221] : memref<4x32x128xf32, #tpu.memory_space<vmem>> -> memref<1x32x128xf32, #tpu.memory_space<vmem>>
            %parallel_loop3A_223 = tpu.memref_squeeze %parallel_loop3A_222 : memref<1x32x128xf32, #tpu.memory_space<vmem>> -> memref<32x128xf32, #tpu.memory_space<vmem>>
            %parallel_loop3A_224 = tpu.vector_load_idx %parallel_loop3A_223[%parallel_loop3A_198, %parallel_loop3A_219] : memref<32x128xf32, #tpu.memory_space<vmem>>[vector<16xi32>, vector<16xi32>], vector<16xf32>,
            %parallel_loop3A_225 = arith.addi %mul3A_24, %parallel_loop3A_198 : vector<16xi32>
            tpu.vector_store_idx %arg5[%parallel_loop3A_225], %parallel_loop3A_224 : memref<4096xf32, #tpu.memory_space<vmem>>[vector<16xi32>], vector<16xf32>,
            %parallel_loop3A_226 = arith.constant 48 : i32
            %parallel_loop3A_227 = vector.broadcast %parallel_loop3A_226 : i32 to vector<16xi32>
            %parallel_loop3A_228 = arith.addi %iota3A, %parallel_loop3A_227 : vector<16xi32>
            %parallel_loop3A_229 = arith.constant 0 : i32
            %parallel_loop3A_230 = arith.constant 0 : i32
            %parallel_loop3A_231 = tpu.memref_slice %arg4[%select_n3A_137, %parallel_loop3A_229, %parallel_loop3A_230] : memref<4x32x128xf32, #tpu.memory_space<vmem>> -> memref<1x32x128xf32, #tpu.memory_space<vmem>>
            %parallel_loop3A_232 = tpu.memref_squeeze %parallel_loop3A_231 : memref<1x32x128xf32, #tpu.memory_space<vmem>> -> memref<32x128xf32, #tpu.memory_space<vmem>>
            %parallel_loop3A_233 = tpu.vector_load_idx %parallel_loop3A_232[%parallel_loop3A_198, %parallel_loop3A_228] : memref<32x128xf32, #tpu.memory_space<vmem>>[vector<16xi32>, vector<16xi32>], vector<16xf32>,
            %parallel_loop3A_234 = arith.addi %mul3A_30, %parallel_loop3A_198 : vector<16xi32>
            tpu.vector_store_idx %arg5[%parallel_loop3A_234], %parallel_loop3A_233 : memref<4096xf32, #tpu.memory_space<vmem>>[vector<16xi32>], vector<16xf32>,
            %parallel_loop3A_235 = arith.constant 64 : i32
            %parallel_loop3A_236 = vector.broadcast %parallel_loop3A_235 : i32 to vector<16xi32>
            %parallel_loop3A_237 = arith.addi %iota3A, %parallel_loop3A_236 : vector<16xi32>
            %parallel_loop3A_238 = arith.constant 0 : i32
            %parallel_loop3A_239 = arith.constant 0 : i32
            %parallel_loop3A_240 = tpu.memref_slice %arg4[%select_n3A_137, %parallel_loop3A_238, %parallel_loop3A_239] : memref<4x32x128xf32, #tpu.memory_space<vmem>> -> memref<1x32x128xf32, #tpu.memory_space<vmem>>
            %parallel_loop3A_241 = tpu.memref_squeeze %parallel_loop3A_240 : memref<1x32x128xf32, #tpu.memory_space<vmem>> -> memref<32x128xf32, #tpu.memory_space<vmem>>
            %parallel_loop3A_242 = tpu.vector_load_idx %parallel_loop3A_241[%parallel_loop3A_198, %parallel_loop3A_237] : memref<32x128xf32, #tpu.memory_space<vmem>>[vector<16xi32>, vector<16xi32>], vector<16xf32>,
            %parallel_loop3A_243 = arith.addi %mul3A_36, %parallel_loop3A_198 : vector<16xi32>
            tpu.vector_store_idx %arg5[%parallel_loop3A_243], %parallel_loop3A_242 : memref<4096xf32, #tpu.memory_space<vmem>>[vector<16xi32>], vector<16xf32>,
            %parallel_loop3A_244 = arith.constant 80 : i32
            %parallel_loop3A_245 = vector.broadcast %parallel_loop3A_244 : i32 to vector<16xi32>
            %parallel_loop3A_246 = arith.addi %iota3A, %parallel_loop3A_245 : vector<16xi32>
            %parallel_loop3A_247 = arith.constant 0 : i32
            %parallel_loop3A_248 = arith.constant 0 : i32
            %parallel_loop3A_249 = tpu.memref_slice %arg4[%select_n3A_137, %parallel_loop3A_247, %parallel_loop3A_248] : memref<4x32x128xf32, #tpu.memory_space<vmem>> -> memref<1x32x128xf32, #tpu.memory_space<vmem>>
            %parallel_loop3A_250 = tpu.memref_squeeze %parallel_loop3A_249 : memref<1x32x128xf32, #tpu.memory_space<vmem>> -> memref<32x128xf32, #tpu.memory_space<vmem>>
            %parallel_loop3A_251 = tpu.vector_load_idx %parallel_loop3A_250[%parallel_loop3A_198, %parallel_loop3A_246] : memref<32x128xf32, #tpu.memory_space<vmem>>[vector<16xi32>, vector<16xi32>], vector<16xf32>,
            %parallel_loop3A_252 = arith.addi %mul3A_42, %parallel_loop3A_198 : vector<16xi32>
            tpu.vector_store_idx %arg5[%parallel_loop3A_252], %parallel_loop3A_251 : memref<4096xf32, #tpu.memory_space<vmem>>[vector<16xi32>], vector<16xf32>,
            %parallel_loop3A_253 = arith.constant 96 : i32
            %parallel_loop3A_254 = vector.broadcast %parallel_loop3A_253 : i32 to vector<16xi32>
            %parallel_loop3A_255 = arith.addi %iota3A, %parallel_loop3A_254 : vector<16xi32>
            %parallel_loop3A_256 = arith.constant 0 : i32
            %parallel_loop3A_257 = arith.constant 0 : i32
            %parallel_loop3A_258 = tpu.memref_slice %arg4[%select_n3A_137, %parallel_loop3A_256, %parallel_loop3A_257] : memref<4x32x128xf32, #tpu.memory_space<vmem>> -> memref<1x32x128xf32, #tpu.memory_space<vmem>>
            %parallel_loop3A_259 = tpu.memref_squeeze %parallel_loop3A_258 : memref<1x32x128xf32, #tpu.memory_space<vmem>> -> memref<32x128xf32, #tpu.memory_space<vmem>>
            %parallel_loop3A_260 = tpu.vector_load_idx %parallel_loop3A_259[%parallel_loop3A_198, %parallel_loop3A_255] : memref<32x128xf32, #tpu.memory_space<vmem>>[vector<16xi32>, vector<16xi32>], vector<16xf32>,
            %parallel_loop3A_261 = arith.addi %mul3A_48, %parallel_loop3A_198 : vector<16xi32>
            tpu.vector_store_idx %arg5[%parallel_loop3A_261], %parallel_loop3A_260 : memref<4096xf32, #tpu.memory_space<vmem>>[vector<16xi32>], vector<16xf32>,
            %parallel_loop3A_262 = arith.constant 112 : i32
            %parallel_loop3A_263 = vector.broadcast %parallel_loop3A_262 : i32 to vector<16xi32>
            %parallel_loop3A_264 = arith.addi %iota3A, %parallel_loop3A_263 : vector<16xi32>
            %parallel_loop3A_265 = arith.constant 0 : i32
            %parallel_loop3A_266 = arith.constant 0 : i32
            %parallel_loop3A_267 = tpu.memref_slice %arg4[%select_n3A_137, %parallel_loop3A_265, %parallel_loop3A_266] : memref<4x32x128xf32, #tpu.memory_space<vmem>> -> memref<1x32x128xf32, #tpu.memory_space<vmem>>
            %parallel_loop3A_268 = tpu.memref_squeeze %parallel_loop3A_267 : memref<1x32x128xf32, #tpu.memory_space<vmem>> -> memref<32x128xf32, #tpu.memory_space<vmem>>
            %parallel_loop3A_269 = tpu.vector_load_idx %parallel_loop3A_268[%parallel_loop3A_198, %parallel_loop3A_264] : memref<32x128xf32, #tpu.memory_space<vmem>>[vector<16xi32>, vector<16xi32>], vector<16xf32>,
            %parallel_loop3A_270 = arith.addi %mul3A_54, %parallel_loop3A_198 : vector<16xi32>
            tpu.vector_store_idx %arg5[%parallel_loop3A_270], %parallel_loop3A_269 : memref<4096xf32, #tpu.memory_space<vmem>>[vector<16xi32>], vector<16xf32>,
          } {sc.loop_unroll_factor = 4 : i64, sc.parallel_access}
          %add3A_187 = arith.addi %add3A_6, %add3A_84 : i32
          %mul3A_188 = arith.constant 128 : i32
          %mul3A_189 = arith.muli %add3A_187, %mul3A_188 : i32
          %mul3A_190 = arith.constant 32 : i32
          %mul3A_191 = arith.muli %mul3A_189, %mul3A_190 : i32
          %dma_start3A = tpu.memref_slice %arg3[%mul3A_191] : memref<32002048xf32, #tpu.memory_space<hbm>> -> memref<4096xf32, #tpu.memory_space<hbm>>
          %dma_start3A_192 = tpu.memref_slice %arg3[%mul3A_191] : memref<32002048xf32, #tpu.memory_space<hbm>> -> memref<4096xf32, #tpu.memory_space<hbm>>
          tpu.enqueue_dma source(%arg5 : memref<4096xf32, #tpu.memory_space<vmem>>) target(%dma_start3A_192 : memref<4096xf32, #tpu.memory_space<hbm>>) target_semaphore(%arg8 : memref<!tpu.dma_semaphore, #tpu.memory_space<semaphore_mem>>)
        } else {
        }
        %jit3A_159 = arith.constant 2 : i32
        %eq3A_160 = arith.constant 0 : i32
        %eq3A_161 = arith.cmpi eq, %jit3A_159, %eq3A_160 : i32
        %jit3A_162 = arith.constant 1 : i32
        %select_n3A_163 = arith.select %eq3A_161, %jit3A_162, %jit3A_159 : i32
        %rem3A_164 = arith.remsi %add3A_84, %select_n3A_163 : i32
        %ne3A_165 = arith.constant 0 : i32
        %ne3A_166 = arith.cmpi ne, %rem3A_164, %ne3A_165 : i32
        %lt3A_167 = arith.constant 0 : i32
        %lt3A_168 = arith.cmpi slt, %rem3A_164, %lt3A_167 : i32
        %lt3A_169 = arith.constant 0 : i32
        %lt3A_170 = arith.cmpi slt, %select_n3A_163, %lt3A_169 : i32
        %ne3A_171 = arith.xori %lt3A_168, %lt3A_170 : i1
        %and3A_172 = arith.andi %ne3A_171, %ne3A_166 : i1
        %add3A_173 = arith.addi %rem3A_164, %select_n3A_163 : i32
        %select_n3A_174 = arith.select %and3A_172, %add3A_173, %rem3A_164 : i32
        %eq3A_175 = arith.constant 1 : i32
        %eq3A_176 = arith.cmpi eq, %select_n3A_174, %eq3A_175 : i32
        %convert_element_type3A_177 = arith.extui %eq3A_176 : i1 to i32
        %cond3A_178 = arith.constant 0 : i32
        %cond3A_179 = arith.cmpi ne, %convert_element_type3A_177, %cond3A_178 : i32
        scf.if %cond3A_179 {
          %ge3A_180 = arith.constant 2 : i32
          %ge3A_181 = arith.cmpi sge, %add3A_84, %ge3A_180 : i32
          %convert_element_type3A_182 = arith.extui %ge3A_181 : i1 to i32
          %cond3A_183 = arith.constant 0 : i32
          %cond3A_184 = arith.cmpi ne, %convert_element_type3A_182, %cond3A_183 : i32
          scf.if %cond3A_184 {
            %dma_wait3A_193 = arith.constant 0 : i32
            %dma_wait3A_194 = tpu.memref_slice %arg3[%dma_wait3A_193] : memref<32002048xf32, #tpu.memory_space<hbm>> -> memref<4096xf32, #tpu.memory_space<hbm>>
            %dma_wait3A_195 = arith.constant 0 : i32
            %dma_wait3A_196 = tpu.memref_slice %arg3[%dma_wait3A_195] : memref<32002048xf32, #tpu.memory_space<hbm>> -> memref<4096xf32, #tpu.memory_space<hbm>>
            tpu.wait_dma2 semaphore(%arg9 : memref<!tpu.dma_semaphore, #tpu.memory_space<semaphore_mem>>) src(%arg6 : memref<4096xf32, #tpu.memory_space<vmem>>) dst(%dma_wait3A_196 : memref<4096xf32, #tpu.memory_space<hbm>>)
          } else {
          }
          %parallel_loop3A = arith.constant 0 : i32
          %parallel_loop3A_185 = arith.constant 32 : i32
          %parallel_loop3A_186 = arith.constant 1 : i32
          scf.for %parallel_loop3A_193 = %parallel_loop3A to %parallel_loop3A_185 step %parallel_loop3A_186  : i32 {
            %parallel_loop3A_194 = vector.broadcast %parallel_loop3A_193 : i32 to vector<16xi32>
            %parallel_loop3A_195 = arith.addi %parallel_loop3A_194, %iota3A : vector<16xi32>
            %parallel_loop3A_196 = arith.constant 31 : i32
            %parallel_loop3A_197 = vector.broadcast %parallel_loop3A_196 : i32 to vector<16xi32>
            %parallel_loop3A_198 = arith.andi %parallel_loop3A_195, %parallel_loop3A_197 : vector<16xi32>
            %parallel_loop3A_199 = arith.constant 0 : i32
            %parallel_loop3A_200 = vector.broadcast %parallel_loop3A_199 : i32 to vector<16xi32>
            %parallel_loop3A_201 = arith.addi %iota3A, %parallel_loop3A_200 : vector<16xi32>
            %parallel_loop3A_202 = arith.constant 0 : i32
            %parallel_loop3A_203 = arith.constant 0 : i32
            %parallel_loop3A_204 = tpu.memref_slice %arg4[%select_n3A_137, %parallel_loop3A_202, %parallel_loop3A_203] : memref<4x32x128xf32, #tpu.memory_space<vmem>> -> memref<1x32x128xf32, #tpu.memory_space<vmem>>
            %parallel_loop3A_205 = tpu.memref_squeeze %parallel_loop3A_204 : memref<1x32x128xf32, #tpu.memory_space<vmem>> -> memref<32x128xf32, #tpu.memory_space<vmem>>
            %parallel_loop3A_206 = tpu.vector_load_idx %parallel_loop3A_205[%parallel_loop3A_198, %parallel_loop3A_201] : memref<32x128xf32, #tpu.memory_space<vmem>>[vector<16xi32>, vector<16xi32>], vector<16xf32>,
            %parallel_loop3A_207 = arith.addi %mul3A_12, %parallel_loop3A_198 : vector<16xi32>
            tpu.vector_store_idx %arg6[%parallel_loop3A_207], %parallel_loop3A_206 : memref<4096xf32, #tpu.memory_space<vmem>>[vector<16xi32>], vector<16xf32>,
            %parallel_loop3A_208 = arith.constant 16 : i32
            %parallel_loop3A_209 = vector.broadcast %parallel_loop3A_208 : i32 to vector<16xi32>
            %parallel_loop3A_210 = arith.addi %iota3A, %parallel_loop3A_209 : vector<16xi32>
            %parallel_loop3A_211 = arith.constant 0 : i32
            %parallel_loop3A_212 = arith.constant 0 : i32
            %parallel_loop3A_213 = tpu.memref_slice %arg4[%select_n3A_137, %parallel_loop3A_211, %parallel_loop3A_212] : memref<4x32x128xf32, #tpu.memory_space<vmem>> -> memref<1x32x128xf32, #tpu.memory_space<vmem>>
            %parallel_loop3A_214 = tpu.memref_squeeze %parallel_loop3A_213 : memref<1x32x128xf32, #tpu.memory_space<vmem>> -> memref<32x128xf32, #tpu.memory_space<vmem>>
            %parallel_loop3A_215 = tpu.vector_load_idx %parallel_loop3A_214[%parallel_loop3A_198, %parallel_loop3A_210] : memref<32x128xf32, #tpu.memory_space<vmem>>[vector<16xi32>, vector<16xi32>], vector<16xf32>,
            %parallel_loop3A_216 = arith.addi %mul3A_18, %parallel_loop3A_198 : vector<16xi32>
            tpu.vector_store_idx %arg6[%parallel_loop3A_216], %parallel_loop3A_215 : memref<4096xf32, #tpu.memory_space<vmem>>[vector<16xi32>], vector<16xf32>,
            %parallel_loop3A_217 = arith.constant 32 : i32
            %parallel_loop3A_218 = vector.broadcast %parallel_loop3A_217 : i32 to vector<16xi32>
            %parallel_loop3A_219 = arith.addi %iota3A, %parallel_loop3A_218 : vector<16xi32>
            %parallel_loop3A_220 = arith.constant 0 : i32
            %parallel_loop3A_221 = arith.constant 0 : i32
            %parallel_loop3A_222 = tpu.memref_slice %arg4[%select_n3A_137, %parallel_loop3A_220, %parallel_loop3A_221] : memref<4x32x128xf32, #tpu.memory_space<vmem>> -> memref<1x32x128xf32, #tpu.memory_space<vmem>>
            %parallel_loop3A_223 = tpu.memref_squeeze %parallel_loop3A_222 : memref<1x32x128xf32, #tpu.memory_space<vmem>> -> memref<32x128xf32, #tpu.memory_space<vmem>>
            %parallel_loop3A_224 = tpu.vector_load_idx %parallel_loop3A_223[%parallel_loop3A_198, %parallel_loop3A_219] : memref<32x128xf32, #tpu.memory_space<vmem>>[vector<16xi32>, vector<16xi32>], vector<16xf32>,
            %parallel_loop3A_225 = arith.addi %mul3A_24, %parallel_loop3A_198 : vector<16xi32>
            tpu.vector_store_idx %arg6[%parallel_loop3A_225], %parallel_loop3A_224 : memref<4096xf32, #tpu.memory_space<vmem>>[vector<16xi32>], vector<16xf32>,
            %parallel_loop3A_226 = arith.constant 48 : i32
            %parallel_loop3A_227 = vector.broadcast %parallel_loop3A_226 : i32 to vector<16xi32>
            %parallel_loop3A_228 = arith.addi %iota3A, %parallel_loop3A_227 : vector<16xi32>
            %parallel_loop3A_229 = arith.constant 0 : i32
            %parallel_loop3A_230 = arith.constant 0 : i32
            %parallel_loop3A_231 = tpu.memref_slice %arg4[%select_n3A_137, %parallel_loop3A_229, %parallel_loop3A_230] : memref<4x32x128xf32, #tpu.memory_space<vmem>> -> memref<1x32x128xf32, #tpu.memory_space<vmem>>
            %parallel_loop3A_232 = tpu.memref_squeeze %parallel_loop3A_231 : memref<1x32x128xf32, #tpu.memory_space<vmem>> -> memref<32x128xf32, #tpu.memory_space<vmem>>
            %parallel_loop3A_233 = tpu.vector_load_idx %parallel_loop3A_232[%parallel_loop3A_198, %parallel_loop3A_228] : memref<32x128xf32, #tpu.memory_space<vmem>>[vector<16xi32>, vector<16xi32>], vector<16xf32>,
            %parallel_loop3A_234 = arith.addi %mul3A_30, %parallel_loop3A_198 : vector<16xi32>
            tpu.vector_store_idx %arg6[%parallel_loop3A_234], %parallel_loop3A_233 : memref<4096xf32, #tpu.memory_space<vmem>>[vector<16xi32>], vector<16xf32>,
            %parallel_loop3A_235 = arith.constant 64 : i32
            %parallel_loop3A_236 = vector.broadcast %parallel_loop3A_235 : i32 to vector<16xi32>
            %parallel_loop3A_237 = arith.addi %iota3A, %parallel_loop3A_236 : vector<16xi32>
            %parallel_loop3A_238 = arith.constant 0 : i32
            %parallel_loop3A_239 = arith.constant 0 : i32
            %parallel_loop3A_240 = tpu.memref_slice %arg4[%select_n3A_137, %parallel_loop3A_238, %parallel_loop3A_239] : memref<4x32x128xf32, #tpu.memory_space<vmem>> -> memref<1x32x128xf32, #tpu.memory_space<vmem>>
            %parallel_loop3A_241 = tpu.memref_squeeze %parallel_loop3A_240 : memref<1x32x128xf32, #tpu.memory_space<vmem>> -> memref<32x128xf32, #tpu.memory_space<vmem>>
            %parallel_loop3A_242 = tpu.vector_load_idx %parallel_loop3A_241[%parallel_loop3A_198, %parallel_loop3A_237] : memref<32x128xf32, #tpu.memory_space<vmem>>[vector<16xi32>, vector<16xi32>], vector<16xf32>,
            %parallel_loop3A_243 = arith.addi %mul3A_36, %parallel_loop3A_198 : vector<16xi32>
            tpu.vector_store_idx %arg6[%parallel_loop3A_243], %parallel_loop3A_242 : memref<4096xf32, #tpu.memory_space<vmem>>[vector<16xi32>], vector<16xf32>,
            %parallel_loop3A_244 = arith.constant 80 : i32
            %parallel_loop3A_245 = vector.broadcast %parallel_loop3A_244 : i32 to vector<16xi32>
            %parallel_loop3A_246 = arith.addi %iota3A, %parallel_loop3A_245 : vector<16xi32>
            %parallel_loop3A_247 = arith.constant 0 : i32
            %parallel_loop3A_248 = arith.constant 0 : i32
            %parallel_loop3A_249 = tpu.memref_slice %arg4[%select_n3A_137, %parallel_loop3A_247, %parallel_loop3A_248] : memref<4x32x128xf32, #tpu.memory_space<vmem>> -> memref<1x32x128xf32, #tpu.memory_space<vmem>>
            %parallel_loop3A_250 = tpu.memref_squeeze %parallel_loop3A_249 : memref<1x32x128xf32, #tpu.memory_space<vmem>> -> memref<32x128xf32, #tpu.memory_space<vmem>>
            %parallel_loop3A_251 = tpu.vector_load_idx %parallel_loop3A_250[%parallel_loop3A_198, %parallel_loop3A_246] : memref<32x128xf32, #tpu.memory_space<vmem>>[vector<16xi32>, vector<16xi32>], vector<16xf32>,
            %parallel_loop3A_252 = arith.addi %mul3A_42, %parallel_loop3A_198 : vector<16xi32>
            tpu.vector_store_idx %arg6[%parallel_loop3A_252], %parallel_loop3A_251 : memref<4096xf32, #tpu.memory_space<vmem>>[vector<16xi32>], vector<16xf32>,
            %parallel_loop3A_253 = arith.constant 96 : i32
            %parallel_loop3A_254 = vector.broadcast %parallel_loop3A_253 : i32 to vector<16xi32>
            %parallel_loop3A_255 = arith.addi %iota3A, %parallel_loop3A_254 : vector<16xi32>
            %parallel_loop3A_256 = arith.constant 0 : i32
            %parallel_loop3A_257 = arith.constant 0 : i32
            %parallel_loop3A_258 = tpu.memref_slice %arg4[%select_n3A_137, %parallel_loop3A_256, %parallel_loop3A_257] : memref<4x32x128xf32, #tpu.memory_space<vmem>> -> memref<1x32x128xf32, #tpu.memory_space<vmem>>
            %parallel_loop3A_259 = tpu.memref_squeeze %parallel_loop3A_258 : memref<1x32x128xf32, #tpu.memory_space<vmem>> -> memref<32x128xf32, #tpu.memory_space<vmem>>
            %parallel_loop3A_260 = tpu.vector_load_idx %parallel_loop3A_259[%parallel_loop3A_198, %parallel_loop3A_255] : memref<32x128xf32, #tpu.memory_space<vmem>>[vector<16xi32>, vector<16xi32>], vector<16xf32>,
            %parallel_loop3A_261 = arith.addi %mul3A_48, %parallel_loop3A_198 : vector<16xi32>
            tpu.vector_store_idx %arg6[%parallel_loop3A_261], %parallel_loop3A_260 : memref<4096xf32, #tpu.memory_space<vmem>>[vector<16xi32>], vector<16xf32>,
            %parallel_loop3A_262 = arith.constant 112 : i32
            %parallel_loop3A_263 = vector.broadcast %parallel_loop3A_262 : i32 to vector<16xi32>
            %parallel_loop3A_264 = arith.addi %iota3A, %parallel_loop3A_263 : vector<16xi32>
            %parallel_loop3A_265 = arith.constant 0 : i32
            %parallel_loop3A_266 = arith.constant 0 : i32
            %parallel_loop3A_267 = tpu.memref_slice %arg4[%select_n3A_137, %parallel_loop3A_265, %parallel_loop3A_266] : memref<4x32x128xf32, #tpu.memory_space<vmem>> -> memref<1x32x128xf32, #tpu.memory_space<vmem>>
            %parallel_loop3A_268 = tpu.memref_squeeze %parallel_loop3A_267 : memref<1x32x128xf32, #tpu.memory_space<vmem>> -> memref<32x128xf32, #tpu.memory_space<vmem>>
            %parallel_loop3A_269 = tpu.vector_load_idx %parallel_loop3A_268[%parallel_loop3A_198, %parallel_loop3A_264] : memref<32x128xf32, #tpu.memory_space<vmem>>[vector<16xi32>, vector<16xi32>], vector<16xf32>,
            %parallel_loop3A_270 = arith.addi %mul3A_54, %parallel_loop3A_198 : vector<16xi32>
            tpu.vector_store_idx %arg6[%parallel_loop3A_270], %parallel_loop3A_269 : memref<4096xf32, #tpu.memory_space<vmem>>[vector<16xi32>], vector<16xf32>,
          } {sc.loop_unroll_factor = 4 : i64, sc.parallel_access}
          %add3A_187 = arith.addi %add3A_6, %add3A_84 : i32
          %mul3A_188 = arith.constant 128 : i32
          %mul3A_189 = arith.muli %add3A_187, %mul3A_188 : i32
          %mul3A_190 = arith.constant 32 : i32
          %mul3A_191 = arith.muli %mul3A_189, %mul3A_190 : i32
          %dma_start3A = tpu.memref_slice %arg3[%mul3A_191] : memref<32002048xf32, #tpu.memory_space<hbm>> -> memref<4096xf32, #tpu.memory_space<hbm>>
          %dma_start3A_192 = tpu.memref_slice %arg3[%mul3A_191] : memref<32002048xf32, #tpu.memory_space<hbm>> -> memref<4096xf32, #tpu.memory_space<hbm>>
          tpu.enqueue_dma source(%arg6 : memref<4096xf32, #tpu.memory_space<vmem>>) target(%dma_start3A_192 : memref<4096xf32, #tpu.memory_space<hbm>>) target_semaphore(%arg9 : memref<!tpu.dma_semaphore, #tpu.memory_space<semaphore_mem>>)
        } else {
        }
      } else {
      }
    }
    %scan3A_70 = arith.constant 245 : i32
    %ge3A = arith.constant 1 : i32
    %ge3A_71 = arith.cmpi sge, %select_n3A, %ge3A : i32
    %convert_element_type3A_72 = arith.extui %ge3A_71 : i1 to i32
    %cond3A_73 = arith.constant 0 : i32
    %cond3A_74 = arith.cmpi ne, %convert_element_type3A_72, %cond3A_73 : i32
    scf.if %cond3A_74 {
      %dma_wait3A = arith.constant 0 : i32
      %dma_wait3A_80 = tpu.memref_slice %arg3[%dma_wait3A] : memref<32002048xf32, #tpu.memory_space<hbm>> -> memref<4096xf32, #tpu.memory_space<hbm>>
      %dma_wait3A_81 = arith.constant 0 : i32
      %dma_wait3A_82 = tpu.memref_slice %arg3[%dma_wait3A_81] : memref<32002048xf32, #tpu.memory_space<hbm>> -> memref<4096xf32, #tpu.memory_space<hbm>>
      tpu.wait_dma2 semaphore(%arg8 : memref<!tpu.dma_semaphore, #tpu.memory_space<semaphore_mem>>) src(%arg5 : memref<4096xf32, #tpu.memory_space<vmem>>) dst(%dma_wait3A_82 : memref<4096xf32, #tpu.memory_space<hbm>>)
    } else {
    }
    %ge3A_75 = arith.constant 2 : i32
    %ge3A_76 = arith.cmpi sge, %select_n3A, %ge3A_75 : i32
    %convert_element_type3A_77 = arith.extui %ge3A_76 : i1 to i32
    %cond3A_78 = arith.constant 0 : i32
    %cond3A_79 = arith.cmpi ne, %convert_element_type3A_77, %cond3A_78 : i32
    scf.if %cond3A_79 {
      %dma_wait3A = arith.constant 0 : i32
      %dma_wait3A_80 = tpu.memref_slice %arg3[%dma_wait3A] : memref<32002048xf32, #tpu.memory_space<hbm>> -> memref<4096xf32, #tpu.memory_space<hbm>>
      %dma_wait3A_81 = arith.constant 0 : i32
      %dma_wait3A_82 = tpu.memref_slice %arg3[%dma_wait3A_81] : memref<32002048xf32, #tpu.memory_space<hbm>> -> memref<4096xf32, #tpu.memory_space<hbm>>
      tpu.wait_dma2 semaphore(%arg9 : memref<!tpu.dma_semaphore, #tpu.memory_space<semaphore_mem>>) src(%arg6 : memref<4096xf32, #tpu.memory_space<vmem>>) dst(%dma_wait3A_82 : memref<4096xf32, #tpu.memory_space<hbm>>)
    } else {
    }
    return
  }
}

#map = affine_map<(d0, d1) -> (0, 0)>
#map1 = affine_map<(d0, d1) -> (0, 0, 0, 0, 0)>
module attributes {stable_mosaic.version = 14 : i64} {
  func.func @_gather_kernel(%arg0: i32, %arg1: i32, %arg2: memref<50x16384xi32, #tpu.memory_space<hbm>>, %arg3: memref<1000064x32xf32, #tpu.memory_space<hbm>>, %arg4: memref<50x4x128x8x128xf32, #tpu.memory_space<hbm>>, %arg5: memref<4x50x128xi32, #tpu.memory_space<vmem>>, %arg6: memref<4x128x32xf32, #tpu.memory_space<vmem>>, %arg7: memref<4x8x128xf32, #tpu.memory_space<vmem>>, %arg8: memref<4x8x128xf32, #tpu.memory_space<vmem>>, %arg9: memref<!tpu.dma_semaphore, #tpu.memory_space<semaphore_mem>>, %arg10: memref<!tpu.dma_semaphore, #tpu.memory_space<semaphore_mem>>, %arg11: memref<!tpu.dma_semaphore, #tpu.memory_space<semaphore_mem>>) attributes {dimension_semantics = [#tpu.dimension_semantics<core_parallel>, #tpu.dimension_semantics<subcore_parallel>], iteration_bounds = array<i64: 2, 16>, scalar_prefetch = 0 : i64, scratch_operands = 7 : i64, tpu.core_type = #tpu.core_type<sc_vector_subcore>, window_params = [{transform_indices = #map}, {transform_indices = #map}, {transform_indices = #map1}]} {
    %mul3A = arith.constant 2 : i32
    %mul3A_0 = arith.muli %arg1, %mul3A : i32
    %add3A = arith.addi %mul3A_0, %arg0 : i32
    %iota3A = tpu.iota {dimensions = array<i32: 0>} : vector<16xi32>
    %add3A_1 = arith.constant 0 : i32
    %add3A_2 = vector.broadcast %add3A_1 : i32 to vector<16xi32>
    %add3A_3 = arith.addi %iota3A, %add3A_2 : vector<16xi32>
    %add3A_4 = arith.constant 16 : i32
    %add3A_5 = vector.broadcast %add3A_4 : i32 to vector<16xi32>
    %add3A_6 = arith.addi %iota3A, %add3A_5 : vector<16xi32>
    %add3A_7 = arith.constant 32 : i32
    %add3A_8 = vector.broadcast %add3A_7 : i32 to vector<16xi32>
    %add3A_9 = arith.addi %iota3A, %add3A_8 : vector<16xi32>
    %add3A_10 = arith.constant 48 : i32
    %add3A_11 = vector.broadcast %add3A_10 : i32 to vector<16xi32>
    %add3A_12 = arith.addi %iota3A, %add3A_11 : vector<16xi32>
    %add3A_13 = arith.constant 64 : i32
    %add3A_14 = vector.broadcast %add3A_13 : i32 to vector<16xi32>
    %add3A_15 = arith.addi %iota3A, %add3A_14 : vector<16xi32>
    %add3A_16 = arith.constant 80 : i32
    %add3A_17 = vector.broadcast %add3A_16 : i32 to vector<16xi32>
    %add3A_18 = arith.addi %iota3A, %add3A_17 : vector<16xi32>
    %add3A_19 = arith.constant 96 : i32
    %add3A_20 = vector.broadcast %add3A_19 : i32 to vector<16xi32>
    %add3A_21 = arith.addi %iota3A, %add3A_20 : vector<16xi32>
    %add3A_22 = arith.constant 112 : i32
    %add3A_23 = vector.broadcast %add3A_22 : i32 to vector<16xi32>
    %add3A_24 = arith.addi %iota3A, %add3A_23 : vector<16xi32>
    %mul3A_25 = arith.constant 4 : i32
    %mul3A_26 = arith.muli %add3A, %mul3A_25 : i32
    %add3A_27 = arith.constant 0 : i32
    %add3A_28 = arith.addi %mul3A_26, %add3A_27 : i32
    %mul3A_29 = arith.constant 128 : i32
    %mul3A_30 = arith.muli %add3A_28, %mul3A_29 : i32
    %run_scoped3A = arith.constant 0 : i32
    "tpu.region"() ({
      %run_scoped3A_117 = tpu.sem_alloc : memref<!tpu.dma_semaphore, #tpu.memory_space<semaphore_mem>>
      %dma_start3A_118 = arith.constant 0 : i32
      %dma_start3A_119 = arith.constant 0 : i32
      %dma_start3A_120 = tpu.memref_slice %arg5[%run_scoped3A, %dma_start3A_118, %dma_start3A_119] : memref<4x50x128xi32, #tpu.memory_space<vmem>> -> memref<1x50x128xi32, #tpu.memory_space<vmem>>
      %dma_start3A_121 = tpu.memref_squeeze %dma_start3A_120 : memref<1x50x128xi32, #tpu.memory_space<vmem>> -> memref<50x128xi32, #tpu.memory_space<vmem>>
      %dma_start3A_122 = arith.constant 0 : i32
      %dma_start3A_123 = tpu.memref_slice %arg2[%dma_start3A_122, %mul3A_30] : memref<50x16384xi32, #tpu.memory_space<hbm>> -> memref<50x128xi32, #tpu.memory_space<hbm>>
      %dma_start3A_124 = arith.constant 0 : i32
      %dma_start3A_125 = arith.constant 0 : i32
      %dma_start3A_126 = tpu.memref_slice %arg5[%run_scoped3A, %dma_start3A_124, %dma_start3A_125] : memref<4x50x128xi32, #tpu.memory_space<vmem>> -> memref<1x50x128xi32, #tpu.memory_space<vmem>>
      %dma_start3A_127 = tpu.memref_squeeze %dma_start3A_126 : memref<1x50x128xi32, #tpu.memory_space<vmem>> -> memref<50x128xi32, #tpu.memory_space<vmem>>
      %dma_start3A_128 = arith.constant 0 : i32
      %dma_start3A_129 = tpu.memref_slice %arg2[%dma_start3A_128, %mul3A_30] : memref<50x16384xi32, #tpu.memory_space<hbm>> -> memref<50x128xi32, #tpu.memory_space<hbm>>
      tpu.enqueue_dma source(%dma_start3A_129 : memref<50x128xi32, #tpu.memory_space<hbm>>) target(%dma_start3A_127 : memref<50x128xi32, #tpu.memory_space<vmem>>) target_semaphore(%run_scoped3A_117 : memref<!tpu.dma_semaphore, #tpu.memory_space<semaphore_mem>>)
      %dma_wait3A_130 = arith.constant 0 : i32
      %dma_wait3A_131 = arith.constant 0 : i32
      %dma_wait3A_132 = tpu.memref_slice %arg5[%run_scoped3A, %dma_wait3A_130, %dma_wait3A_131] : memref<4x50x128xi32, #tpu.memory_space<vmem>> -> memref<1x50x128xi32, #tpu.memory_space<vmem>>
      %dma_wait3A_133 = tpu.memref_squeeze %dma_wait3A_132 : memref<1x50x128xi32, #tpu.memory_space<vmem>> -> memref<50x128xi32, #tpu.memory_space<vmem>>
      %dma_wait3A_134 = arith.constant 0 : i32
      %dma_wait3A_135 = tpu.memref_slice %arg2[%dma_wait3A_134, %mul3A_30] : memref<50x16384xi32, #tpu.memory_space<hbm>> -> memref<50x128xi32, #tpu.memory_space<hbm>>
      %dma_wait3A_136 = arith.constant 0 : i32
      %dma_wait3A_137 = arith.constant 0 : i32
      %dma_wait3A_138 = tpu.memref_slice %arg5[%run_scoped3A, %dma_wait3A_136, %dma_wait3A_137] : memref<4x50x128xi32, #tpu.memory_space<vmem>> -> memref<1x50x128xi32, #tpu.memory_space<vmem>>
      %dma_wait3A_139 = tpu.memref_squeeze %dma_wait3A_138 : memref<1x50x128xi32, #tpu.memory_space<vmem>> -> memref<50x128xi32, #tpu.memory_space<vmem>>
      %dma_wait3A_140 = arith.constant 0 : i32
      %dma_wait3A_141 = tpu.memref_slice %arg2[%dma_wait3A_140, %mul3A_30] : memref<50x16384xi32, #tpu.memory_space<hbm>> -> memref<50x128xi32, #tpu.memory_space<hbm>>
      tpu.wait_dma2 semaphore(%run_scoped3A_117 : memref<!tpu.dma_semaphore, #tpu.memory_space<semaphore_mem>>) src(%dma_wait3A_141 : memref<50x128xi32, #tpu.memory_space<hbm>>) dst(%dma_wait3A_139 : memref<50x128xi32, #tpu.memory_space<vmem>>)
      tpu.yield
    }) : () -> ()
    %mul3A_31 = arith.constant 4 : i32
    %mul3A_32 = arith.muli %add3A, %mul3A_31 : i32
    %add3A_33 = arith.constant 1 : i32
    %add3A_34 = arith.addi %mul3A_32, %add3A_33 : i32
    %mul3A_35 = arith.constant 128 : i32
    %mul3A_36 = arith.muli %add3A_34, %mul3A_35 : i32
    %run_scoped3A_37 = arith.constant 1 : i32
    "tpu.region"() ({
      %run_scoped3A_117 = tpu.sem_alloc : memref<!tpu.dma_semaphore, #tpu.memory_space<semaphore_mem>>
      %dma_start3A_118 = arith.constant 0 : i32
      %dma_start3A_119 = arith.constant 0 : i32
      %dma_start3A_120 = tpu.memref_slice %arg5[%run_scoped3A_37, %dma_start3A_118, %dma_start3A_119] : memref<4x50x128xi32, #tpu.memory_space<vmem>> -> memref<1x50x128xi32, #tpu.memory_space<vmem>>
      %dma_start3A_121 = tpu.memref_squeeze %dma_start3A_120 : memref<1x50x128xi32, #tpu.memory_space<vmem>> -> memref<50x128xi32, #tpu.memory_space<vmem>>
      %dma_start3A_122 = arith.constant 0 : i32
      %dma_start3A_123 = tpu.memref_slice %arg2[%dma_start3A_122, %mul3A_36] : memref<50x16384xi32, #tpu.memory_space<hbm>> -> memref<50x128xi32, #tpu.memory_space<hbm>>
      %dma_start3A_124 = arith.constant 0 : i32
      %dma_start3A_125 = arith.constant 0 : i32
      %dma_start3A_126 = tpu.memref_slice %arg5[%run_scoped3A_37, %dma_start3A_124, %dma_start3A_125] : memref<4x50x128xi32, #tpu.memory_space<vmem>> -> memref<1x50x128xi32, #tpu.memory_space<vmem>>
      %dma_start3A_127 = tpu.memref_squeeze %dma_start3A_126 : memref<1x50x128xi32, #tpu.memory_space<vmem>> -> memref<50x128xi32, #tpu.memory_space<vmem>>
      %dma_start3A_128 = arith.constant 0 : i32
      %dma_start3A_129 = tpu.memref_slice %arg2[%dma_start3A_128, %mul3A_36] : memref<50x16384xi32, #tpu.memory_space<hbm>> -> memref<50x128xi32, #tpu.memory_space<hbm>>
      tpu.enqueue_dma source(%dma_start3A_129 : memref<50x128xi32, #tpu.memory_space<hbm>>) target(%dma_start3A_127 : memref<50x128xi32, #tpu.memory_space<vmem>>) target_semaphore(%run_scoped3A_117 : memref<!tpu.dma_semaphore, #tpu.memory_space<semaphore_mem>>)
      %dma_wait3A_130 = arith.constant 0 : i32
      %dma_wait3A_131 = arith.constant 0 : i32
      %dma_wait3A_132 = tpu.memref_slice %arg5[%run_scoped3A_37, %dma_wait3A_130, %dma_wait3A_131] : memref<4x50x128xi32, #tpu.memory_space<vmem>> -> memref<1x50x128xi32, #tpu.memory_space<vmem>>
      %dma_wait3A_133 = tpu.memref_squeeze %dma_wait3A_132 : memref<1x50x128xi32, #tpu.memory_space<vmem>> -> memref<50x128xi32, #tpu.memory_space<vmem>>
      %dma_wait3A_134 = arith.constant 0 : i32
      %dma_wait3A_135 = tpu.memref_slice %arg2[%dma_wait3A_134, %mul3A_36] : memref<50x16384xi32, #tpu.memory_space<hbm>> -> memref<50x128xi32, #tpu.memory_space<hbm>>
      %dma_wait3A_136 = arith.constant 0 : i32
      %dma_wait3A_137 = arith.constant 0 : i32
      %dma_wait3A_138 = tpu.memref_slice %arg5[%run_scoped3A_37, %dma_wait3A_136, %dma_wait3A_137] : memref<4x50x128xi32, #tpu.memory_space<vmem>> -> memref<1x50x128xi32, #tpu.memory_space<vmem>>
      %dma_wait3A_139 = tpu.memref_squeeze %dma_wait3A_138 : memref<1x50x128xi32, #tpu.memory_space<vmem>> -> memref<50x128xi32, #tpu.memory_space<vmem>>
      %dma_wait3A_140 = arith.constant 0 : i32
      %dma_wait3A_141 = tpu.memref_slice %arg2[%dma_wait3A_140, %mul3A_36] : memref<50x16384xi32, #tpu.memory_space<hbm>> -> memref<50x128xi32, #tpu.memory_space<hbm>>
      tpu.wait_dma2 semaphore(%run_scoped3A_117 : memref<!tpu.dma_semaphore, #tpu.memory_space<semaphore_mem>>) src(%dma_wait3A_141 : memref<50x128xi32, #tpu.memory_space<hbm>>) dst(%dma_wait3A_139 : memref<50x128xi32, #tpu.memory_space<vmem>>)
      tpu.yield
    }) : () -> ()
    %mul3A_38 = arith.constant 4 : i32
    %mul3A_39 = arith.muli %add3A, %mul3A_38 : i32
    %add3A_40 = arith.constant 2 : i32
    %add3A_41 = arith.addi %mul3A_39, %add3A_40 : i32
    %mul3A_42 = arith.constant 128 : i32
    %mul3A_43 = arith.muli %add3A_41, %mul3A_42 : i32
    %run_scoped3A_44 = arith.constant 2 : i32
    "tpu.region"() ({
      %run_scoped3A_117 = tpu.sem_alloc : memref<!tpu.dma_semaphore, #tpu.memory_space<semaphore_mem>>
      %dma_start3A_118 = arith.constant 0 : i32
      %dma_start3A_119 = arith.constant 0 : i32
      %dma_start3A_120 = tpu.memref_slice %arg5[%run_scoped3A_44, %dma_start3A_118, %dma_start3A_119] : memref<4x50x128xi32, #tpu.memory_space<vmem>> -> memref<1x50x128xi32, #tpu.memory_space<vmem>>
      %dma_start3A_121 = tpu.memref_squeeze %dma_start3A_120 : memref<1x50x128xi32, #tpu.memory_space<vmem>> -> memref<50x128xi32, #tpu.memory_space<vmem>>
      %dma_start3A_122 = arith.constant 0 : i32
      %dma_start3A_123 = tpu.memref_slice %arg2[%dma_start3A_122, %mul3A_43] : memref<50x16384xi32, #tpu.memory_space<hbm>> -> memref<50x128xi32, #tpu.memory_space<hbm>>
      %dma_start3A_124 = arith.constant 0 : i32
      %dma_start3A_125 = arith.constant 0 : i32
      %dma_start3A_126 = tpu.memref_slice %arg5[%run_scoped3A_44, %dma_start3A_124, %dma_start3A_125] : memref<4x50x128xi32, #tpu.memory_space<vmem>> -> memref<1x50x128xi32, #tpu.memory_space<vmem>>
      %dma_start3A_127 = tpu.memref_squeeze %dma_start3A_126 : memref<1x50x128xi32, #tpu.memory_space<vmem>> -> memref<50x128xi32, #tpu.memory_space<vmem>>
      %dma_start3A_128 = arith.constant 0 : i32
      %dma_start3A_129 = tpu.memref_slice %arg2[%dma_start3A_128, %mul3A_43] : memref<50x16384xi32, #tpu.memory_space<hbm>> -> memref<50x128xi32, #tpu.memory_space<hbm>>
      tpu.enqueue_dma source(%dma_start3A_129 : memref<50x128xi32, #tpu.memory_space<hbm>>) target(%dma_start3A_127 : memref<50x128xi32, #tpu.memory_space<vmem>>) target_semaphore(%run_scoped3A_117 : memref<!tpu.dma_semaphore, #tpu.memory_space<semaphore_mem>>)
      %dma_wait3A_130 = arith.constant 0 : i32
      %dma_wait3A_131 = arith.constant 0 : i32
      %dma_wait3A_132 = tpu.memref_slice %arg5[%run_scoped3A_44, %dma_wait3A_130, %dma_wait3A_131] : memref<4x50x128xi32, #tpu.memory_space<vmem>> -> memref<1x50x128xi32, #tpu.memory_space<vmem>>
      %dma_wait3A_133 = tpu.memref_squeeze %dma_wait3A_132 : memref<1x50x128xi32, #tpu.memory_space<vmem>> -> memref<50x128xi32, #tpu.memory_space<vmem>>
      %dma_wait3A_134 = arith.constant 0 : i32
      %dma_wait3A_135 = tpu.memref_slice %arg2[%dma_wait3A_134, %mul3A_43] : memref<50x16384xi32, #tpu.memory_space<hbm>> -> memref<50x128xi32, #tpu.memory_space<hbm>>
      %dma_wait3A_136 = arith.constant 0 : i32
      %dma_wait3A_137 = arith.constant 0 : i32
      %dma_wait3A_138 = tpu.memref_slice %arg5[%run_scoped3A_44, %dma_wait3A_136, %dma_wait3A_137] : memref<4x50x128xi32, #tpu.memory_space<vmem>> -> memref<1x50x128xi32, #tpu.memory_space<vmem>>
      %dma_wait3A_139 = tpu.memref_squeeze %dma_wait3A_138 : memref<1x50x128xi32, #tpu.memory_space<vmem>> -> memref<50x128xi32, #tpu.memory_space<vmem>>
      %dma_wait3A_140 = arith.constant 0 : i32
      %dma_wait3A_141 = tpu.memref_slice %arg2[%dma_wait3A_140, %mul3A_43] : memref<50x16384xi32, #tpu.memory_space<hbm>> -> memref<50x128xi32, #tpu.memory_space<hbm>>
      tpu.wait_dma2 semaphore(%run_scoped3A_117 : memref<!tpu.dma_semaphore, #tpu.memory_space<semaphore_mem>>) src(%dma_wait3A_141 : memref<50x128xi32, #tpu.memory_space<hbm>>) dst(%dma_wait3A_139 : memref<50x128xi32, #tpu.memory_space<vmem>>)
      tpu.yield
    }) : () -> ()
    %mul3A_45 = arith.constant 4 : i32
    %mul3A_46 = arith.muli %add3A, %mul3A_45 : i32
    %add3A_47 = arith.constant 3 : i32
    %add3A_48 = arith.addi %mul3A_46, %add3A_47 : i32
    %mul3A_49 = arith.constant 128 : i32
    %mul3A_50 = arith.muli %add3A_48, %mul3A_49 : i32
    %run_scoped3A_51 = arith.constant 3 : i32
    "tpu.region"() ({
      %run_scoped3A_117 = tpu.sem_alloc : memref<!tpu.dma_semaphore, #tpu.memory_space<semaphore_mem>>
      %dma_start3A_118 = arith.constant 0 : i32
      %dma_start3A_119 = arith.constant 0 : i32
      %dma_start3A_120 = tpu.memref_slice %arg5[%run_scoped3A_51, %dma_start3A_118, %dma_start3A_119] : memref<4x50x128xi32, #tpu.memory_space<vmem>> -> memref<1x50x128xi32, #tpu.memory_space<vmem>>
      %dma_start3A_121 = tpu.memref_squeeze %dma_start3A_120 : memref<1x50x128xi32, #tpu.memory_space<vmem>> -> memref<50x128xi32, #tpu.memory_space<vmem>>
      %dma_start3A_122 = arith.constant 0 : i32
      %dma_start3A_123 = tpu.memref_slice %arg2[%dma_start3A_122, %mul3A_50] : memref<50x16384xi32, #tpu.memory_space<hbm>> -> memref<50x128xi32, #tpu.memory_space<hbm>>
      %dma_start3A_124 = arith.constant 0 : i32
      %dma_start3A_125 = arith.constant 0 : i32
      %dma_start3A_126 = tpu.memref_slice %arg5[%run_scoped3A_51, %dma_start3A_124, %dma_start3A_125] : memref<4x50x128xi32, #tpu.memory_space<vmem>> -> memref<1x50x128xi32, #tpu.memory_space<vmem>>
      %dma_start3A_127 = tpu.memref_squeeze %dma_start3A_126 : memref<1x50x128xi32, #tpu.memory_space<vmem>> -> memref<50x128xi32, #tpu.memory_space<vmem>>
      %dma_start3A_128 = arith.constant 0 : i32
      %dma_start3A_129 = tpu.memref_slice %arg2[%dma_start3A_128, %mul3A_50] : memref<50x16384xi32, #tpu.memory_space<hbm>> -> memref<50x128xi32, #tpu.memory_space<hbm>>
      tpu.enqueue_dma source(%dma_start3A_129 : memref<50x128xi32, #tpu.memory_space<hbm>>) target(%dma_start3A_127 : memref<50x128xi32, #tpu.memory_space<vmem>>) target_semaphore(%run_scoped3A_117 : memref<!tpu.dma_semaphore, #tpu.memory_space<semaphore_mem>>)
      %dma_wait3A_130 = arith.constant 0 : i32
      %dma_wait3A_131 = arith.constant 0 : i32
      %dma_wait3A_132 = tpu.memref_slice %arg5[%run_scoped3A_51, %dma_wait3A_130, %dma_wait3A_131] : memref<4x50x128xi32, #tpu.memory_space<vmem>> -> memref<1x50x128xi32, #tpu.memory_space<vmem>>
      %dma_wait3A_133 = tpu.memref_squeeze %dma_wait3A_132 : memref<1x50x128xi32, #tpu.memory_space<vmem>> -> memref<50x128xi32, #tpu.memory_space<vmem>>
      %dma_wait3A_134 = arith.constant 0 : i32
      %dma_wait3A_135 = tpu.memref_slice %arg2[%dma_wait3A_134, %mul3A_50] : memref<50x16384xi32, #tpu.memory_space<hbm>> -> memref<50x128xi32, #tpu.memory_space<hbm>>
      %dma_wait3A_136 = arith.constant 0 : i32
      %dma_wait3A_137 = arith.constant 0 : i32
      %dma_wait3A_138 = tpu.memref_slice %arg5[%run_scoped3A_51, %dma_wait3A_136, %dma_wait3A_137] : memref<4x50x128xi32, #tpu.memory_space<vmem>> -> memref<1x50x128xi32, #tpu.memory_space<vmem>>
      %dma_wait3A_139 = tpu.memref_squeeze %dma_wait3A_138 : memref<1x50x128xi32, #tpu.memory_space<vmem>> -> memref<50x128xi32, #tpu.memory_space<vmem>>
      %dma_wait3A_140 = arith.constant 0 : i32
      %dma_wait3A_141 = tpu.memref_slice %arg2[%dma_wait3A_140, %mul3A_50] : memref<50x16384xi32, #tpu.memory_space<hbm>> -> memref<50x128xi32, #tpu.memory_space<hbm>>
      tpu.wait_dma2 semaphore(%run_scoped3A_117 : memref<!tpu.dma_semaphore, #tpu.memory_space<semaphore_mem>>) src(%dma_wait3A_141 : memref<50x128xi32, #tpu.memory_space<hbm>>) dst(%dma_wait3A_139 : memref<50x128xi32, #tpu.memory_space<vmem>>)
      tpu.yield
    }) : () -> ()
    %dma_start3A = arith.constant 0 : i32
    %dma_start3A_52 = arith.constant 0 : i32
    %dma_start3A_53 = arith.constant 0 : i32
    %dma_start3A_54 = arith.constant 0 : i32
    %dma_start3A_55 = arith.constant 0 : i32
    %dma_start3A_56 = tpu.memref_slice %arg6[%dma_start3A_53, %dma_start3A_54, %dma_start3A_55] : memref<4x128x32xf32, #tpu.memory_space<vmem>> -> memref<1x128x32xf32, #tpu.memory_space<vmem>>
    %dma_start3A_57 = tpu.memref_squeeze %dma_start3A_56 : memref<1x128x32xf32, #tpu.memory_space<vmem>> -> memref<128x32xf32, #tpu.memory_space<vmem>>
    %dma_start3A_58 = arith.constant 0 : i32
    %dma_start3A_59 = tpu.memref_slice %arg5[%dma_start3A, %dma_start3A_52, %dma_start3A_58] : memref<4x50x128xi32, #tpu.memory_space<vmem>> -> memref<1x1x128xi32, #tpu.memory_space<vmem>>
    %dma_start3A_60 = tpu.memref_squeeze %dma_start3A_59 : memref<1x1x128xi32, #tpu.memory_space<vmem>> -> memref<128xi32, #tpu.memory_space<vmem>>
    %dma_start3A_61 = arith.constant 0 : i32
    %dma_start3A_62 = arith.constant 0 : i32
    %dma_start3A_63 = tpu.memref_slice %arg3[%dma_start3A_61, %dma_start3A_62] : memref<1000064x32xf32, #tpu.memory_space<hbm>> -> memref<1000064x32xf32, #tpu.memory_space<hbm>>
    tpu.enqueue_indirect_dma source(%dma_start3A_63 : memref<1000064x32xf32, #tpu.memory_space<hbm>>) target(%dma_start3A_57 : memref<128x32xf32, #tpu.memory_space<vmem>>) offsets(%dma_start3A_60 : memref<128xi32, #tpu.memory_space<vmem>>) semaphore(%arg9 : memref<!tpu.dma_semaphore, #tpu.memory_space<semaphore_mem>>)
    %dma_start3A_64 = arith.constant 0 : i32
    %dma_start3A_65 = arith.constant 1 : i32
    %dma_start3A_66 = arith.constant 1 : i32
    %dma_start3A_67 = arith.constant 0 : i32
    %dma_start3A_68 = arith.constant 0 : i32
    %dma_start3A_69 = tpu.memref_slice %arg6[%dma_start3A_66, %dma_start3A_67, %dma_start3A_68] : memref<4x128x32xf32, #tpu.memory_space<vmem>> -> memref<1x128x32xf32, #tpu.memory_space<vmem>>
    %dma_start3A_70 = tpu.memref_squeeze %dma_start3A_69 : memref<1x128x32xf32, #tpu.memory_space<vmem>> -> memref<128x32xf32, #tpu.memory_space<vmem>>
    %dma_start3A_71 = arith.constant 0 : i32
    %dma_start3A_72 = tpu.memref_slice %arg5[%dma_start3A_64, %dma_start3A_65, %dma_start3A_71] : memref<4x50x128xi32, #tpu.memory_space<vmem>> -> memref<1x1x128xi32, #tpu.memory_space<vmem>>
    %dma_start3A_73 = tpu.memref_squeeze %dma_start3A_72 : memref<1x1x128xi32, #tpu.memory_space<vmem>> -> memref<128xi32, #tpu.memory_space<vmem>>
    %dma_start3A_74 = arith.constant 0 : i32
    %dma_start3A_75 = arith.constant 0 : i32
    %dma_start3A_76 = tpu.memref_slice %arg3[%dma_start3A_74, %dma_start3A_75] : memref<1000064x32xf32, #tpu.memory_space<hbm>> -> memref<1000064x32xf32, #tpu.memory_space<hbm>>
    tpu.enqueue_indirect_dma source(%dma_start3A_76 : memref<1000064x32xf32, #tpu.memory_space<hbm>>) target(%dma_start3A_70 : memref<128x32xf32, #tpu.memory_space<vmem>>) offsets(%dma_start3A_73 : memref<128xi32, #tpu.memory_space<vmem>>) semaphore(%arg9 : memref<!tpu.dma_semaphore, #tpu.memory_space<semaphore_mem>>)
    %dma_start3A_77 = arith.constant 0 : i32
    %dma_start3A_78 = arith.constant 2 : i32
    %dma_start3A_79 = arith.constant 2 : i32
    %dma_start3A_80 = arith.constant 0 : i32
    %dma_start3A_81 = arith.constant 0 : i32
    %dma_start3A_82 = tpu.memref_slice %arg6[%dma_start3A_79, %dma_start3A_80, %dma_start3A_81] : memref<4x128x32xf32, #tpu.memory_space<vmem>> -> memref<1x128x32xf32, #tpu.memory_space<vmem>>
    %dma_start3A_83 = tpu.memref_squeeze %dma_start3A_82 : memref<1x128x32xf32, #tpu.memory_space<vmem>> -> memref<128x32xf32, #tpu.memory_space<vmem>>
    %dma_start3A_84 = arith.constant 0 : i32
    %dma_start3A_85 = tpu.memref_slice %arg5[%dma_start3A_77, %dma_start3A_78, %dma_start3A_84] : memref<4x50x128xi32, #tpu.memory_space<vmem>> -> memref<1x1x128xi32, #tpu.memory_space<vmem>>
    %dma_start3A_86 = tpu.memref_squeeze %dma_start3A_85 : memref<1x1x128xi32, #tpu.memory_space<vmem>> -> memref<128xi32, #tpu.memory_space<vmem>>
    %dma_start3A_87 = arith.constant 0 : i32
    %dma_start3A_88 = arith.constant 0 : i32
    %dma_start3A_89 = tpu.memref_slice %arg3[%dma_start3A_87, %dma_start3A_88] : memref<1000064x32xf32, #tpu.memory_space<hbm>> -> memref<1000064x32xf32, #tpu.memory_space<hbm>>
    tpu.enqueue_indirect_dma source(%dma_start3A_89 : memref<1000064x32xf32, #tpu.memory_space<hbm>>) target(%dma_start3A_83 : memref<128x32xf32, #tpu.memory_space<vmem>>) offsets(%dma_start3A_86 : memref<128xi32, #tpu.memory_space<vmem>>) semaphore(%arg9 : memref<!tpu.dma_semaphore, #tpu.memory_space<semaphore_mem>>)
    %scan3A = arith.constant 0 : i32
    %scan3A_90 = arith.constant 200 : i32
    %scan3A_91 = arith.addi %scan3A, %scan3A_90 : i32
    %scan3A_92 = arith.constant 1 : i32
    scf.for %scan3A_117 = %scan3A to %scan3A_91 step %scan3A_92  : i32 {
      %mul3A_118 = arith.constant 1 : i32
      %mul3A_119 = arith.muli %scan3A_117, %mul3A_118 : i32
      %add3A_120 = arith.constant 0 : i32
      %add3A_121 = arith.addi %add3A_120, %mul3A_119 : i32
      %add3A_122 = arith.constant 4 : i32
      %add3A_123 = arith.addi %add3A_121, %add3A_122 : i32
      %sub3A = arith.constant 1 : i32
      %sub3A_124 = arith.subi %add3A_123, %sub3A : i32
      %lt3A = arith.constant 200 : i32
      %lt3A_125 = arith.cmpi slt, %sub3A_124, %lt3A : i32
      %convert_element_type3A = arith.extui %lt3A_125 : i1 to i32
      %cond3A = arith.constant 0 : i32
      %cond3A_126 = arith.cmpi ne, %convert_element_type3A, %cond3A : i32
      scf.if %cond3A_126 {
        %add3A_243 = arith.constant 4 : i32
        %add3A_244 = arith.addi %add3A_121, %add3A_243 : i32
        %sub3A_245 = arith.constant 1 : i32
        %sub3A_246 = arith.subi %add3A_244, %sub3A_245 : i32
        %jit3A_247 = arith.constant 50 : i32
        %eq3A_248 = arith.constant 0 : i32
        %eq3A_249 = arith.cmpi eq, %jit3A_247, %eq3A_248 : i32
        %jit3A_250 = arith.constant 1 : i32
        %select_n3A_251 = arith.select %eq3A_249, %jit3A_250, %jit3A_247 : i32
        %rem3A_252 = arith.remsi %sub3A_246, %select_n3A_251 : i32
        %ne3A_253 = arith.constant 0 : i32
        %ne3A_254 = arith.cmpi ne, %rem3A_252, %ne3A_253 : i32
        %lt3A_255 = arith.constant 0 : i32
        %lt3A_256 = arith.cmpi slt, %rem3A_252, %lt3A_255 : i32
        %lt3A_257 = arith.constant 0 : i32
        %lt3A_258 = arith.cmpi slt, %select_n3A_251, %lt3A_257 : i32
        %ne3A_259 = arith.xori %lt3A_256, %lt3A_258 : i1
        %and3A_260 = arith.andi %ne3A_259, %ne3A_254 : i1
        %add3A_261 = arith.addi %rem3A_252, %select_n3A_251 : i32
        %select_n3A_262 = arith.select %and3A_260, %add3A_261, %rem3A_252 : i32
        %jit3A_263 = arith.constant 50 : i32
        %div3A_264 = arith.divsi %sub3A_246, %jit3A_263 : i32
        %sign3A_265 = arith.constant 0 : i32
        %sign3A_266 = arith.cmpi sgt, %sub3A_246, %sign3A_265 : i32
        %sign3A_267 = arith.extui %sign3A_266 : i1 to i32
        %sign3A_268 = arith.constant 0 : i32
        %sign3A_269 = arith.cmpi slt, %sub3A_246, %sign3A_268 : i32
        %sign3A_270 = arith.extui %sign3A_269 : i1 to i32
        %sign3A_271 = arith.subi %sign3A_267, %sign3A_270 : i32
        %sign3A_272 = arith.constant 0 : i32
        %sign3A_273 = arith.cmpi sgt, %jit3A_263, %sign3A_272 : i32
        %sign3A_274 = arith.extui %sign3A_273 : i1 to i32
        %sign3A_275 = arith.constant 0 : i32
        %sign3A_276 = arith.cmpi slt, %jit3A_263, %sign3A_275 : i32
        %sign3A_277 = arith.extui %sign3A_276 : i1 to i32
        %sign3A_278 = arith.subi %sign3A_274, %sign3A_277 : i32
        %ne3A_279 = arith.cmpi ne, %sign3A_271, %sign3A_278 : i32
        %rem3A_280 = arith.remsi %sub3A_246, %jit3A_263 : i32
        %ne3A_281 = arith.constant 0 : i32
        %ne3A_282 = arith.cmpi ne, %rem3A_280, %ne3A_281 : i32
        %and3A_283 = arith.andi %ne3A_279, %ne3A_282 : i1
        %sub3A_284 = arith.constant 1 : i32
        %sub3A_285 = arith.subi %div3A_264, %sub3A_284 : i32
        %select_n3A_286 = arith.select %and3A_283, %sub3A_285, %div3A_264 : i32
        %jit3A_287 = arith.constant 4 : i32
        %eq3A_288 = arith.constant 0 : i32
        %eq3A_289 = arith.cmpi eq, %jit3A_287, %eq3A_288 : i32
        %jit3A_290 = arith.constant 1 : i32
        %select_n3A_291 = arith.select %eq3A_289, %jit3A_290, %jit3A_287 : i32
        %rem3A_292 = arith.remsi %sub3A_246, %select_n3A_291 : i32
        %ne3A_293 = arith.constant 0 : i32
        %ne3A_294 = arith.cmpi ne, %rem3A_292, %ne3A_293 : i32
        %lt3A_295 = arith.constant 0 : i32
        %lt3A_296 = arith.cmpi slt, %rem3A_292, %lt3A_295 : i32
        %lt3A_297 = arith.constant 0 : i32
        %lt3A_298 = arith.cmpi slt, %select_n3A_291, %lt3A_297 : i32
        %ne3A_299 = arith.xori %lt3A_296, %lt3A_298 : i1
        %and3A_300 = arith.andi %ne3A_299, %ne3A_294 : i1
        %add3A_301 = arith.addi %rem3A_292, %select_n3A_291 : i32
        %select_n3A_302 = arith.select %and3A_300, %add3A_301, %rem3A_292 : i32
        %dma_start3A_303 = arith.constant 0 : i32
        %dma_start3A_304 = arith.constant 0 : i32
        %dma_start3A_305 = tpu.memref_slice %arg6[%select_n3A_302, %dma_start3A_303, %dma_start3A_304] : memref<4x128x32xf32, #tpu.memory_space<vmem>> -> memref<1x128x32xf32, #tpu.memory_space<vmem>>
        %dma_start3A_306 = tpu.memref_squeeze %dma_start3A_305 : memref<1x128x32xf32, #tpu.memory_space<vmem>> -> memref<128x32xf32, #tpu.memory_space<vmem>>
        %dma_start3A_307 = arith.constant 0 : i32
        %dma_start3A_308 = tpu.memref_slice %arg5[%select_n3A_286, %select_n3A_262, %dma_start3A_307] : memref<4x50x128xi32, #tpu.memory_space<vmem>> -> memref<1x1x128xi32, #tpu.memory_space<vmem>>
        %dma_start3A_309 = tpu.memref_squeeze %dma_start3A_308 : memref<1x1x128xi32, #tpu.memory_space<vmem>> -> memref<128xi32, #tpu.memory_space<vmem>>
        %dma_start3A_310 = arith.constant 0 : i32
        %dma_start3A_311 = arith.constant 0 : i32
        %dma_start3A_312 = tpu.memref_slice %arg3[%dma_start3A_310, %dma_start3A_311] : memref<1000064x32xf32, #tpu.memory_space<hbm>> -> memref<1000064x32xf32, #tpu.memory_space<hbm>>
        tpu.enqueue_indirect_dma source(%dma_start3A_312 : memref<1000064x32xf32, #tpu.memory_space<hbm>>) target(%dma_start3A_306 : memref<128x32xf32, #tpu.memory_space<vmem>>) offsets(%dma_start3A_309 : memref<128xi32, #tpu.memory_space<vmem>>) semaphore(%arg9 : memref<!tpu.dma_semaphore, #tpu.memory_space<semaphore_mem>>)
      } else {
      }
      %jit3A = arith.constant 50 : i32
      %eq3A = arith.constant 0 : i32
      %eq3A_127 = arith.cmpi eq, %jit3A, %eq3A : i32
      %jit3A_128 = arith.constant 1 : i32
      %select_n3A = arith.select %eq3A_127, %jit3A_128, %jit3A : i32
      %rem3A = arith.remsi %add3A_121, %select_n3A : i32
      %ne3A = arith.constant 0 : i32
      %ne3A_129 = arith.cmpi ne, %rem3A, %ne3A : i32
      %lt3A_130 = arith.constant 0 : i32
      %lt3A_131 = arith.cmpi slt, %rem3A, %lt3A_130 : i32
      %lt3A_132 = arith.constant 0 : i32
      %lt3A_133 = arith.cmpi slt, %select_n3A, %lt3A_132 : i32
      %ne3A_134 = arith.xori %lt3A_131, %lt3A_133 : i1
      %and3A = arith.andi %ne3A_134, %ne3A_129 : i1
      %add3A_135 = arith.addi %rem3A, %select_n3A : i32
      %select_n3A_136 = arith.select %and3A, %add3A_135, %rem3A : i32
      %jit3A_137 = arith.constant 50 : i32
      %div3A = arith.divsi %add3A_121, %jit3A_137 : i32
      %sign3A = arith.constant 0 : i32
      %sign3A_138 = arith.cmpi sgt, %add3A_121, %sign3A : i32
      %sign3A_139 = arith.extui %sign3A_138 : i1 to i32
      %sign3A_140 = arith.constant 0 : i32
      %sign3A_141 = arith.cmpi slt, %add3A_121, %sign3A_140 : i32
      %sign3A_142 = arith.extui %sign3A_141 : i1 to i32
      %sign3A_143 = arith.subi %sign3A_139, %sign3A_142 : i32
      %sign3A_144 = arith.constant 0 : i32
      %sign3A_145 = arith.cmpi sgt, %jit3A_137, %sign3A_144 : i32
      %sign3A_146 = arith.extui %sign3A_145 : i1 to i32
      %sign3A_147 = arith.constant 0 : i32
      %sign3A_148 = arith.cmpi slt, %jit3A_137, %sign3A_147 : i32
      %sign3A_149 = arith.extui %sign3A_148 : i1 to i32
      %sign3A_150 = arith.subi %sign3A_146, %sign3A_149 : i32
      %ne3A_151 = arith.cmpi ne, %sign3A_143, %sign3A_150 : i32
      %rem3A_152 = arith.remsi %add3A_121, %jit3A_137 : i32
      %ne3A_153 = arith.constant 0 : i32
      %ne3A_154 = arith.cmpi ne, %rem3A_152, %ne3A_153 : i32
      %and3A_155 = arith.andi %ne3A_151, %ne3A_154 : i1
      %sub3A_156 = arith.constant 1 : i32
      %sub3A_157 = arith.subi %div3A, %sub3A_156 : i32
      %select_n3A_158 = arith.select %and3A_155, %sub3A_157, %div3A : i32
      %jit3A_159 = arith.constant 4 : i32
      %eq3A_160 = arith.constant 0 : i32
      %eq3A_161 = arith.cmpi eq, %jit3A_159, %eq3A_160 : i32
      %jit3A_162 = arith.constant 1 : i32
      %select_n3A_163 = arith.select %eq3A_161, %jit3A_162, %jit3A_159 : i32
      %rem3A_164 = arith.remsi %add3A_121, %select_n3A_163 : i32
      %ne3A_165 = arith.constant 0 : i32
      %ne3A_166 = arith.cmpi ne, %rem3A_164, %ne3A_165 : i32
      %lt3A_167 = arith.constant 0 : i32
      %lt3A_168 = arith.cmpi slt, %rem3A_164, %lt3A_167 : i32
      %lt3A_169 = arith.constant 0 : i32
      %lt3A_170 = arith.cmpi slt, %select_n3A_163, %lt3A_169 : i32
      %ne3A_171 = arith.xori %lt3A_168, %lt3A_170 : i1
      %and3A_172 = arith.andi %ne3A_171, %ne3A_166 : i1
      %add3A_173 = arith.addi %rem3A_164, %select_n3A_163 : i32
      %select_n3A_174 = arith.select %and3A_172, %add3A_173, %rem3A_164 : i32
      %dma_wait3A_175 = arith.constant 0 : i32
      %dma_wait3A_176 = arith.constant 0 : i32
      %dma_wait3A_177 = tpu.memref_slice %arg6[%select_n3A_174, %dma_wait3A_175, %dma_wait3A_176] : memref<4x128x32xf32, #tpu.memory_space<vmem>> -> memref<1x128x32xf32, #tpu.memory_space<vmem>>
      %dma_wait3A_178 = tpu.memref_squeeze %dma_wait3A_177 : memref<1x128x32xf32, #tpu.memory_space<vmem>> -> memref<128x32xf32, #tpu.memory_space<vmem>>
      %dma_wait3A_179 = arith.constant 0 : i32
      %dma_wait3A_180 = tpu.memref_slice %arg5[%select_n3A_158, %select_n3A_136, %dma_wait3A_179] : memref<4x50x128xi32, #tpu.memory_space<vmem>> -> memref<1x1x128xi32, #tpu.memory_space<vmem>>
      %dma_wait3A_181 = tpu.memref_squeeze %dma_wait3A_180 : memref<1x1x128xi32, #tpu.memory_space<vmem>> -> memref<128xi32, #tpu.memory_space<vmem>>
      %dma_wait3A_182 = arith.constant 0 : i32
      %dma_wait3A_183 = arith.constant 0 : i32
      %dma_wait3A_184 = tpu.memref_slice %arg3[%dma_wait3A_182, %dma_wait3A_183] : memref<1000064x32xf32, #tpu.memory_space<hbm>> -> memref<1000064x32xf32, #tpu.memory_space<hbm>>
      tpu.wait_indirect_dma semaphore(%arg9 : memref<!tpu.dma_semaphore, #tpu.memory_space<semaphore_mem>>) src(%dma_wait3A_184 : memref<1000064x32xf32, #tpu.memory_space<hbm>>) dst(%dma_wait3A_178 : memref<128x32xf32, #tpu.memory_space<vmem>>)
      %jit3A_185 = arith.constant 4 : i32
      %eq3A_186 = arith.constant 0 : i32
      %eq3A_187 = arith.cmpi eq, %jit3A_185, %eq3A_186 : i32
      %jit3A_188 = arith.constant 1 : i32
      %select_n3A_189 = arith.select %eq3A_187, %jit3A_188, %jit3A_185 : i32
      %rem3A_190 = arith.remsi %add3A_121, %select_n3A_189 : i32
      %ne3A_191 = arith.constant 0 : i32
      %ne3A_192 = arith.cmpi ne, %rem3A_190, %ne3A_191 : i32
      %lt3A_193 = arith.constant 0 : i32
      %lt3A_194 = arith.cmpi slt, %rem3A_190, %lt3A_193 : i32
      %lt3A_195 = arith.constant 0 : i32
      %lt3A_196 = arith.cmpi slt, %select_n3A_189, %lt3A_195 : i32
      %ne3A_197 = arith.xori %lt3A_194, %lt3A_196 : i1
      %and3A_198 = arith.andi %ne3A_197, %ne3A_192 : i1
      %add3A_199 = arith.addi %rem3A_190, %select_n3A_189 : i32
      %select_n3A_200 = arith.select %and3A_198, %add3A_199, %rem3A_190 : i32
      %jit3A_201 = arith.constant 2 : i32
      %eq3A_202 = arith.constant 0 : i32
      %eq3A_203 = arith.cmpi eq, %jit3A_201, %eq3A_202 : i32
      %jit3A_204 = arith.constant 1 : i32
      %select_n3A_205 = arith.select %eq3A_203, %jit3A_204, %jit3A_201 : i32
      %rem3A_206 = arith.remsi %add3A_121, %select_n3A_205 : i32
      %ne3A_207 = arith.constant 0 : i32
      %ne3A_208 = arith.cmpi ne, %rem3A_206, %ne3A_207 : i32
      %lt3A_209 = arith.constant 0 : i32
      %lt3A_210 = arith.cmpi slt, %rem3A_206, %lt3A_209 : i32
      %lt3A_211 = arith.constant 0 : i32
      %lt3A_212 = arith.cmpi slt, %select_n3A_205, %lt3A_211 : i32
      %ne3A_213 = arith.xori %lt3A_210, %lt3A_212 : i1
      %and3A_214 = arith.andi %ne3A_213, %ne3A_208 : i1
      %add3A_215 = arith.addi %rem3A_206, %select_n3A_205 : i32
      %select_n3A_216 = arith.select %and3A_214, %add3A_215, %rem3A_206 : i32
      %eq3A_217 = arith.constant 0 : i32
      %eq3A_218 = arith.cmpi eq, %select_n3A_216, %eq3A_217 : i32
      %convert_element_type3A_219 = arith.extui %eq3A_218 : i1 to i32
      %cond3A_220 = arith.constant 0 : i32
      %cond3A_221 = arith.cmpi ne, %convert_element_type3A_219, %cond3A_220 : i32
      scf.if %cond3A_221 {
        %ge3A = arith.constant 2 : i32
        %ge3A_243 = arith.cmpi sge, %add3A_121, %ge3A : i32
        %convert_element_type3A_244 = arith.extui %ge3A_243 : i1 to i32
        %cond3A_245 = arith.constant 0 : i32
        %cond3A_246 = arith.cmpi ne, %convert_element_type3A_244, %cond3A_245 : i32
        scf.if %cond3A_246 {
          %jit3A_302 = arith.constant 50 : i32
          %eq3A_303 = arith.constant 0 : i32
          %eq3A_304 = arith.cmpi eq, %jit3A_302, %eq3A_303 : i32
          %jit3A_305 = arith.constant 1 : i32
          %select_n3A_306 = arith.select %eq3A_304, %jit3A_305, %jit3A_302 : i32
          %rem3A_307 = arith.remsi %add3A_121, %select_n3A_306 : i32
          %ne3A_308 = arith.constant 0 : i32
          %ne3A_309 = arith.cmpi ne, %rem3A_307, %ne3A_308 : i32
          %lt3A_310 = arith.constant 0 : i32
          %lt3A_311 = arith.cmpi slt, %rem3A_307, %lt3A_310 : i32
          %lt3A_312 = arith.constant 0 : i32
          %lt3A_313 = arith.cmpi slt, %select_n3A_306, %lt3A_312 : i32
          %ne3A_314 = arith.xori %lt3A_311, %lt3A_313 : i1
          %and3A_315 = arith.andi %ne3A_314, %ne3A_309 : i1
          %add3A_316 = arith.addi %rem3A_307, %select_n3A_306 : i32
          %select_n3A_317 = arith.select %and3A_315, %add3A_316, %rem3A_307 : i32
          %mul3A_318 = arith.constant 4 : i32
          %mul3A_319 = arith.muli %add3A, %mul3A_318 : i32
          %jit3A_320 = arith.constant 50 : i32
          %div3A_321 = arith.divsi %add3A_121, %jit3A_320 : i32
          %sign3A_322 = arith.constant 0 : i32
          %sign3A_323 = arith.cmpi sgt, %add3A_121, %sign3A_322 : i32
          %sign3A_324 = arith.extui %sign3A_323 : i1 to i32
          %sign3A_325 = arith.constant 0 : i32
          %sign3A_326 = arith.cmpi slt, %add3A_121, %sign3A_325 : i32
          %sign3A_327 = arith.extui %sign3A_326 : i1 to i32
          %sign3A_328 = arith.subi %sign3A_324, %sign3A_327 : i32
          %sign3A_329 = arith.constant 0 : i32
          %sign3A_330 = arith.cmpi sgt, %jit3A_320, %sign3A_329 : i32
          %sign3A_331 = arith.extui %sign3A_330 : i1 to i32
          %sign3A_332 = arith.constant 0 : i32
          %sign3A_333 = arith.cmpi slt, %jit3A_320, %sign3A_332 : i32
          %sign3A_334 = arith.extui %sign3A_333 : i1 to i32
          %sign3A_335 = arith.subi %sign3A_331, %sign3A_334 : i32
          %ne3A_336 = arith.cmpi ne, %sign3A_328, %sign3A_335 : i32
          %rem3A_337 = arith.remsi %add3A_121, %jit3A_320 : i32
          %ne3A_338 = arith.constant 0 : i32
          %ne3A_339 = arith.cmpi ne, %rem3A_337, %ne3A_338 : i32
          %and3A_340 = arith.andi %ne3A_336, %ne3A_339 : i1
          %sub3A_341 = arith.constant 1 : i32
          %sub3A_342 = arith.subi %div3A_321, %sub3A_341 : i32
          %select_n3A_343 = arith.select %and3A_340, %sub3A_342, %div3A_321 : i32
          %add3A_344 = arith.addi %mul3A_319, %select_n3A_343 : i32
          %dma_wait3A_345 = arith.constant 0 : i32
          %dma_wait3A_346 = arith.constant 0 : i32
          %dma_wait3A_347 = arith.constant 0 : i32
          %dma_wait3A_348 = tpu.memref_slice %arg4[%select_n3A_317, %dma_wait3A_345, %add3A_344, %dma_wait3A_346, %dma_wait3A_347] : memref<50x4x128x8x128xf32, #tpu.memory_space<hbm>> -> memref<1x4x1x8x128xf32, #tpu.memory_space<hbm>>
          %dma_wait3A_349 = tpu.memref_squeeze %dma_wait3A_348 : memref<1x4x1x8x128xf32, #tpu.memory_space<hbm>> -> memref<4x8x128xf32, #tpu.memory_space<hbm>>
          %dma_wait3A_350 = arith.constant 0 : i32
          %dma_wait3A_351 = arith.constant 0 : i32
          %dma_wait3A_352 = arith.constant 0 : i32
          %dma_wait3A_353 = tpu.memref_slice %arg4[%select_n3A_317, %dma_wait3A_350, %add3A_344, %dma_wait3A_351, %dma_wait3A_352] : memref<50x4x128x8x128xf32, #tpu.memory_space<hbm>> -> memref<1x4x1x8x128xf32, #tpu.memory_space<hbm>>
          %dma_wait3A_354 = tpu.memref_squeeze %dma_wait3A_353 : memref<1x4x1x8x128xf32, #tpu.memory_space<hbm>> -> memref<4x8x128xf32, #tpu.memory_space<hbm>>
          tpu.wait_dma2 semaphore(%arg10 : memref<!tpu.dma_semaphore, #tpu.memory_space<semaphore_mem>>) src(%arg7 : memref<4x8x128xf32, #tpu.memory_space<vmem>>) dst(%dma_wait3A_354 : memref<4x8x128xf32, #tpu.memory_space<hbm>>)
        } else {
        }
        %parallel_loop3A = arith.constant 0 : i32
        %parallel_loop3A_247 = arith.constant 32 : i32
        %parallel_loop3A_248 = arith.constant 1 : i32
        scf.for %parallel_loop3A_302 = %parallel_loop3A to %parallel_loop3A_247 step %parallel_loop3A_248  : i32 {
          %parallel_loop3A_303 = vector.broadcast %parallel_loop3A_302 : i32 to vector<16xi32>
          %parallel_loop3A_304 = arith.addi %parallel_loop3A_303, %iota3A : vector<16xi32>
          %parallel_loop3A_305 = arith.constant 31 : i32
          %parallel_loop3A_306 = vector.broadcast %parallel_loop3A_305 : i32 to vector<16xi32>
          %parallel_loop3A_307 = arith.andi %parallel_loop3A_304, %parallel_loop3A_306 : vector<16xi32>
          %parallel_loop3A_308 = arith.constant 3 : i32
          %parallel_loop3A_309 = vector.broadcast %parallel_loop3A_308 : i32 to vector<16xi32>
          %parallel_loop3A_310 = arith.shrui %parallel_loop3A_307, %parallel_loop3A_309 : vector<16xi32>
          %parallel_loop3A_311 = arith.constant 7 : i32
          %parallel_loop3A_312 = vector.broadcast %parallel_loop3A_311 : i32 to vector<16xi32>
          %parallel_loop3A_313 = arith.andi %parallel_loop3A_307, %parallel_loop3A_312 : vector<16xi32>
          %parallel_loop3A_314 = arith.constant 0 : i32
          %parallel_loop3A_315 = arith.constant 0 : i32
          %parallel_loop3A_316 = tpu.memref_slice %arg6[%select_n3A_200, %parallel_loop3A_314, %parallel_loop3A_315] : memref<4x128x32xf32, #tpu.memory_space<vmem>> -> memref<1x128x32xf32, #tpu.memory_space<vmem>>
          %parallel_loop3A_317 = tpu.memref_squeeze %parallel_loop3A_316 : memref<1x128x32xf32, #tpu.memory_space<vmem>> -> memref<128x32xf32, #tpu.memory_space<vmem>>
          %parallel_loop3A_318 = tpu.vector_load_idx %parallel_loop3A_317[%add3A_3, %parallel_loop3A_307] : memref<128x32xf32, #tpu.memory_space<vmem>>[vector<16xi32>, vector<16xi32>], vector<16xf32>,
          tpu.vector_store_idx %arg7[%parallel_loop3A_310, %parallel_loop3A_313, %add3A_3], %parallel_loop3A_318 : memref<4x8x128xf32, #tpu.memory_space<vmem>>[vector<16xi32>, vector<16xi32>, vector<16xi32>], vector<16xf32>,
          %parallel_loop3A_319 = arith.constant 0 : i32
          %parallel_loop3A_320 = arith.constant 0 : i32
          %parallel_loop3A_321 = tpu.memref_slice %arg6[%select_n3A_200, %parallel_loop3A_319, %parallel_loop3A_320] : memref<4x128x32xf32, #tpu.memory_space<vmem>> -> memref<1x128x32xf32, #tpu.memory_space<vmem>>
          %parallel_loop3A_322 = tpu.memref_squeeze %parallel_loop3A_321 : memref<1x128x32xf32, #tpu.memory_space<vmem>> -> memref<128x32xf32, #tpu.memory_space<vmem>>
          %parallel_loop3A_323 = tpu.vector_load_idx %parallel_loop3A_322[%add3A_6, %parallel_loop3A_307] : memref<128x32xf32, #tpu.memory_space<vmem>>[vector<16xi32>, vector<16xi32>], vector<16xf32>,
          tpu.vector_store_idx %arg7[%parallel_loop3A_310, %parallel_loop3A_313, %add3A_6], %parallel_loop3A_323 : memref<4x8x128xf32, #tpu.memory_space<vmem>>[vector<16xi32>, vector<16xi32>, vector<16xi32>], vector<16xf32>,
          %parallel_loop3A_324 = arith.constant 0 : i32
          %parallel_loop3A_325 = arith.constant 0 : i32
          %parallel_loop3A_326 = tpu.memref_slice %arg6[%select_n3A_200, %parallel_loop3A_324, %parallel_loop3A_325] : memref<4x128x32xf32, #tpu.memory_space<vmem>> -> memref<1x128x32xf32, #tpu.memory_space<vmem>>
          %parallel_loop3A_327 = tpu.memref_squeeze %parallel_loop3A_326 : memref<1x128x32xf32, #tpu.memory_space<vmem>> -> memref<128x32xf32, #tpu.memory_space<vmem>>
          %parallel_loop3A_328 = tpu.vector_load_idx %parallel_loop3A_327[%add3A_9, %parallel_loop3A_307] : memref<128x32xf32, #tpu.memory_space<vmem>>[vector<16xi32>, vector<16xi32>], vector<16xf32>,
          tpu.vector_store_idx %arg7[%parallel_loop3A_310, %parallel_loop3A_313, %add3A_9], %parallel_loop3A_328 : memref<4x8x128xf32, #tpu.memory_space<vmem>>[vector<16xi32>, vector<16xi32>, vector<16xi32>], vector<16xf32>,
          %parallel_loop3A_329 = arith.constant 0 : i32
          %parallel_loop3A_330 = arith.constant 0 : i32
          %parallel_loop3A_331 = tpu.memref_slice %arg6[%select_n3A_200, %parallel_loop3A_329, %parallel_loop3A_330] : memref<4x128x32xf32, #tpu.memory_space<vmem>> -> memref<1x128x32xf32, #tpu.memory_space<vmem>>
          %parallel_loop3A_332 = tpu.memref_squeeze %parallel_loop3A_331 : memref<1x128x32xf32, #tpu.memory_space<vmem>> -> memref<128x32xf32, #tpu.memory_space<vmem>>
          %parallel_loop3A_333 = tpu.vector_load_idx %parallel_loop3A_332[%add3A_12, %parallel_loop3A_307] : memref<128x32xf32, #tpu.memory_space<vmem>>[vector<16xi32>, vector<16xi32>], vector<16xf32>,
          tpu.vector_store_idx %arg7[%parallel_loop3A_310, %parallel_loop3A_313, %add3A_12], %parallel_loop3A_333 : memref<4x8x128xf32, #tpu.memory_space<vmem>>[vector<16xi32>, vector<16xi32>, vector<16xi32>], vector<16xf32>,
          %parallel_loop3A_334 = arith.constant 0 : i32
          %parallel_loop3A_335 = arith.constant 0 : i32
          %parallel_loop3A_336 = tpu.memref_slice %arg6[%select_n3A_200, %parallel_loop3A_334, %parallel_loop3A_335] : memref<4x128x32xf32, #tpu.memory_space<vmem>> -> memref<1x128x32xf32, #tpu.memory_space<vmem>>
          %parallel_loop3A_337 = tpu.memref_squeeze %parallel_loop3A_336 : memref<1x128x32xf32, #tpu.memory_space<vmem>> -> memref<128x32xf32, #tpu.memory_space<vmem>>
          %parallel_loop3A_338 = tpu.vector_load_idx %parallel_loop3A_337[%add3A_15, %parallel_loop3A_307] : memref<128x32xf32, #tpu.memory_space<vmem>>[vector<16xi32>, vector<16xi32>], vector<16xf32>,
          tpu.vector_store_idx %arg7[%parallel_loop3A_310, %parallel_loop3A_313, %add3A_15], %parallel_loop3A_338 : memref<4x8x128xf32, #tpu.memory_space<vmem>>[vector<16xi32>, vector<16xi32>, vector<16xi32>], vector<16xf32>,
          %parallel_loop3A_339 = arith.constant 0 : i32
          %parallel_loop3A_340 = arith.constant 0 : i32
          %parallel_loop3A_341 = tpu.memref_slice %arg6[%select_n3A_200, %parallel_loop3A_339, %parallel_loop3A_340] : memref<4x128x32xf32, #tpu.memory_space<vmem>> -> memref<1x128x32xf32, #tpu.memory_space<vmem>>
          %parallel_loop3A_342 = tpu.memref_squeeze %parallel_loop3A_341 : memref<1x128x32xf32, #tpu.memory_space<vmem>> -> memref<128x32xf32, #tpu.memory_space<vmem>>
          %parallel_loop3A_343 = tpu.vector_load_idx %parallel_loop3A_342[%add3A_18, %parallel_loop3A_307] : memref<128x32xf32, #tpu.memory_space<vmem>>[vector<16xi32>, vector<16xi32>], vector<16xf32>,
          tpu.vector_store_idx %arg7[%parallel_loop3A_310, %parallel_loop3A_313, %add3A_18], %parallel_loop3A_343 : memref<4x8x128xf32, #tpu.memory_space<vmem>>[vector<16xi32>, vector<16xi32>, vector<16xi32>], vector<16xf32>,
          %parallel_loop3A_344 = arith.constant 0 : i32
          %parallel_loop3A_345 = arith.constant 0 : i32
          %parallel_loop3A_346 = tpu.memref_slice %arg6[%select_n3A_200, %parallel_loop3A_344, %parallel_loop3A_345] : memref<4x128x32xf32, #tpu.memory_space<vmem>> -> memref<1x128x32xf32, #tpu.memory_space<vmem>>
          %parallel_loop3A_347 = tpu.memref_squeeze %parallel_loop3A_346 : memref<1x128x32xf32, #tpu.memory_space<vmem>> -> memref<128x32xf32, #tpu.memory_space<vmem>>
          %parallel_loop3A_348 = tpu.vector_load_idx %parallel_loop3A_347[%add3A_21, %parallel_loop3A_307] : memref<128x32xf32, #tpu.memory_space<vmem>>[vector<16xi32>, vector<16xi32>], vector<16xf32>,
          tpu.vector_store_idx %arg7[%parallel_loop3A_310, %parallel_loop3A_313, %add3A_21], %parallel_loop3A_348 : memref<4x8x128xf32, #tpu.memory_space<vmem>>[vector<16xi32>, vector<16xi32>, vector<16xi32>], vector<16xf32>,
          %parallel_loop3A_349 = arith.constant 0 : i32
          %parallel_loop3A_350 = arith.constant 0 : i32
          %parallel_loop3A_351 = tpu.memref_slice %arg6[%select_n3A_200, %parallel_loop3A_349, %parallel_loop3A_350] : memref<4x128x32xf32, #tpu.memory_space<vmem>> -> memref<1x128x32xf32, #tpu.memory_space<vmem>>
          %parallel_loop3A_352 = tpu.memref_squeeze %parallel_loop3A_351 : memref<1x128x32xf32, #tpu.memory_space<vmem>> -> memref<128x32xf32, #tpu.memory_space<vmem>>
          %parallel_loop3A_353 = tpu.vector_load_idx %parallel_loop3A_352[%add3A_24, %parallel_loop3A_307] : memref<128x32xf32, #tpu.memory_space<vmem>>[vector<16xi32>, vector<16xi32>], vector<16xf32>,
          tpu.vector_store_idx %arg7[%parallel_loop3A_310, %parallel_loop3A_313, %add3A_24], %parallel_loop3A_353 : memref<4x8x128xf32, #tpu.memory_space<vmem>>[vector<16xi32>, vector<16xi32>, vector<16xi32>], vector<16xf32>,
        } {sc.loop_unroll_factor = 4 : i64, sc.parallel_access}
        %jit3A_249 = arith.constant 50 : i32
        %eq3A_250 = arith.constant 0 : i32
        %eq3A_251 = arith.cmpi eq, %jit3A_249, %eq3A_250 : i32
        %jit3A_252 = arith.constant 1 : i32
        %select_n3A_253 = arith.select %eq3A_251, %jit3A_252, %jit3A_249 : i32
        %rem3A_254 = arith.remsi %add3A_121, %select_n3A_253 : i32
        %ne3A_255 = arith.constant 0 : i32
        %ne3A_256 = arith.cmpi ne, %rem3A_254, %ne3A_255 : i32
        %lt3A_257 = arith.constant 0 : i32
        %lt3A_258 = arith.cmpi slt, %rem3A_254, %lt3A_257 : i32
        %lt3A_259 = arith.constant 0 : i32
        %lt3A_260 = arith.cmpi slt, %select_n3A_253, %lt3A_259 : i32
        %ne3A_261 = arith.xori %lt3A_258, %lt3A_260 : i1
        %and3A_262 = arith.andi %ne3A_261, %ne3A_256 : i1
        %add3A_263 = arith.addi %rem3A_254, %select_n3A_253 : i32
        %select_n3A_264 = arith.select %and3A_262, %add3A_263, %rem3A_254 : i32
        %mul3A_265 = arith.constant 4 : i32
        %mul3A_266 = arith.muli %add3A, %mul3A_265 : i32
        %jit3A_267 = arith.constant 50 : i32
        %div3A_268 = arith.divsi %add3A_121, %jit3A_267 : i32
        %sign3A_269 = arith.constant 0 : i32
        %sign3A_270 = arith.cmpi sgt, %add3A_121, %sign3A_269 : i32
        %sign3A_271 = arith.extui %sign3A_270 : i1 to i32
        %sign3A_272 = arith.constant 0 : i32
        %sign3A_273 = arith.cmpi slt, %add3A_121, %sign3A_272 : i32
        %sign3A_274 = arith.extui %sign3A_273 : i1 to i32
        %sign3A_275 = arith.subi %sign3A_271, %sign3A_274 : i32
        %sign3A_276 = arith.constant 0 : i32
        %sign3A_277 = arith.cmpi sgt, %jit3A_267, %sign3A_276 : i32
        %sign3A_278 = arith.extui %sign3A_277 : i1 to i32
        %sign3A_279 = arith.constant 0 : i32
        %sign3A_280 = arith.cmpi slt, %jit3A_267, %sign3A_279 : i32
        %sign3A_281 = arith.extui %sign3A_280 : i1 to i32
        %sign3A_282 = arith.subi %sign3A_278, %sign3A_281 : i32
        %ne3A_283 = arith.cmpi ne, %sign3A_275, %sign3A_282 : i32
        %rem3A_284 = arith.remsi %add3A_121, %jit3A_267 : i32
        %ne3A_285 = arith.constant 0 : i32
        %ne3A_286 = arith.cmpi ne, %rem3A_284, %ne3A_285 : i32
        %and3A_287 = arith.andi %ne3A_283, %ne3A_286 : i1
        %sub3A_288 = arith.constant 1 : i32
        %sub3A_289 = arith.subi %div3A_268, %sub3A_288 : i32
        %select_n3A_290 = arith.select %and3A_287, %sub3A_289, %div3A_268 : i32
        %add3A_291 = arith.addi %mul3A_266, %select_n3A_290 : i32
        %dma_start3A_292 = arith.constant 0 : i32
        %dma_start3A_293 = arith.constant 0 : i32
        %dma_start3A_294 = arith.constant 0 : i32
        %dma_start3A_295 = tpu.memref_slice %arg4[%select_n3A_264, %dma_start3A_292, %add3A_291, %dma_start3A_293, %dma_start3A_294] : memref<50x4x128x8x128xf32, #tpu.memory_space<hbm>> -> memref<1x4x1x8x128xf32, #tpu.memory_space<hbm>>
        %dma_start3A_296 = tpu.memref_squeeze %dma_start3A_295 : memref<1x4x1x8x128xf32, #tpu.memory_space<hbm>> -> memref<4x8x128xf32, #tpu.memory_space<hbm>>
        %dma_start3A_297 = arith.constant 0 : i32
        %dma_start3A_298 = arith.constant 0 : i32
        %dma_start3A_299 = arith.constant 0 : i32
        %dma_start3A_300 = tpu.memref_slice %arg4[%select_n3A_264, %dma_start3A_297, %add3A_291, %dma_start3A_298, %dma_start3A_299] : memref<50x4x128x8x128xf32, #tpu.memory_space<hbm>> -> memref<1x4x1x8x128xf32, #tpu.memory_space<hbm>>
        %dma_start3A_301 = tpu.memref_squeeze %dma_start3A_300 : memref<1x4x1x8x128xf32, #tpu.memory_space<hbm>> -> memref<4x8x128xf32, #tpu.memory_space<hbm>>
        tpu.enqueue_dma source(%arg7 : memref<4x8x128xf32, #tpu.memory_space<vmem>>) target(%dma_start3A_301 : memref<4x8x128xf32, #tpu.memory_space<hbm>>) target_semaphore(%arg10 : memref<!tpu.dma_semaphore, #tpu.memory_space<semaphore_mem>>)
      } else {
      }
      %jit3A_222 = arith.constant 2 : i32
      %eq3A_223 = arith.constant 0 : i32
      %eq3A_224 = arith.cmpi eq, %jit3A_222, %eq3A_223 : i32
      %jit3A_225 = arith.constant 1 : i32
      %select_n3A_226 = arith.select %eq3A_224, %jit3A_225, %jit3A_222 : i32
      %rem3A_227 = arith.remsi %add3A_121, %select_n3A_226 : i32
      %ne3A_228 = arith.constant 0 : i32
      %ne3A_229 = arith.cmpi ne, %rem3A_227, %ne3A_228 : i32
      %lt3A_230 = arith.constant 0 : i32
      %lt3A_231 = arith.cmpi slt, %rem3A_227, %lt3A_230 : i32
      %lt3A_232 = arith.constant 0 : i32
      %lt3A_233 = arith.cmpi slt, %select_n3A_226, %lt3A_232 : i32
      %ne3A_234 = arith.xori %lt3A_231, %lt3A_233 : i1
      %and3A_235 = arith.andi %ne3A_234, %ne3A_229 : i1
      %add3A_236 = arith.addi %rem3A_227, %select_n3A_226 : i32
      %select_n3A_237 = arith.select %and3A_235, %add3A_236, %rem3A_227 : i32
      %eq3A_238 = arith.constant 1 : i32
      %eq3A_239 = arith.cmpi eq, %select_n3A_237, %eq3A_238 : i32
      %convert_element_type3A_240 = arith.extui %eq3A_239 : i1 to i32
      %cond3A_241 = arith.constant 0 : i32
      %cond3A_242 = arith.cmpi ne, %convert_element_type3A_240, %cond3A_241 : i32
      scf.if %cond3A_242 {
        %ge3A = arith.constant 2 : i32
        %ge3A_243 = arith.cmpi sge, %add3A_121, %ge3A : i32
        %convert_element_type3A_244 = arith.extui %ge3A_243 : i1 to i32
        %cond3A_245 = arith.constant 0 : i32
        %cond3A_246 = arith.cmpi ne, %convert_element_type3A_244, %cond3A_245 : i32
        scf.if %cond3A_246 {
          %jit3A_302 = arith.constant 50 : i32
          %eq3A_303 = arith.constant 0 : i32
          %eq3A_304 = arith.cmpi eq, %jit3A_302, %eq3A_303 : i32
          %jit3A_305 = arith.constant 1 : i32
          %select_n3A_306 = arith.select %eq3A_304, %jit3A_305, %jit3A_302 : i32
          %rem3A_307 = arith.remsi %add3A_121, %select_n3A_306 : i32
          %ne3A_308 = arith.constant 0 : i32
          %ne3A_309 = arith.cmpi ne, %rem3A_307, %ne3A_308 : i32
          %lt3A_310 = arith.constant 0 : i32
          %lt3A_311 = arith.cmpi slt, %rem3A_307, %lt3A_310 : i32
          %lt3A_312 = arith.constant 0 : i32
          %lt3A_313 = arith.cmpi slt, %select_n3A_306, %lt3A_312 : i32
          %ne3A_314 = arith.xori %lt3A_311, %lt3A_313 : i1
          %and3A_315 = arith.andi %ne3A_314, %ne3A_309 : i1
          %add3A_316 = arith.addi %rem3A_307, %select_n3A_306 : i32
          %select_n3A_317 = arith.select %and3A_315, %add3A_316, %rem3A_307 : i32
          %mul3A_318 = arith.constant 4 : i32
          %mul3A_319 = arith.muli %add3A, %mul3A_318 : i32
          %jit3A_320 = arith.constant 50 : i32
          %div3A_321 = arith.divsi %add3A_121, %jit3A_320 : i32
          %sign3A_322 = arith.constant 0 : i32
          %sign3A_323 = arith.cmpi sgt, %add3A_121, %sign3A_322 : i32
          %sign3A_324 = arith.extui %sign3A_323 : i1 to i32
          %sign3A_325 = arith.constant 0 : i32
          %sign3A_326 = arith.cmpi slt, %add3A_121, %sign3A_325 : i32
          %sign3A_327 = arith.extui %sign3A_326 : i1 to i32
          %sign3A_328 = arith.subi %sign3A_324, %sign3A_327 : i32
          %sign3A_329 = arith.constant 0 : i32
          %sign3A_330 = arith.cmpi sgt, %jit3A_320, %sign3A_329 : i32
          %sign3A_331 = arith.extui %sign3A_330 : i1 to i32
          %sign3A_332 = arith.constant 0 : i32
          %sign3A_333 = arith.cmpi slt, %jit3A_320, %sign3A_332 : i32
          %sign3A_334 = arith.extui %sign3A_333 : i1 to i32
          %sign3A_335 = arith.subi %sign3A_331, %sign3A_334 : i32
          %ne3A_336 = arith.cmpi ne, %sign3A_328, %sign3A_335 : i32
          %rem3A_337 = arith.remsi %add3A_121, %jit3A_320 : i32
          %ne3A_338 = arith.constant 0 : i32
          %ne3A_339 = arith.cmpi ne, %rem3A_337, %ne3A_338 : i32
          %and3A_340 = arith.andi %ne3A_336, %ne3A_339 : i1
          %sub3A_341 = arith.constant 1 : i32
          %sub3A_342 = arith.subi %div3A_321, %sub3A_341 : i32
          %select_n3A_343 = arith.select %and3A_340, %sub3A_342, %div3A_321 : i32
          %add3A_344 = arith.addi %mul3A_319, %select_n3A_343 : i32
          %dma_wait3A_345 = arith.constant 0 : i32
          %dma_wait3A_346 = arith.constant 0 : i32
          %dma_wait3A_347 = arith.constant 0 : i32
          %dma_wait3A_348 = tpu.memref_slice %arg4[%select_n3A_317, %dma_wait3A_345, %add3A_344, %dma_wait3A_346, %dma_wait3A_347] : memref<50x4x128x8x128xf32, #tpu.memory_space<hbm>> -> memref<1x4x1x8x128xf32, #tpu.memory_space<hbm>>
          %dma_wait3A_349 = tpu.memref_squeeze %dma_wait3A_348 : memref<1x4x1x8x128xf32, #tpu.memory_space<hbm>> -> memref<4x8x128xf32, #tpu.memory_space<hbm>>
          %dma_wait3A_350 = arith.constant 0 : i32
          %dma_wait3A_351 = arith.constant 0 : i32
          %dma_wait3A_352 = arith.constant 0 : i32
          %dma_wait3A_353 = tpu.memref_slice %arg4[%select_n3A_317, %dma_wait3A_350, %add3A_344, %dma_wait3A_351, %dma_wait3A_352] : memref<50x4x128x8x128xf32, #tpu.memory_space<hbm>> -> memref<1x4x1x8x128xf32, #tpu.memory_space<hbm>>
          %dma_wait3A_354 = tpu.memref_squeeze %dma_wait3A_353 : memref<1x4x1x8x128xf32, #tpu.memory_space<hbm>> -> memref<4x8x128xf32, #tpu.memory_space<hbm>>
          tpu.wait_dma2 semaphore(%arg11 : memref<!tpu.dma_semaphore, #tpu.memory_space<semaphore_mem>>) src(%arg8 : memref<4x8x128xf32, #tpu.memory_space<vmem>>) dst(%dma_wait3A_354 : memref<4x8x128xf32, #tpu.memory_space<hbm>>)
        } else {
        }
        %parallel_loop3A = arith.constant 0 : i32
        %parallel_loop3A_247 = arith.constant 32 : i32
        %parallel_loop3A_248 = arith.constant 1 : i32
        scf.for %parallel_loop3A_302 = %parallel_loop3A to %parallel_loop3A_247 step %parallel_loop3A_248  : i32 {
          %parallel_loop3A_303 = vector.broadcast %parallel_loop3A_302 : i32 to vector<16xi32>
          %parallel_loop3A_304 = arith.addi %parallel_loop3A_303, %iota3A : vector<16xi32>
          %parallel_loop3A_305 = arith.constant 31 : i32
          %parallel_loop3A_306 = vector.broadcast %parallel_loop3A_305 : i32 to vector<16xi32>
          %parallel_loop3A_307 = arith.andi %parallel_loop3A_304, %parallel_loop3A_306 : vector<16xi32>
          %parallel_loop3A_308 = arith.constant 3 : i32
          %parallel_loop3A_309 = vector.broadcast %parallel_loop3A_308 : i32 to vector<16xi32>
          %parallel_loop3A_310 = arith.shrui %parallel_loop3A_307, %parallel_loop3A_309 : vector<16xi32>
          %parallel_loop3A_311 = arith.constant 7 : i32
          %parallel_loop3A_312 = vector.broadcast %parallel_loop3A_311 : i32 to vector<16xi32>
          %parallel_loop3A_313 = arith.andi %parallel_loop3A_307, %parallel_loop3A_312 : vector<16xi32>
          %parallel_loop3A_314 = arith.constant 0 : i32
          %parallel_loop3A_315 = arith.constant 0 : i32
          %parallel_loop3A_316 = tpu.memref_slice %arg6[%select_n3A_200, %parallel_loop3A_314, %parallel_loop3A_315] : memref<4x128x32xf32, #tpu.memory_space<vmem>> -> memref<1x128x32xf32, #tpu.memory_space<vmem>>
          %parallel_loop3A_317 = tpu.memref_squeeze %parallel_loop3A_316 : memref<1x128x32xf32, #tpu.memory_space<vmem>> -> memref<128x32xf32, #tpu.memory_space<vmem>>
          %parallel_loop3A_318 = tpu.vector_load_idx %parallel_loop3A_317[%add3A_3, %parallel_loop3A_307] : memref<128x32xf32, #tpu.memory_space<vmem>>[vector<16xi32>, vector<16xi32>], vector<16xf32>,
          tpu.vector_store_idx %arg8[%parallel_loop3A_310, %parallel_loop3A_313, %add3A_3], %parallel_loop3A_318 : memref<4x8x128xf32, #tpu.memory_space<vmem>>[vector<16xi32>, vector<16xi32>, vector<16xi32>], vector<16xf32>,
          %parallel_loop3A_319 = arith.constant 0 : i32
          %parallel_loop3A_320 = arith.constant 0 : i32
          %parallel_loop3A_321 = tpu.memref_slice %arg6[%select_n3A_200, %parallel_loop3A_319, %parallel_loop3A_320] : memref<4x128x32xf32, #tpu.memory_space<vmem>> -> memref<1x128x32xf32, #tpu.memory_space<vmem>>
          %parallel_loop3A_322 = tpu.memref_squeeze %parallel_loop3A_321 : memref<1x128x32xf32, #tpu.memory_space<vmem>> -> memref<128x32xf32, #tpu.memory_space<vmem>>
          %parallel_loop3A_323 = tpu.vector_load_idx %parallel_loop3A_322[%add3A_6, %parallel_loop3A_307] : memref<128x32xf32, #tpu.memory_space<vmem>>[vector<16xi32>, vector<16xi32>], vector<16xf32>,
          tpu.vector_store_idx %arg8[%parallel_loop3A_310, %parallel_loop3A_313, %add3A_6], %parallel_loop3A_323 : memref<4x8x128xf32, #tpu.memory_space<vmem>>[vector<16xi32>, vector<16xi32>, vector<16xi32>], vector<16xf32>,
          %parallel_loop3A_324 = arith.constant 0 : i32
          %parallel_loop3A_325 = arith.constant 0 : i32
          %parallel_loop3A_326 = tpu.memref_slice %arg6[%select_n3A_200, %parallel_loop3A_324, %parallel_loop3A_325] : memref<4x128x32xf32, #tpu.memory_space<vmem>> -> memref<1x128x32xf32, #tpu.memory_space<vmem>>
          %parallel_loop3A_327 = tpu.memref_squeeze %parallel_loop3A_326 : memref<1x128x32xf32, #tpu.memory_space<vmem>> -> memref<128x32xf32, #tpu.memory_space<vmem>>
          %parallel_loop3A_328 = tpu.vector_load_idx %parallel_loop3A_327[%add3A_9, %parallel_loop3A_307] : memref<128x32xf32, #tpu.memory_space<vmem>>[vector<16xi32>, vector<16xi32>], vector<16xf32>,
          tpu.vector_store_idx %arg8[%parallel_loop3A_310, %parallel_loop3A_313, %add3A_9], %parallel_loop3A_328 : memref<4x8x128xf32, #tpu.memory_space<vmem>>[vector<16xi32>, vector<16xi32>, vector<16xi32>], vector<16xf32>,
          %parallel_loop3A_329 = arith.constant 0 : i32
          %parallel_loop3A_330 = arith.constant 0 : i32
          %parallel_loop3A_331 = tpu.memref_slice %arg6[%select_n3A_200, %parallel_loop3A_329, %parallel_loop3A_330] : memref<4x128x32xf32, #tpu.memory_space<vmem>> -> memref<1x128x32xf32, #tpu.memory_space<vmem>>
          %parallel_loop3A_332 = tpu.memref_squeeze %parallel_loop3A_331 : memref<1x128x32xf32, #tpu.memory_space<vmem>> -> memref<128x32xf32, #tpu.memory_space<vmem>>
          %parallel_loop3A_333 = tpu.vector_load_idx %parallel_loop3A_332[%add3A_12, %parallel_loop3A_307] : memref<128x32xf32, #tpu.memory_space<vmem>>[vector<16xi32>, vector<16xi32>], vector<16xf32>,
          tpu.vector_store_idx %arg8[%parallel_loop3A_310, %parallel_loop3A_313, %add3A_12], %parallel_loop3A_333 : memref<4x8x128xf32, #tpu.memory_space<vmem>>[vector<16xi32>, vector<16xi32>, vector<16xi32>], vector<16xf32>,
          %parallel_loop3A_334 = arith.constant 0 : i32
          %parallel_loop3A_335 = arith.constant 0 : i32
          %parallel_loop3A_336 = tpu.memref_slice %arg6[%select_n3A_200, %parallel_loop3A_334, %parallel_loop3A_335] : memref<4x128x32xf32, #tpu.memory_space<vmem>> -> memref<1x128x32xf32, #tpu.memory_space<vmem>>
          %parallel_loop3A_337 = tpu.memref_squeeze %parallel_loop3A_336 : memref<1x128x32xf32, #tpu.memory_space<vmem>> -> memref<128x32xf32, #tpu.memory_space<vmem>>
          %parallel_loop3A_338 = tpu.vector_load_idx %parallel_loop3A_337[%add3A_15, %parallel_loop3A_307] : memref<128x32xf32, #tpu.memory_space<vmem>>[vector<16xi32>, vector<16xi32>], vector<16xf32>,
          tpu.vector_store_idx %arg8[%parallel_loop3A_310, %parallel_loop3A_313, %add3A_15], %parallel_loop3A_338 : memref<4x8x128xf32, #tpu.memory_space<vmem>>[vector<16xi32>, vector<16xi32>, vector<16xi32>], vector<16xf32>,
          %parallel_loop3A_339 = arith.constant 0 : i32
          %parallel_loop3A_340 = arith.constant 0 : i32
          %parallel_loop3A_341 = tpu.memref_slice %arg6[%select_n3A_200, %parallel_loop3A_339, %parallel_loop3A_340] : memref<4x128x32xf32, #tpu.memory_space<vmem>> -> memref<1x128x32xf32, #tpu.memory_space<vmem>>
          %parallel_loop3A_342 = tpu.memref_squeeze %parallel_loop3A_341 : memref<1x128x32xf32, #tpu.memory_space<vmem>> -> memref<128x32xf32, #tpu.memory_space<vmem>>
          %parallel_loop3A_343 = tpu.vector_load_idx %parallel_loop3A_342[%add3A_18, %parallel_loop3A_307] : memref<128x32xf32, #tpu.memory_space<vmem>>[vector<16xi32>, vector<16xi32>], vector<16xf32>,
          tpu.vector_store_idx %arg8[%parallel_loop3A_310, %parallel_loop3A_313, %add3A_18], %parallel_loop3A_343 : memref<4x8x128xf32, #tpu.memory_space<vmem>>[vector<16xi32>, vector<16xi32>, vector<16xi32>], vector<16xf32>,
          %parallel_loop3A_344 = arith.constant 0 : i32
          %parallel_loop3A_345 = arith.constant 0 : i32
          %parallel_loop3A_346 = tpu.memref_slice %arg6[%select_n3A_200, %parallel_loop3A_344, %parallel_loop3A_345] : memref<4x128x32xf32, #tpu.memory_space<vmem>> -> memref<1x128x32xf32, #tpu.memory_space<vmem>>
          %parallel_loop3A_347 = tpu.memref_squeeze %parallel_loop3A_346 : memref<1x128x32xf32, #tpu.memory_space<vmem>> -> memref<128x32xf32, #tpu.memory_space<vmem>>
          %parallel_loop3A_348 = tpu.vector_load_idx %parallel_loop3A_347[%add3A_21, %parallel_loop3A_307] : memref<128x32xf32, #tpu.memory_space<vmem>>[vector<16xi32>, vector<16xi32>], vector<16xf32>,
          tpu.vector_store_idx %arg8[%parallel_loop3A_310, %parallel_loop3A_313, %add3A_21], %parallel_loop3A_348 : memref<4x8x128xf32, #tpu.memory_space<vmem>>[vector<16xi32>, vector<16xi32>, vector<16xi32>], vector<16xf32>,
          %parallel_loop3A_349 = arith.constant 0 : i32
          %parallel_loop3A_350 = arith.constant 0 : i32
          %parallel_loop3A_351 = tpu.memref_slice %arg6[%select_n3A_200, %parallel_loop3A_349, %parallel_loop3A_350] : memref<4x128x32xf32, #tpu.memory_space<vmem>> -> memref<1x128x32xf32, #tpu.memory_space<vmem>>
          %parallel_loop3A_352 = tpu.memref_squeeze %parallel_loop3A_351 : memref<1x128x32xf32, #tpu.memory_space<vmem>> -> memref<128x32xf32, #tpu.memory_space<vmem>>
          %parallel_loop3A_353 = tpu.vector_load_idx %parallel_loop3A_352[%add3A_24, %parallel_loop3A_307] : memref<128x32xf32, #tpu.memory_space<vmem>>[vector<16xi32>, vector<16xi32>], vector<16xf32>,
          tpu.vector_store_idx %arg8[%parallel_loop3A_310, %parallel_loop3A_313, %add3A_24], %parallel_loop3A_353 : memref<4x8x128xf32, #tpu.memory_space<vmem>>[vector<16xi32>, vector<16xi32>, vector<16xi32>], vector<16xf32>,
        } {sc.loop_unroll_factor = 4 : i64, sc.parallel_access}
        %jit3A_249 = arith.constant 50 : i32
        %eq3A_250 = arith.constant 0 : i32
        %eq3A_251 = arith.cmpi eq, %jit3A_249, %eq3A_250 : i32
        %jit3A_252 = arith.constant 1 : i32
        %select_n3A_253 = arith.select %eq3A_251, %jit3A_252, %jit3A_249 : i32
        %rem3A_254 = arith.remsi %add3A_121, %select_n3A_253 : i32
        %ne3A_255 = arith.constant 0 : i32
        %ne3A_256 = arith.cmpi ne, %rem3A_254, %ne3A_255 : i32
        %lt3A_257 = arith.constant 0 : i32
        %lt3A_258 = arith.cmpi slt, %rem3A_254, %lt3A_257 : i32
        %lt3A_259 = arith.constant 0 : i32
        %lt3A_260 = arith.cmpi slt, %select_n3A_253, %lt3A_259 : i32
        %ne3A_261 = arith.xori %lt3A_258, %lt3A_260 : i1
        %and3A_262 = arith.andi %ne3A_261, %ne3A_256 : i1
        %add3A_263 = arith.addi %rem3A_254, %select_n3A_253 : i32
        %select_n3A_264 = arith.select %and3A_262, %add3A_263, %rem3A_254 : i32
        %mul3A_265 = arith.constant 4 : i32
        %mul3A_266 = arith.muli %add3A, %mul3A_265 : i32
        %jit3A_267 = arith.constant 50 : i32
        %div3A_268 = arith.divsi %add3A_121, %jit3A_267 : i32
        %sign3A_269 = arith.constant 0 : i32
        %sign3A_270 = arith.cmpi sgt, %add3A_121, %sign3A_269 : i32
        %sign3A_271 = arith.extui %sign3A_270 : i1 to i32
        %sign3A_272 = arith.constant 0 : i32
        %sign3A_273 = arith.cmpi slt, %add3A_121, %sign3A_272 : i32
        %sign3A_274 = arith.extui %sign3A_273 : i1 to i32
        %sign3A_275 = arith.subi %sign3A_271, %sign3A_274 : i32
        %sign3A_276 = arith.constant 0 : i32
        %sign3A_277 = arith.cmpi sgt, %jit3A_267, %sign3A_276 : i32
        %sign3A_278 = arith.extui %sign3A_277 : i1 to i32
        %sign3A_279 = arith.constant 0 : i32
        %sign3A_280 = arith.cmpi slt, %jit3A_267, %sign3A_279 : i32
        %sign3A_281 = arith.extui %sign3A_280 : i1 to i32
        %sign3A_282 = arith.subi %sign3A_278, %sign3A_281 : i32
        %ne3A_283 = arith.cmpi ne, %sign3A_275, %sign3A_282 : i32
        %rem3A_284 = arith.remsi %add3A_121, %jit3A_267 : i32
        %ne3A_285 = arith.constant 0 : i32
        %ne3A_286 = arith.cmpi ne, %rem3A_284, %ne3A_285 : i32
        %and3A_287 = arith.andi %ne3A_283, %ne3A_286 : i1
        %sub3A_288 = arith.constant 1 : i32
        %sub3A_289 = arith.subi %div3A_268, %sub3A_288 : i32
        %select_n3A_290 = arith.select %and3A_287, %sub3A_289, %div3A_268 : i32
        %add3A_291 = arith.addi %mul3A_266, %select_n3A_290 : i32
        %dma_start3A_292 = arith.constant 0 : i32
        %dma_start3A_293 = arith.constant 0 : i32
        %dma_start3A_294 = arith.constant 0 : i32
        %dma_start3A_295 = tpu.memref_slice %arg4[%select_n3A_264, %dma_start3A_292, %add3A_291, %dma_start3A_293, %dma_start3A_294] : memref<50x4x128x8x128xf32, #tpu.memory_space<hbm>> -> memref<1x4x1x8x128xf32, #tpu.memory_space<hbm>>
        %dma_start3A_296 = tpu.memref_squeeze %dma_start3A_295 : memref<1x4x1x8x128xf32, #tpu.memory_space<hbm>> -> memref<4x8x128xf32, #tpu.memory_space<hbm>>
        %dma_start3A_297 = arith.constant 0 : i32
        %dma_start3A_298 = arith.constant 0 : i32
        %dma_start3A_299 = arith.constant 0 : i32
        %dma_start3A_300 = tpu.memref_slice %arg4[%select_n3A_264, %dma_start3A_297, %add3A_291, %dma_start3A_298, %dma_start3A_299] : memref<50x4x128x8x128xf32, #tpu.memory_space<hbm>> -> memref<1x4x1x8x128xf32, #tpu.memory_space<hbm>>
        %dma_start3A_301 = tpu.memref_squeeze %dma_start3A_300 : memref<1x4x1x8x128xf32, #tpu.memory_space<hbm>> -> memref<4x8x128xf32, #tpu.memory_space<hbm>>
        tpu.enqueue_dma source(%arg8 : memref<4x8x128xf32, #tpu.memory_space<vmem>>) target(%dma_start3A_301 : memref<4x8x128xf32, #tpu.memory_space<hbm>>) target_semaphore(%arg11 : memref<!tpu.dma_semaphore, #tpu.memory_space<semaphore_mem>>)
      } else {
      }
    }
    %scan3A_93 = arith.constant 200 : i32
    %dma_wait3A = arith.constant 0 : i32
    %dma_wait3A_94 = arith.constant 0 : i32
    %dma_wait3A_95 = arith.constant 0 : i32
    %dma_wait3A_96 = arith.constant 0 : i32
    %dma_wait3A_97 = arith.constant 0 : i32
    %dma_wait3A_98 = tpu.memref_slice %arg4[%dma_wait3A, %dma_wait3A_95, %dma_wait3A_94, %dma_wait3A_96, %dma_wait3A_97] : memref<50x4x128x8x128xf32, #tpu.memory_space<hbm>> -> memref<1x4x1x8x128xf32, #tpu.memory_space<hbm>>
    %dma_wait3A_99 = tpu.memref_squeeze %dma_wait3A_98 : memref<1x4x1x8x128xf32, #tpu.memory_space<hbm>> -> memref<4x8x128xf32, #tpu.memory_space<hbm>>
    %dma_wait3A_100 = arith.constant 0 : i32
    %dma_wait3A_101 = arith.constant 0 : i32
    %dma_wait3A_102 = arith.constant 0 : i32
    %dma_wait3A_103 = tpu.memref_slice %arg4[%dma_wait3A, %dma_wait3A_100, %dma_wait3A_94, %dma_wait3A_101, %dma_wait3A_102] : memref<50x4x128x8x128xf32, #tpu.memory_space<hbm>> -> memref<1x4x1x8x128xf32, #tpu.memory_space<hbm>>
    %dma_wait3A_104 = tpu.memref_squeeze %dma_wait3A_103 : memref<1x4x1x8x128xf32, #tpu.memory_space<hbm>> -> memref<4x8x128xf32, #tpu.memory_space<hbm>>
    tpu.wait_dma2 semaphore(%arg10 : memref<!tpu.dma_semaphore, #tpu.memory_space<semaphore_mem>>) src(%arg7 : memref<4x8x128xf32, #tpu.memory_space<vmem>>) dst(%dma_wait3A_104 : memref<4x8x128xf32, #tpu.memory_space<hbm>>)
    %dma_wait3A_105 = arith.constant 0 : i32
    %dma_wait3A_106 = arith.constant 0 : i32
    %dma_wait3A_107 = arith.constant 0 : i32
    %dma_wait3A_108 = arith.constant 0 : i32
    %dma_wait3A_109 = arith.constant 0 : i32
    %dma_wait3A_110 = tpu.memref_slice %arg4[%dma_wait3A_105, %dma_wait3A_107, %dma_wait3A_106, %dma_wait3A_108, %dma_wait3A_109] : memref<50x4x128x8x128xf32, #tpu.memory_space<hbm>> -> memref<1x4x1x8x128xf32, #tpu.memory_space<hbm>>
    %dma_wait3A_111 = tpu.memref_squeeze %dma_wait3A_110 : memref<1x4x1x8x128xf32, #tpu.memory_space<hbm>> -> memref<4x8x128xf32, #tpu.memory_space<hbm>>
    %dma_wait3A_112 = arith.constant 0 : i32
    %dma_wait3A_113 = arith.constant 0 : i32
    %dma_wait3A_114 = arith.constant 0 : i32
    %dma_wait3A_115 = tpu.memref_slice %arg4[%dma_wait3A_105, %dma_wait3A_112, %dma_wait3A_106, %dma_wait3A_113, %dma_wait3A_114] : memref<50x4x128x8x128xf32, #tpu.memory_space<hbm>> -> memref<1x4x1x8x128xf32, #tpu.memory_space<hbm>>
    %dma_wait3A_116 = tpu.memref_squeeze %dma_wait3A_115 : memref<1x4x1x8x128xf32, #tpu.memory_space<hbm>> -> memref<4x8x128xf32, #tpu.memory_space<hbm>>
    tpu.wait_dma2 semaphore(%arg11 : memref<!tpu.dma_semaphore, #tpu.memory_space<semaphore_mem>>) src(%arg8 : memref<4x8x128xf32, #tpu.memory_space<vmem>>) dst(%dma_wait3A_116 : memref<4x8x128xf32, #tpu.memory_space<hbm>>)
    return
  }
}

</mosaic_0001>

<sc_bundles>
// kernel: kernel.4.cloned.1.call-start
scs
__scs_entry_jumppad:
0x0: {  	(pc) =	sbr.rel $0x88, $3  }
0x1: {  	(tag) =	ssettag $0x0;
	lr =	simm.s32 $0x1  }
0x2: {  	[smem:$0x3F9F] =	sst lr;
	_ =	strace $0xD0000000  }
0x3: {  	_ = 	snop  }
0x4: {  	_ = 	snop  }
0x5: {  	_ = 	snop  }
0x6: {  	_ = 	snop  }
0x7: {  	_ = 	snop  }
__scs_overlays_trampoline_lowered:
0x8: {  	[smem:$0x3FAE] =	sst s0  }
0x9: {  	[smem:$0x3FAF] =	sst s1  }
0xa: {  	[smem:$0x3FB0] =	sst s2  }
0xb: {  	[smem:$0x3FB1] =	sst s3  }
0xc: {  	[smem:$0x3FB2] =	sst s4  }
0xd: {  	[smem:$0x3FB3] =	sst s5  }
0xe: {  	[smem:$0x3FB4] =	sst s6  }
0xf: {  	[smem:$0x3FB5] =	sst s7  }
0x10: {  	[smem:$0x3FB6] =	sst s8  }
0x11: {  	[smem:$0x3FB7] =	sst s9;
	s0 =	simm.s32 @!p0 $0x0  }
0x12: {  	s1 =	sld [smem:$0x3F9D];
	s0 =	simm.s32 @p0 $0x1  }
0x13: {  	[smem:$0x3FB8] =	sst s0;
	s0 =	simm.s32 @!p1 $0x0  }
0x14: {  	s2 =	sld [smem:$0x3F9C];
	s0 =	simm.s32 @p1 $0x1  }
0x15: {  	[smem:$0x3FB9] =	sst s0;
	s0 =	simm.s32 @!p2 $0x0  }
0x16: {  	s3 =	sld [smem:$0x3FDB];
	s0 =	simm.s32 @p2 $0x1  }
0x17: {  	s4 =	simm.s32 $0x1BF5;
	[smem:$0x3FBB] =	sst s0  }
0x18: {  	s0 =	sld [smem:$0x3F9E];
	_ =	swait.ge [sflag:s4], $0x0  }
0x19: {  	s7 =	sld [smem:$0x3F9F]  }
0x1a: {  	s8 =	sadd.s32 $0xFFFFE003, lr  }
0x1b: {  	s9 =	sadd.s32 $0xFFFFFEF7, lr;
	s5 =	simm.s32 $0xFFFFFFFF;
	p2 =	slt.u32 s8, $0xFFFFF086  }
0x1c: {  	p1 =	slt.u32 s9, $0xF7A;
	s5 =	simm.s32 @!p2 $0x0  }
0x1d: {  	s5 =	simm.s32 @p1 $0x1;
	p0 =	seq.s32 s7, s2  }
0x1e: {  	s7 =	smul.u32 @!p0 $0xF7A, s2;
	p2 =	seq.s32 @!p0 s5, $0x0  }
0x1f: {  	s9 =	smul.u32 $0xF7A, s1;
	s8 =	simm.s32 @!p0 $0x1BF5;
	p2 =	por !p2, p0  }
0x20: {  	[sflag:s8] =	ssyncset.s32 @!p0 $0xFFFFF086;
	s6 =	sadd.s32 @!p0 s3, s7;
	s7 =	simm.s32 @!p0 $0x108  }
0x21: {  	s3 =	sadd.s32 s3, s9;
	s6 =	sadd.s32 @!p0 $0x88, s6;
	s7 =	simm.s32 @p2 $0x1082  }
0x22: {  	[simem:s7], [sflag:s8] =	dma.local @!p0 [hbm:s6], $0xF7A  }
0x23: {  	s9 =	sor.u32 $0xD0000000, s2;
	s6 =	simm.s32 $0x108;
	_ =	swait.ge @!p0 [sflag:s8], $0x0  }
0x24: {  	s3 =	sadd.s32 $0x88, s3;
	s6 =	simm.s32 @!p1 $0x1082;
	[sflag:s4] =	ssyncset.s32 $0xFFFFF086  }
0x25: {  	[simem:s6], [sflag:s4] =	dma.local [hbm:s3], $0xF7A  }
0x26: {  	[smem:$0x3F9F] =	sst s1;
	(tag) =	ssettag s2;
	_ =	strace s9  }
0x27: {  	s1 =	sld [smem:$0x3FAF]  }
0x28: {  	s2 =	sld [smem:$0x3FB0]  }
0x29: {  	s4 =	sld [smem:$0x3FB2]  }
0x2a: {  	p0 =	seq.s32 s5, $0x0;
	s5 =	sld [smem:$0x3FB3]  }
0x2b: {  	s6 =	sld [smem:$0x3FB4]  }
0x2c: {  	s7 =	sld [smem:$0x3FB5]  }
0x2d: {  	s3 =	simm.s32 $0x108;
	s8 =	sld [smem:$0x3FB6]  }
0x2e: {  	s3 =	simm.s32 @!p0 $0x1082;
	s9 =	sld [smem:$0x3FB7]  }
0x2f: {  	lr =	sadd.s32 s0, s3;
	s0 =	sld [smem:$0x3FAE]  }
0x30: {  	s3 =	sld [smem:$0x3FB1]  }
0x31: {  	[smem:$0x3FBA] =	sst s10  }
0x32: {  	s10 =	sld [smem:$0x3FB8];
	_ =	sdelay $0x3  }
0x33: {  	p0 =	seq.s32 s10, $0x1;
	s10 =	sld [smem:$0x3FBA];
	_ =	sdelay $0x3  }
0x34: {  	[smem:$0x3FBA] =	sst s10  }
0x35: {  	s10 =	sld [smem:$0x3FB9];
	_ =	sdelay $0x3  }
0x36: {  	p1 =	seq.s32 s10, $0x1;
	s10 =	sld [smem:$0x3FBA];
	_ =	sdelay $0x3  }
0x37: {  	[smem:$0x3FBA] =	sst s10  }
0x38: {  	s10 =	sld [smem:$0x3FBB]  }
0x39: {  	_ = 	snop;
	(pc) =	sbr.ind lr, $3  }
0x3a: {  	_ = 	snop  }
0x3b: {  	_ = 	snop  }
0x3c: {  	p2 =	seq.s32 s10, $0x1;
	s10 =	sld [smem:$0x3FBA]  }
0x3d: {  	_ =	shalt  }
0x3e: {  	_ =	shalt  }
0x3f: {  	_ =	shalt  }
0x40: {  	_ =	shalt  }
0x41: {  	_ =	shalt  }
0x42: {  	_ =	shalt  }
0x43: {  	_ =	shalt  }
0x44: {  	_ =	shalt  }
0x45: {  	_ =	shalt  }
0x46: {  	_ =	shalt  }
0x47: {  	_ =	shalt  }
0x48: {  	_ =	shalt  }
0x49: {  	_ =	shalt  }
0x4a: {  	_ =	shalt  }
0x4b: {  	_ =	shalt  }
0x4c: {  	_ =	shalt  }
0x4d: {  	_ =	shalt  }
0x4e: {  	_ =	shalt  }
0x4f: {  	_ =	shalt  }
0x50: {  	_ =	shalt  }
0x51: {  	_ =	shalt  }
0x52: {  	_ =	shalt  }
0x53: {  	_ =	shalt  }
0x54: {  	_ =	shalt  }
0x55: {  	_ =	shalt  }
0x56: {  	_ =	shalt  }
0x57: {  	_ =	shalt  }
0x58: {  	_ =	shalt  }
0x59: {  	_ =	shalt  }
0x5a: {  	_ =	shalt  }
0x5b: {  	_ =	shalt  }
0x5c: {  	_ =	shalt  }
0x5d: {  	_ =	shalt  }
0x5e: {  	_ =	shalt  }
0x5f: {  	_ =	shalt  }
0x60: {  	_ =	shalt  }
0x61: {  	_ =	shalt  }
0x62: {  	_ =	shalt  }
0x63: {  	_ =	shalt  }
0x64: {  	_ =	shalt  }
0x65: {  	_ =	shalt  }
0x66: {  	_ =	shalt  }
0x67: {  	_ =	shalt  }
0x68: {  	_ =	shalt  }
0x69: {  	_ =	shalt  }
0x6a: {  	_ =	shalt  }
0x6b: {  	_ =	shalt  }
0x6c: {  	_ =	shalt  }
0x6d: {  	_ =	shalt  }
0x6e: {  	_ =	shalt  }
0x6f: {  	_ =	shalt  }
0x70: {  	_ =	shalt  }
0x71: {  	_ =	shalt  }
0x72: {  	_ =	shalt  }
0x73: {  	_ =	shalt  }
0x74: {  	_ =	shalt  }
0x75: {  	_ =	shalt  }
0x76: {  	_ =	shalt  }
0x77: {  	_ =	shalt  }
0x78: {  	_ =	shalt  }
0x79: {  	_ =	shalt  }
0x7a: {  	_ =	shalt  }
0x7b: {  	_ =	shalt  }
0x7c: {  	_ =	shalt  }
0x7d: {  	_ =	shalt  }
0x7e: {  	_ =	shalt  }
0x7f: {  	_ =	shalt  }
0x80: {  	_ =	shalt  }
0x81: {  	_ =	shalt  }
0x82: {  	_ =	shalt  }
0x83: {  	_ =	shalt  }
0x84: {  	_ =	shalt  }
0x85: {  	_ =	shalt  }
0x86: {  	_ =	shalt  }
0x87: {  	_ =	shalt  }
.Lfunc_end0:
.L_simem_size_0:
called_computation_lowered:
.L_overlay_start_0:
0x88: {  	s2 =	sld [smem:$0x3FD9]  }
0x89: {  	s3 =	sld [smem:$0x3FFE];
	_ =	sdelay $0x1  }
0x8a: {  	s1 =	srdreg.scid  }
0x8b: {  	s0 =	sand.u32 $0x1, s1  }
0x8c: {  	s17 =	sshll.u32 s0, $0xA;
	s2 =	sadd.s32 s3, s2  }
0x8d: {  	s2 =	sadd.s32 s2, s17  }
0x8e: {  	[smem:$0x3FC6] =	sst s2  }
0x8f: {  	_ = 	snop  }
0x90: {  	s2 =	sld [smem:$0x3FC8];
	(tm) =	ssettm $0x1  }
0x91: {  	s18 =	sld [smem:$0x3FFB];
	_ =	sdelay $0x3  }
0x92: {  	_ =	strace s18  }
0x93: {  	s3 =	sld [smem:$0x3FFC];
	_ =	sdelay $0x3  }
0x94: {  	_ =	strace s3  }
0x95: {  	s3 =	sld [smem:$0x3FFD];
	_ =	sdelay $0x3  }
0x96: {  	_ =	strace s3  }
0x97: {  	_ =	strace $0x8FFFFFFF  }
0x98: {  	s19 =	sld [smem:$0x3FDB];
	_ =	sdelay $0x1  }
0x99: {  	s4 =	simm.s32 $_scs_section_size  }
0x9a: {  	s5 =	simm.s32 $_size__tile_overlayer_lowered;
	s6 =	simm.s32 $_tile_overlayer_lowered  }
0x9b: {  	s22 =	simm.s32 $0x1BFF;
	s21 =	sshll.u32 s6, $0x1;
	s3 =	sadd.s32 s4, s19  }
0x9c: {  	s7 =	simm.s32 $0x0;
	s20 =	sshll.u32 s5, $0x1;
	s5 =	sadd.s32 s21, s3  }
0x9d: {  	[timem:s7], [sflag:s22] =	dma.local [hbm:s5], s20  }
0x9e: {  	_ =	swait.ge [sflag:s22], s20  }
0x9f: {  	s4 =	ssub.s32 $0x0, s20;
	[sflag:s22] =	ssyncset.done $0x0  }
0xa0: {  	[sflag:s22] =	ssyncadd.s32 s4;
	_ =	sdelay $0x1  }
0xa1: {  	s23 =	simm.s32 $0x1B8B  }
0xa2: {  	_ =	swait.ge [sflag:s23], $0x1  }
0xa3: {  	[sflag:s23] =	ssyncset.done $0x0  }
0xa4: {  	s25 =	simm.s32 $0x1B8E;
	s24 =	sld [smem:$0x3FFE];
	[sflag:s23] =	ssyncadd.s32 $0xFFFFFFFF  }
0xa5: {  	s26 =	simm.s32 $execute0_lowered;
	[smem:$0x3FD2] =	sst s25  }
0xa6: {  	s5 =	sshll.u32 s26, $0x1;
	_ =	strace $0x80000046;
	[dreg:$0x1] =	wrdreg $0xFFFFFFFF  }
0xa7: {  	s28 =	simm.s32 $_size_execute0_lowered;
	s3 =	sadd.s32 s3, s5;
	[dreg:$0x0] =	wrdreg $0x0  }
0xa8: {  	s5 =	sshll.u32 s28, $0x1;
	[dreg:$0x2] =	wrdreg s3  }
0xa9: {  	[dreg:$0x3] =	wrdreg s5  }
0xaa: {  	[dreg:$0x4] =	wrdreg $0xC0  }
0xab: {  	_ =	task [dreg:s7], $0x5FFFF  }
0xac: {  	[dreg:$0x1] =	wrdreg $0xFFFFFFFF  }
0xad: {  	[dreg:$0x0] =	wrdreg $0x60  }
0xae: {  	[dreg:$0x2] =	wrdreg s2  }
0xaf: {  	[dreg:$0x3] =	wrdreg s24  }
0xb0: {  	[dreg:$0x4] =	wrdreg $0x9  }
0xb1: {  	_ =	task.clear_ibuf [dreg:s7], $0x5FFFF;
	_ =	strace $0x90000046  }
0xb2: {  	s29 =	simm.s32 $0x9;
	_ =	strace $0x80000048  }
0xb3: {  	_ =	swait.ge [sflag:s29], $0x1  }
0xb4: {  	[sflag:s29] =	ssyncadd.s32 $0xFFFFFFFF  }
0xb5: {  	_ =	strace $0x90000048  }
0xb6: {  	_ =	sfence  }
0xb7: {  	s30 =	sld [smem:$0x0];
	_ =	sdelay $0x2  }
0xb8: {  	s31 =	sshll.u32 s1, $0xD;
	s1 =	sshrl.u32 s1, $0x2  }
0xb9: {  	s3 =	sand.u32 $0x4000, s31;
	s1 =	sadd.s32 s1, s30  }
0xba: {  	s0 =	sor.u32 s3, s0;
	s1 =	sshll.u32 s1, $0x11  }
0xbb: {  	s0 =	sor.u32 s1, s0  }
0xbc: {  	s0 =	sadd.s32 $0x8F2B, s0  }
0xbd: {  	[sflag:s0] =	ssyncadd.remote.s32 $0x1  }
0xbe: {  	_ =	sfence.sel $0xFFFF  }
0xbf: {  	[dreg:$0x0] =	wrdreg $0xFFFFFFFF;
	(pc) =	sbr.abs _section_cstart, $3  }
0xc0: {  	[dreg:$0x1] =	wrdreg $0xFFFFFFFF  }
0xc1: {  	_ =	task.clear_ibuf [dreg:s7], $0x2FFFF;
	_ =	strace $0x9FFFFFFF  }
0xc2: {  	(tm) =	ssettm $0x7FFFFFFF  }
0xc3: {  	_ =	shalt  }
tec
execute0_lowered:
.L_overlay_start_1:
0x0: {  	(tag) =	ssettag $0x1  }
0x1: {  	s1 =	srdreg.scid;
	s2 =	rddreg [dreg:$0x0]  }
0x2: {  	s0 =	stileid.u32;
	s5 =	rddreg [dreg:$0x1]  }
0x3: {  	s3 =	simm.s32 $0x0;
	s11 =	simm.s32 $0x7A1400;
	s12 =	simm.s32 $0x400  }
0x4: {  	s13 =	simm.s32 $0x1000;
	s14 =	simm.s32 $0x2000;
	s15 =	simm.s32 $0x1  }
0x5: {  	s16 =	simm.s32 $0x5000;
	s17 =	simm.s32 $0x4000;
	s18 =	simm.s32 $0x2  }
0x6: {  	s19 =	simm.s32 $0x3;
	s4 =	sand.u32 $0x1, s1;
	s30 =	sshll.u32 s0, $0x1  }
0x7: {  	s20 =	simm.s32 $0x0;
	s1 =	rddreg [dreg:$0x2];
	s6 =	sor.u32 s4, s30  }
0x8: {  	v0 =	vlaneseq.u32;
	[smem:$0x7FF] =	sst s3;
	s5 =	sadd.s32 $0xA00, s5;
	s7 =	smul.u32 $0xF4, s6  }
.Ltmp0:
0x9: {  	v1 =	vmul.u32 $0x20, v0;
	v2 =	vor.u32 $0x10, v0;
	v4 =	vor.u32 $0x20, v0;
	s9 =	ssub.s32 $0x2, s4;
	s8 =	smin.u32 s6, $0x5;
	(pc) =	sbr.rel .LBB2_1-.Ltmp0, $4  }
0xa: {  	v6 =	vor.u32 $0x30, v0;
	v8 =	vor.u32 $0x40, v0;
	v10 =	vor.u32 $0x50, v0;
	_ =	strace $0x80000047;
	s31 =	sshrl.u32 s9, $0x1;
	s4 =	sadd.s32 s8, s7  }
0xb: {  	v12 =	vor.u32 $0x60, v0;
	v14 =	vor.u32 $0x70, v0;
	p0 =	slt.u32 s6, $0x5;
	s6 =	simm.s32 $0xF5;
	v3 =	vor.u32 $0x200, v1;
	s7 =	sshll.u32 s4, $0x7  }
0xc: {  	v5 =	vor.u32 $0x400, v1;
	v7 =	vor.u32 $0x600, v1;
	v9 =	vor.u32 $0x800, v1;
	s10 =	ssub.s32 s9, s31;
	s6 =	simm.s32 @!p0 $0xF4;
	s7 =	sadd.s32 s2, s7  }
0xd: {  	v11 =	vor.u32 $0xA00, v1;
	v13 =	vor.u32 $0xC00, v1;
	v15 =	vor.u32 $0xE00, v1;
	s10 =	smax.u32 s10, $0x1;
	s8 =	sadd.s32 $0x80, s7;
	s9 =	sadd.s32 $0x100, s7  }
.LBB2_11:
0xe: {  	s20 =	sadd.s32 $0x1, s20  }
0xf: {  	_ =	swait.ge [sflag:s18], $0x1000;
	p0 =	sne.s32 s20, s10  }
.Ltmp1:
0x10: {  	[sflag:s18] =	ssyncset.done $0x0;
	(pc) =	sbr.rel @!p0 .LBB2_12-.Ltmp1, $4  }
0x11: {  	[sflag:s18] =	ssyncadd.s32 $0xFFFFF000  }
0x12: {  	_ =	swait.ge [sflag:s19], $0x1000  }
0x13: {  	[sflag:s19] =	ssyncset.done $0x0  }
0x14: {  	[sflag:s19] =	ssyncadd.s32 $0xFFFFF000  }
.LBB2_1:
0x15: {  	[tilespmem:s3], [sflag:$0x1] =	stream.strided.gather [hbm4b:s7+s12], $0x1000, s11, s12, $0x38;
	[tilespmem:$0x6000] =	vst v63  }
.Ltmp2:
0x16: {  	_ = 	snop;
	(pc) =	sbr.rel .LBB2_2-.Ltmp2, $4  }
0x17: {  	_ = 	snop  }
0x18: {  	[tilespmem:s13], [sflag:$0x1] =	stream.strided.gather [hbm4b:s8+s12], $0x1000, s11, s12, $0x38;
	[tilespmem:$0x6000] =	vst v63  }
0x19: {  	s21 =	simm.s32 $0x0  }
0x1a: {  	[tilespmem:s14], [sflag:$0x1] =	stream.strided.gather [hbm4b:s9+s12], $0x1000, s11, s12, $0x38;
	[tilespmem:$0x6000] =	vst v63  }
.LBB2_10:
0x1b: {  	s21 =	sadd.s32 $0x1, s21  }
0x1c: {  	p0 =	sne.s32 s21, $0xF5  }
.Ltmp3:
0x1d: {  	_ = 	snop;
	(pc) =	sbr.rel @!p0 .LBB2_11-.Ltmp3, $1  }
0x1e: {  	_ =	sdelay $0x3  }
.LBB2_2:
0x1f: {  	p0 =	sge.u32 s21, s6  }
.Ltmp4:
0x20: {  	_ = 	snop;
	(pc) =	sbr.rel @p0 .LBB2_10-.Ltmp4, $1  }
0x21: {  	_ =	sdelay $0x3  }
0x22: {  	s22 =	sadd.s32 $0x3, s21  }
0x23: {  	p0 =	sge.u32 s22, s6  }
0x24: {  	s23 =	sadd.s32 @!p0 s4, s22  }
0x25: {  	s23 =	sshll.u32 @!p0 s23, $0x7  }
0x26: {  	s22 =	sshll.u32 @!p0 s22, $0xC;
	s24 =	simm.s32 @!p0 $0x400;
	s23 =	sand.u32 @!p0 $0x1FFFFF80, s23  }
0x27: {  	s25 =	simm.s32 @!p0 $0x7A1400;
	s22 =	sand.u32 @!p0 $0x3000, s22;
	s23 =	sadd.s32 @!p0 s2, s23  }
0x28: {  	[tilespmem:s22], [sflag:$0x1] =	stream.strided.gather @!p0 [hbm4b:s23+s24], $0x1000, s25, s24, $0x38;
	[tilespmem:$0x6000] =	vst v63  }
0x29: {  	s24 =	sand.u32 $0x1, s21  }
0x2a: {  	p0 =	seq.s32 s24, $0x1  }
.Ltmp5:
0x2b: {  	_ = 	snop;
	(pc) =	sbr.rel @p0 .LBB2_7-.Ltmp5, $4  }
0x2c: {  	_ = 	snop  }
0x2d: {  	_ =	swait.ge [sflag:s15], $0x1000  }
0x2e: {  	s31 =	sshll.u32 s21, $0xC;
	[sflag:s15] =	ssyncset.done $0x0  }
0x2f: {  	s22 =	sadd.s32 s4, s21;
	s23 =	sand.u32 $0x3000, s31;
	[sflag:s15] =	ssyncadd.s32 $0xFFFFF000  }
0x30: {  	s25 =	simm.s32 $0x0  }
0x31: {  	v16 =	vadd.s32 s25, v0  }
0x32: {  	s30 =	simm.s32 $0x2;
	v37 =	vand.u32 $0x1F, v16  }
0x33: {  	v16 =	vadd.s32 s30, v0;
	v36 =	vshll.u32 v37, $0x7  }
0x34: {  	p0 =	slt.u32 s21, $0x2;
	s31 =	simm.s32 $0x1;
	v31 =	vand.u32 $0x1F, v16;
	v17 =	vor.u32 v0, v36  }
0x35: {  	s28 =	simm.s32 $0x3;
	s26 =	simm.s32 @!p0 $0x2;
	v16 =	vadd.s32 s31, v0;
	v30 =	vshll.u32 v31, $0x7  }
0x36: {  	v18 =	vadd.s32 s28, v0;
	_ =	swait.ge @!p0 [sflag:s26], $0x1000;
	v34 =	vand.u32 $0x1F, v16;
	v16 =	vor.u32 v0, v30  }
0x37: {  	v32 =	vand.u32 $0x1F, v18;
	[sflag:s26] =	ssyncset.done @!p0 $0x0;
	v35 =	vshll.u32 v34, $0x7  }
0x38: {  	v33 =	vshll.u32 v32, $0x7;
	[sflag:s26] =	ssyncadd.s32 @!p0 $0xFFFFF000;
	v18 =	vor.u32 v0, v35  }
0x39: {  	v20 =	vor.u32 v1, v37;
	v19 =	vor.u32 v0, v33;
	v17 =	vld.idx.msk [tilespmem:v17+s23+$0x0], $0xffff  }
0x3a: {  	v21 =	vor.u32 v2, v36  }
0x3b: {  	v22 =	vor.u32 v1, v31;
	v16 =	vld.idx.msk [tilespmem:v16+s23+$0x0], $0xffff  }
0x3c: {  	v23 =	vor.u32 v2, v30  }
0x3d: {  	v24 =	vor.u32 v1, v34;
	v18 =	vld.idx.msk [tilespmem:v18+s23+$0x0], $0xffff  }
0x3e: {  	v19 =	vld.idx.msk [tilespmem:v19+s23+$0x0], $0xffff;
	[tilespmem:v20+s17+$0x0] =	vst.idx.msk $0xffff, v17;
	v17 =	vor.u32 v1, v32;
	v20 =	vor.u32 v2, v35  }
0x3f: {  	v25 =	vor.u32 v3, v37;
	v26 =	vor.u32 v2, v33;
	v21 =	vld.idx.msk [tilespmem:v21+s23+$0x0], $0xffff  }
0x40: {  	[tilespmem:v22+s17+$0x0] =	vst.idx.msk $0xffff, v16;
	v16 =	vor.u32 v4, v36  }
0x41: {  	v22 =	vld.idx.msk [tilespmem:v23+s23+$0x0], $0xffff;
	v23 =	vor.u32 v3, v31  }
0x42: {  	[tilespmem:v24+s17+$0x0] =	vst.idx.msk $0xffff, v18;
	v18 =	vor.u32 v4, v30  }
0x43: {  	[tilespmem:v17+s17+$0x0] =	vst.idx.msk $0xffff, v19;
	v17 =	vld.idx.msk [tilespmem:v20+s23+$0x0], $0xffff;
	v19 =	vor.u32 v3, v34  }
0x44: {  	v24 =	vor.u32 v3, v32;
	[tilespmem:v25+s17+$0x0] =	vst.idx.msk $0xffff, v21;
	v20 =	vld.idx.msk [tilespmem:v26+s23+$0x0], $0xffff;
	v21 =	vor.u32 v4, v35  }
0x45: {  	v26 =	vor.u32 v5, v37;
	v25 =	vld.idx.msk [tilespmem:v16+s23+$0x0], $0xffff  }
0x46: {  	[tilespmem:v23+s17+$0x0] =	vst.idx.msk $0xffff, v22;
	v22 =	vor.u32 v6, v36  }
0x47: {  	v27 =	vor.u32 v5, v31;
	v23 =	vor.u32 v4, v33;
	v18 =	vld.idx.msk [tilespmem:v18+s23+$0x0], $0xffff  }
0x48: {  	v38 =	vor.u32 v9, v37;
	v58 =	vor.u32 v7, v32;
	[tilespmem:v19+s17+$0x0] =	vst.idx.msk $0xffff, v17  }
0x49: {  	v19 =	vor.u32 v6, v30;
	v21 =	vld.idx.msk [tilespmem:v21+s23+$0x0], $0xffff;
	[tilespmem:v24+s17+$0x0] =	vst.idx.msk $0xffff, v20;
	v20 =	vor.u32 v5, v34  }
0x4a: {  	v50 =	vor.u32 v15, v37;
	v24 =	vor.u32 v6, v35;
	[tilespmem:v26+s17+$0x0] =	vst.idx.msk $0xffff, v25  }
0x4b: {  	v62 =	vor.u32 v11, v37;
	v29 =	vor.u32 v10, v36;
	v26 =	vor.u32 v7, v37;
	v22 =	vld.idx.msk [tilespmem:v22+s23+$0x0], $0xffff  }
0x4c: {  	v25 =	vor.u32 v5, v32;
	v28 =	vld.idx.msk [tilespmem:v23+s23+$0x0], $0xffff;
	[tilespmem:v27+s17+$0x0] =	vst.idx.msk $0xffff, v18;
	v27 =	vor.u32 v8, v36  }
0x4d: {  	s28 =	simm.s32 $0x4;
	v40 =	vor.u32 v7, v31;
	v42 =	vor.u32 v6, v33;
	v46 =	vor.u32 v9, v31  }
0x4e: {  	v48 =	vor.u32 v8, v33;
	v18 =	vadd.s32 s28, v0;
	v19 =	vld.idx.msk [tilespmem:v19+s23+$0x0], $0xffff;
	[tilespmem:v20+s17+$0x0] =	vst.idx.msk $0xffff, v21  }
0x4f: {  	s29 =	simm.s32 $0x5;
	v39 =	vor.u32 v7, v34;
	v18 =	vand.u32 $0x1F, v18;
	v21 =	vor.u32 v8, v30;
	v43 =	vld.idx.msk [tilespmem:v24+s23+$0x0], $0xffff  }
0x50: {  	s31 =	simm.s32 $0x6;
	v41 =	vor.u32 v8, v35;
	v23 =	vshll.u32 v18, $0x7;
	v20 =	vadd.s32 s29, v0;
	[tilespmem:v26+s17+$0x0] =	vst.idx.msk $0xffff, v22  }
0x51: {  	s30 =	simm.s32 $0x7;
	v44 =	vor.u32 v0, v23;
	v20 =	vand.u32 $0x1F, v20;
	[tilespmem:v25+s17+$0x0] =	vst.idx.msk $0xffff, v28;
	v22 =	vadd.s32 s31, v0;
	v28 =	vld.idx.msk [tilespmem:v27+s23+$0x0], $0xffff  }
0x52: {  	v24 =	vadd.s32 s30, v0;
	v26 =	vand.u32 $0x1F, v22;
	v27 =	vshll.u32 v20, $0x7  }
0x53: {  	v25 =	vand.u32 $0x1F, v24;
	v63 =	vld.idx.msk [tilespmem:v42+s23+$0x0], $0xffff;
	[tilespmem:v40+s17+$0x0] =	vst.idx.msk $0xffff, v19;
	v24 =	vshll.u32 v26, $0x7;
	v57 =	vor.u32 v0, v27  }
0x54: {  	v54 =	vor.u32 v12, v36;
	v40 =	vld.idx.msk [tilespmem:v21+s23+$0x0], $0xffff;
	v45 =	vor.u32 v0, v24;
	[tilespmem:v39+s17+$0x0] =	vst.idx.msk $0xffff, v43  }
0x55: {  	v47 =	vor.u32 v9, v34;
	v52 =	vor.u32 v10, v35;
	v22 =	vshll.u32 v25, $0x7;
	v41 =	vld.idx.msk [tilespmem:v41+s23+$0x0], $0xffff  }
0x56: {  	v60 =	vor.u32 v1, v18;
	v49 =	vor.u32 v0, v22;
	v59 =	vld.idx.msk [tilespmem:v44+s23+$0x0], $0xffff;
	[tilespmem:v38+s17+$0x0] =	vst.idx.msk $0xffff, v28  }
0x57: {  	v16 =	vor.u32 v15, v32;
	v17 =	vor.u32 v15, v31;
	v61 =	vor.u32 v2, v23;
	v51 =	vld.idx.msk [tilespmem:v29+s23+$0x0], $0xffff  }
0x58: {  	v37 =	vor.u32 v13, v37;
	v36 =	vor.u32 v14, v36;
	v19 =	vor.u32 v15, v26;
	v42 =	vld.idx.msk [tilespmem:v57+s23+$0x0], $0xffff  }
0x59: {  	v53 =	vor.u32 v1, v26;
	v55 =	vor.u32 v2, v27;
	[tilespmem:v58+s17+$0x0] =	vst.idx.msk $0xffff, v63;
	v45 =	vld.idx.msk [tilespmem:v45+s23+$0x0], $0xffff  }
0x5a: {  	v39 =	vor.u32 v1, v20;
	v63 =	vor.u32 v2, v24;
	[tilespmem:v47+s17+$0x0] =	vst.idx.msk $0xffff, v41;
	v41 =	vld.idx.msk [tilespmem:v48+s23+$0x0], $0xffff  }
0x5b: {  	[tilespmem:v60+s17+$0x0] =	vst.idx.msk $0xffff, v59;
	v47 =	vld.idx.msk [tilespmem:v49+s23+$0x0], $0xffff;
	v48 =	vor.u32 v10, v30;
	v49 =	vor.u32 v9, v32  }
0x5c: {  	v21 =	vor.u32 v15, v25;
	v57 =	vor.u32 v1, v25;
	[tilespmem:v46+s17+$0x0] =	vst.idx.msk $0xffff, v40;
	v40 =	vld.idx.msk [tilespmem:v61+s23+$0x0], $0xffff  }
0x5d: {  	v58 =	vor.u32 v10, v33;
	v60 =	vor.u32 v3, v18;
	v44 =	vld.idx.msk [tilespmem:v52+s23+$0x0], $0xffff;
	[tilespmem:v62+s17+$0x0] =	vst.idx.msk $0xffff, v51  }
0x5e: {  	v59 =	vor.u32 v11, v34;
	v61 =	vor.u32 v2, v22;
	[tilespmem:v53+s17+$0x0] =	vst.idx.msk $0xffff, v45;
	v53 =	vld.idx.msk [tilespmem:v54+s23+$0x0], $0xffff  }
0x5f: {  	v43 =	vor.u32 v12, v35;
	v62 =	vor.u32 v4, v23;
	[tilespmem:v39+s17+$0x0] =	vst.idx.msk $0xffff, v42;
	v39 =	vld.idx.msk [tilespmem:v63+s23+$0x0], $0xffff  }
0x60: {  	v35 =	vor.u32 v14, v35;
	v63 =	vor.u32 v3, v26;
	v48 =	vld.idx.msk [tilespmem:v48+s23+$0x0], $0xffff;
	[tilespmem:v49+s17+$0x0] =	vst.idx.msk $0xffff, v41  }
0x61: {  	v41 =	vor.u32 v4, v24;
	[tilespmem:v57+s17+$0x0] =	vst.idx.msk $0xffff, v47;
	v57 =	vor.u32 v11, v31;
	v49 =	vld.idx.msk [tilespmem:v55+s23+$0x0], $0xffff  }
0x62: {  	v28 =	vor.u32 v15, v34;
	[tilespmem:v60+s17+$0x0] =	vst.idx.msk $0xffff, v40;
	v47 =	vld.idx.msk [tilespmem:v58+s23+$0x0], $0xffff;
	v58 =	vor.u32 v11, v32  }
0x63: {  	v60 =	vor.u32 v12, v30;
	[tilespmem:v59+s17+$0x0] =	vst.idx.msk $0xffff, v44;
	v59 =	vor.u32 v3, v20;
	v45 =	vld.idx.msk [tilespmem:v61+s23+$0x0], $0xffff  }
0x64: {  	v52 =	vor.u32 v4, v27;
	v61 =	vor.u32 v3, v25;
	v51 =	vld.idx.msk [tilespmem:v62+s23+$0x0], $0xffff;
	[tilespmem:v37+s17+$0x0] =	vst.idx.msk $0xffff, v53  }
0x65: {  	v62 =	vor.u32 v5, v18;
	v42 =	vld.idx.msk [tilespmem:v43+s23+$0x0], $0xffff;
	[tilespmem:v63+s17+$0x0] =	vst.idx.msk $0xffff, v39;
	v63 =	vor.u32 v4, v22  }
0x66: {  	v43 =	vor.u32 v6, v23;
	v53 =	vor.u32 v13, v34;
	v41 =	vld.idx.msk [tilespmem:v41+s23+$0x0], $0xffff;
	[tilespmem:v57+s17+$0x0] =	vst.idx.msk $0xffff, v48  }
0x67: {  	v38 =	vor.u32 v5, v26;
	v29 =	vor.u32 v14, v33;
	v57 =	vld.idx.msk [tilespmem:v36+s23+$0x0], $0xffff;
	[tilespmem:v58+s17+$0x0] =	vst.idx.msk $0xffff, v47  }
0x68: {  	[tilespmem:v59+s17+$0x0] =	vst.idx.msk $0xffff, v49;
	v58 =	vor.u32 v6, v24;
	v59 =	vld.idx.msk [tilespmem:v60+s23+$0x0], $0xffff;
	v60 =	vor.u32 v12, v33  }
0x69: {  	[tilespmem:v61+s17+$0x0] =	vst.idx.msk $0xffff, v45;
	v61 =	vor.u32 v13, v31;
	v31 =	vor.u32 v13, v32;
	v52 =	vld.idx.msk [tilespmem:v52+s23+$0x0], $0xffff  }
0x6a: {  	[tilespmem:v62+s17+$0x0] =	vst.idx.msk $0xffff, v51;
	v62 =	vor.u32 v5, v20;
	v32 =	vld.idx.msk [tilespmem:v63+s23+$0x0], $0xffff;
	v63 =	vor.u32 v14, v30  }
0x6b: {  	v46 =	vor.u32 v7, v26;
	v33 =	vld.idx.msk [tilespmem:v43+s23+$0x0], $0xffff;
	[tilespmem:v53+s17+$0x0] =	vst.idx.msk $0xffff, v42;
	v30 =	vor.u32 v6, v27  }
0x6c: {  	v34 =	vor.u32 v5, v25;
	v37 =	vor.u32 v10, v23;
	v39 =	vld.idx.msk [tilespmem:v35+s23+$0x0], $0xffff;
	[tilespmem:v38+s17+$0x0] =	vst.idx.msk $0xffff, v41  }
0x6d: {  	v36 =	vor.u32 v7, v18;
	v45 =	vor.u32 v8, v23;
	[tilespmem:v50+s17+$0x0] =	vst.idx.msk $0xffff, v57;
	v44 =	vld.idx.msk [tilespmem:v58+s23+$0x0], $0xffff  }
0x6e: {  	v47 =	vor.u32 v8, v24;
	v42 =	vor.u32 v7, v20;
	[tilespmem:v61+s17+$0x0] =	vst.idx.msk $0xffff, v59;
	v40 =	vld.idx.msk [tilespmem:v60+s23+$0x0], $0xffff  }
0x6f: {  	s26 =	simm.s32 $0x8;
	v43 =	vor.u32 v8, v27;
	v41 =	vor.u32 v9, v18;
	[tilespmem:v62+s17+$0x0] =	vst.idx.msk $0xffff, v52;
	v38 =	vld.idx.msk [tilespmem:v63+s23+$0x0], $0xffff  }
.LBB2_5:
0x70: {  	v48 =	vadd.s32 s26, v0;
	s28 =	sadd.s32 $0x1, s26;
	v49 =	vld.idx.msk [tilespmem:v30+s23+$0x0], $0xffff;
	v50 =	vor.u32 v6, v22;
	v51 =	vmov v18  }
0x71: {  	s29 =	sadd.s32 $0x3, s26;
	[tilespmem:v34+s17+$0x0] =	vst.idx.msk $0xffff, v32;
	v52 =	vmovc v23;
	v35 =	vmovc v20;
	v30 =	vmov v26;
	v32 =	vmov v25;
	v34 =	vmov v27;
	s30 =	smov.u32 s26;
	s25 =	sadd.s32 $0x4, s26  }
0x72: {  	p0 =	slt.u32 s26, $0x1C;
	v18 =	vand.u32 $0x1F, v48;
	v20 =	vadd.s32 s28, v0;
	s28 =	sadd.s32 $0x2, s30;
	v25 =	vadd.s32 s29, v0;
	[tilespmem:v36+s17+$0x0] =	vst.idx.msk $0xffff, v33;
	v33 =	vmovc v24;
	v36 =	vmovc v22  }
0x73: {  	v23 =	vshll.u32 v18, $0x7;
	v20 =	vand.u32 $0x1F, v20;
	v22 =	vadd.s32 s28, v0;
	v45 =	vld.idx.msk [tilespmem:v45+s23+$0x0], $0xffff;
	[tilespmem:v28+s17+$0x0] =	vst.idx.msk $0xffff, v39;
	v39 =	vmovc v16  }
0x74: {  	v25 =	vand.u32 $0x1F, v25;
	v16 =	vmovc v21;
	v28 =	vor.u32 v0, v23;
	v26 =	vand.u32 $0x1F, v22;
	[tilespmem:v46+s17+$0x0] =	vst.idx.msk $0xffff, v44  }
0x75: {  	v27 =	vshll.u32 v20, $0x7;
	v22 =	vshll.u32 v25, $0x7;
	v24 =	vshll.u32 v26, $0x7;
	v44 =	vld.idx.msk [tilespmem:v47+s23+$0x0], $0xffff;
	[tilespmem:v31+s17+$0x0] =	vst.idx.msk $0xffff, v40  }
0x76: {  	v40 =	vor.u32 v9, v30;
	v31 =	vor.u32 v0, v24;
	[tilespmem:v17+s17+$0x0] =	vst.idx.msk $0xffff, v38;
	v29 =	vld.idx.msk [tilespmem:v29+s23+$0x0], $0xffff  }
0x77: {  	v21 =	vor.u32 v15, v25;
	v38 =	vor.u32 v15, v26;
	[tilespmem:v42+s17+$0x0] =	vst.idx.msk $0xffff, v49;
	v42 =	vld.idx.msk [tilespmem:v50+s23+$0x0], $0xffff  }
0x78: {  	v48 =	vor.u32 v7, v32;
	v46 =	vor.u32 v0, v27;
	v47 =	vor.u32 v9, v35;
	v43 =	vld.idx.msk [tilespmem:v43+s23+$0x0], $0xffff  }
0x79: {  	v17 =	vmov v19;
	v49 =	vor.u32 v0, v22;
	[tilespmem:v41+s17+$0x0] =	vst.idx.msk $0xffff, v45;
	v41 =	vor.u32 v8, v36  }
0x7a: {  	v50 =	vor.u32 v15, v51;
	v19 =	vmov v38;
	v45 =	vld.idx.msk [tilespmem:v28+s23+$0x0], $0xffff;
	v28 =	vor.u32 v15, v35  }
0x7b: {  	v53 =	vor.u32 v10, v34;
	v38 =	vor.u32 v1, v18;
	v37 =	vld.idx.msk [tilespmem:v37+s23+$0x0], $0xffff;
	[tilespmem:v40+s17+$0x0] =	vst.idx.msk $0xffff, v44  }
0x7c: {  	v40 =	vor.u32 v2, v23;
	v44 =	vor.u32 v11, v51;
	v31 =	vld.idx.msk [tilespmem:v31+s23+$0x0], $0xffff;
	[tilespmem:v39+s17+$0x0] =	vst.idx.msk $0xffff, v29  }
0x7d: {  	v54 =	vor.u32 v12, v52;
	v39 =	vld.idx.msk [tilespmem:v46+s23+$0x0], $0xffff;
	v46 =	vor.u32 v1, v26;
	[tilespmem:v48+s17+$0x0] =	vst.idx.msk $0xffff, v42  }
0x7e: {  	v42 =	vor.u32 v1, v20;
	v48 =	vor.u32 v2, v24;
	[tilespmem:v47+s17+$0x0] =	vst.idx.msk $0xffff, v43;
	v41 =	vld.idx.msk [tilespmem:v41+s23+$0x0], $0xffff  }
0x7f: {  	v29 =	vor.u32 v14, v36;
	v47 =	vor.u32 v10, v33;
	v43 =	vld.idx.msk [tilespmem:v49+s23+$0x0], $0xffff;
	v49 =	vor.u32 v9, v32  }
0x80: {  	[tilespmem:v38+s17+$0x0] =	vst.idx.msk $0xffff, v45;
	v38 =	vor.u32 v1, v25;
	v45 =	vld.idx.msk [tilespmem:v53+s23+$0x0], $0xffff;
	v53 =	vor.u32 v10, v36  }
0x81: {  	v55 =	vor.u32 v2, v27;
	v40 =	vld.idx.msk [tilespmem:v40+s23+$0x0], $0xffff;
	[tilespmem:v44+s17+$0x0] =	vst.idx.msk $0xffff, v37;
	v37 =	vor.u32 v11, v35  }
0x82: {  	v44 =	vor.u32 v3, v18;
	[tilespmem:v46+s17+$0x0] =	vst.idx.msk $0xffff, v31;
	v31 =	vor.u32 v2, v22;
	v46 =	vld.idx.msk [tilespmem:v54+s23+$0x0], $0xffff  }
0x83: {  	v54 =	vor.u32 v4, v23;
	[tilespmem:v42+s17+$0x0] =	vst.idx.msk $0xffff, v39;
	v39 =	vld.idx.msk [tilespmem:v48+s23+$0x0], $0xffff;
	v42 =	vor.u32 v13, v51  }
0x84: {  	v48 =	vor.u32 v3, v26;
	v51 =	vor.u32 v12, v34;
	v47 =	vld.idx.msk [tilespmem:v47+s23+$0x0], $0xffff;
	[tilespmem:v49+s17+$0x0] =	vst.idx.msk $0xffff, v41  }
0x85: {  	v41 =	vor.u32 v4, v24;
	[tilespmem:v38+s17+$0x0] =	vst.idx.msk $0xffff, v43;
	v38 =	vor.u32 v11, v30;
	v43 =	vld.idx.msk [tilespmem:v53+s23+$0x0], $0xffff  }
0x86: {  	v52 =	vor.u32 v14, v52;
	v49 =	vld.idx.msk [tilespmem:v55+s23+$0x0], $0xffff;
	[tilespmem:v37+s17+$0x0] =	vst.idx.msk $0xffff, v45;
	v37 =	vor.u32 v11, v32  }
0x87: {  	[tilespmem:v44+s17+$0x0] =	vst.idx.msk $0xffff, v40;
	v40 =	vor.u32 v3, v20;
	v31 =	vld.idx.msk [tilespmem:v31+s23+$0x0], $0xffff;
	v44 =	vor.u32 v12, v33  }
0x88: {  	v53 =	vor.u32 v4, v27;
	v45 =	vld.idx.msk [tilespmem:v54+s23+$0x0], $0xffff;
	v54 =	vor.u32 v3, v25;
	[tilespmem:v42+s17+$0x0] =	vst.idx.msk $0xffff, v46  }
0x89: {  	v42 =	vor.u32 v5, v18;
	[tilespmem:v48+s17+$0x0] =	vst.idx.msk $0xffff, v39;
	v39 =	vor.u32 v4, v22;
	v46 =	vld.idx.msk [tilespmem:v51+s23+$0x0], $0xffff  }
0x8a: {  	v35 =	vor.u32 v13, v35;
	v48 =	vor.u32 v6, v23;
	v41 =	vld.idx.msk [tilespmem:v41+s23+$0x0], $0xffff;
	[tilespmem:v38+s17+$0x0] =	vst.idx.msk $0xffff, v47  }
0x8b: {  	v51 =	vor.u32 v14, v34;
	v38 =	vor.u32 v5, v26;
	v47 =	vld.idx.msk [tilespmem:v52+s23+$0x0], $0xffff;
	[tilespmem:v37+s17+$0x0] =	vst.idx.msk $0xffff, v43  }
0x8c: {  	[tilespmem:v40+s17+$0x0] =	vst.idx.msk $0xffff, v49;
	v40 =	vor.u32 v6, v24;
	v43 =	vld.idx.msk [tilespmem:v44+s23+$0x0], $0xffff;
	v49 =	vor.u32 v12, v36  }
0x8d: {  	v52 =	vld.idx.msk [tilespmem:v53+s23+$0x0], $0xffff;
	[tilespmem:v54+s17+$0x0] =	vst.idx.msk $0xffff, v31;
	v53 =	vor.u32 v13, v30;
	v31 =	vor.u32 v13, v32  }
0x8e: {  	v55 =	vor.u32 v14, v33;
	v54 =	vor.u32 v5, v20;
	[tilespmem:v42+s17+$0x0] =	vst.idx.msk $0xffff, v45;
	v32 =	vld.idx.msk [tilespmem:v39+s23+$0x0], $0xffff  }
.Ltmp6:
0x8f: {  	v34 =	vor.u32 v5, v25;
	v30 =	vor.u32 v6, v27;
	v33 =	vld.idx.msk [tilespmem:v48+s23+$0x0], $0xffff;
	[tilespmem:v35+s17+$0x0] =	vst.idx.msk $0xffff, v46;
	(pc) =	sbr.rel @p0 .LBB2_5-.Ltmp6, $4  }
0x90: {  	v37 =	vor.u32 v10, v23;
	v36 =	vor.u32 v7, v18;
	[tilespmem:v38+s17+$0x0] =	vst.idx.msk $0xffff, v41;
	v39 =	vld.idx.msk [tilespmem:v51+s23+$0x0], $0xffff  }
0x91: {  	v45 =	vor.u32 v8, v23;
	v41 =	vor.u32 v9, v18;
	v44 =	vld.idx.msk [tilespmem:v40+s23+$0x0], $0xffff;
	[tilespmem:v50+s17+$0x0] =	vst.idx.msk $0xffff, v47  }
0x92: {  	v42 =	vor.u32 v7, v20;
	v46 =	vor.u32 v7, v26;
	[tilespmem:v53+s17+$0x0] =	vst.idx.msk $0xffff, v43;
	v40 =	vld.idx.msk [tilespmem:v49+s23+$0x0], $0xffff  }
0x93: {  	s26 =	smov.u32 s25;
	v47 =	vor.u32 v8, v24;
	v43 =	vor.u32 v8, v27;
	[tilespmem:v54+s17+$0x0] =	vst.idx.msk $0xffff, v52;
	v38 =	vld.idx.msk [tilespmem:v55+s23+$0x0], $0xffff  }
0x94: {  	v35 =	vor.u32 v6, v22;
	_ =	sdelay $0x3  }
0x95: {  	v30 =	vld.idx.msk [tilespmem:v30+s23+$0x0], $0xffff;
	[tilespmem:v34+s17+$0x0] =	vst.idx.msk $0xffff, v32  }
0x96: {  	v52 =	vor.u32 v7, v25;
	v32 =	vld.idx.msk [tilespmem:v35+s23+$0x0], $0xffff  }
0x97: {  	v53 =	vor.u32 v8, v22  }
0x98: {  	[tilespmem:v36+s17+$0x0] =	vst.idx.msk $0xffff, v33  }
0x99: {  	v33 =	vld.idx.msk [tilespmem:v45+s23+$0x0], $0xffff;
	[tilespmem:v46+s17+$0x0] =	vst.idx.msk $0xffff, v44  }
0x9a: {  	v56 =	vor.u32 v9, v26;
	v55 =	vld.idx.msk [tilespmem:v47+s23+$0x0], $0xffff;
	[tilespmem:v42+s17+$0x0] =	vst.idx.msk $0xffff, v30  }
0x9b: {  	v54 =	vor.u32 v9, v20;
	v58 =	vor.u32 v10, v24;
	v30 =	vld.idx.msk [tilespmem:v43+s23+$0x0], $0xffff;
	[tilespmem:v52+s17+$0x0] =	vst.idx.msk $0xffff, v32  }
0x9c: {  	v57 =	vor.u32 v10, v27;
	v59 =	vor.u32 v9, v25;
	v32 =	vld.idx.msk [tilespmem:v53+s23+$0x0], $0xffff  }
0x9d: {  	v60 =	vor.u32 v10, v22  }
0x9e: {  	[tilespmem:v41+s17+$0x0] =	vst.idx.msk $0xffff, v33  }
0x9f: {  	v61 =	vor.u32 v11, v18;
	v33 =	vld.idx.msk [tilespmem:v37+s23+$0x0], $0xffff;
	[tilespmem:v56+s17+$0x0] =	vst.idx.msk $0xffff, v55  }
0xa0: {  	v62 =	vor.u32 v12, v23;
	v49 =	vor.u32 v11, v26;
	v34 =	vld.idx.msk [tilespmem:v58+s23+$0x0], $0xffff;
	[tilespmem:v54+s17+$0x0] =	vst.idx.msk $0xffff, v30  }
0xa1: {  	v63 =	vor.u32 v11, v20;
	v51 =	vor.u32 v12, v24;
	v36 =	vld.idx.msk [tilespmem:v57+s23+$0x0], $0xffff;
	[tilespmem:v59+s17+$0x0] =	vst.idx.msk $0xffff, v32  }
0xa2: {  	v48 =	vor.u32 v12, v27;
	v50 =	vor.u32 v11, v25;
	v35 =	vld.idx.msk [tilespmem:v60+s23+$0x0], $0xffff  }
0xa3: {  	v52 =	vor.u32 v12, v22  }
0xa4: {  	[tilespmem:v61+s17+$0x0] =	vst.idx.msk $0xffff, v33  }
0xa5: {  	v53 =	vor.u32 v13, v18;
	v30 =	vld.idx.msk [tilespmem:v62+s23+$0x0], $0xffff;
	[tilespmem:v49+s17+$0x0] =	vst.idx.msk $0xffff, v34  }
0xa6: {  	v54 =	vor.u32 v14, v23;
	v57 =	vor.u32 v13, v26;
	v32 =	vld.idx.msk [tilespmem:v51+s23+$0x0], $0xffff;
	[tilespmem:v63+s17+$0x0] =	vst.idx.msk $0xffff, v36  }
0xa7: {  	v55 =	vor.u32 v13, v20;
	v59 =	vor.u32 v14, v24;
	v36 =	vld.idx.msk [tilespmem:v48+s23+$0x0], $0xffff;
	[tilespmem:v50+s17+$0x0] =	vst.idx.msk $0xffff, v35  }
0xa8: {  	[tilespmem:v28+s17+$0x0] =	vst.idx.msk $0xffff, v39;
	v56 =	vor.u32 v14, v27;
	v58 =	vor.u32 v13, v25;
	v60 =	vld.idx.msk [tilespmem:v52+s23+$0x0], $0xffff  }
0xa9: {  	[tilespmem:v31+s17+$0x0] =	vst.idx.msk $0xffff, v40;
	v61 =	vor.u32 v14, v22  }
0xaa: {  	v29 =	vld.idx.msk [tilespmem:v29+s23+$0x0], $0xffff;
	[tilespmem:v53+s17+$0x0] =	vst.idx.msk $0xffff, v30  }
0xab: {  	v62 =	vor.u32 v15, v18;
	v23 =	vld.idx.msk [tilespmem:v54+s23+$0x0], $0xffff;
	[tilespmem:v57+s17+$0x0] =	vst.idx.msk $0xffff, v32  }
0xac: {  	v24 =	vld.idx.msk [tilespmem:v59+s23+$0x0], $0xffff;
	[tilespmem:v55+s17+$0x0] =	vst.idx.msk $0xffff, v36  }
0xad: {  	v63 =	vor.u32 v15, v20;
	v27 =	vld.idx.msk [tilespmem:v56+s23+$0x0], $0xffff;
	[tilespmem:v58+s17+$0x0] =	vst.idx.msk $0xffff, v60  }
0xae: {  	[tilespmem:v17+s17+$0x0] =	vst.idx.msk $0xffff, v38;
	v17 =	vld.idx.msk [tilespmem:v61+s23+$0x0], $0xffff  }
0xaf: {  	p0 =	seq.s32 s24, $0x0;
	[tilespmem:v16+s17+$0x0] =	vst.idx.msk $0xffff, v29  }
.Ltmp7:
0xb0: {  	[tilespmem:v62+s17+$0x0] =	vst.idx.msk $0xffff, v23;
	(pc) =	sbr.rel @p0 .LBB2_10-.Ltmp7, $4  }
0xb1: {  	s25 =	sshll.u32 s22, $0x9;
	[tilespmem:v19+s17+$0x0] =	vst.idx.msk $0xffff, v24  }
0xb2: {  	s25 =	sand.u32 $0x1FFFFE00, s25;
	[tilespmem:v63+s17+$0x0] =	vst.idx.msk $0xffff, v27  }
0xb3: {  	s25 =	sadd.s32 s5, s25;
	[tilespmem:v21+s17+$0x0] =	vst.idx.msk $0xffff, v17  }
0xb4: {  	[hbm4b:s25+s3] =	stream.linear.scatter [tilespmem:s17], [sflag:$0x2], $0x1000, $0x38;
	[tilespmem:$0x6000] =	vst v63  }
.LBB2_7:
0xb5: {  	s24 =	simm.s32 $0x0  }
0xb6: {  	v16 =	vadd.s32 s24, v0  }
0xb7: {  	s30 =	simm.s32 $0x2;
	v37 =	vand.u32 $0x1F, v16  }
0xb8: {  	v16 =	vadd.s32 s30, v0;
	v36 =	vshll.u32 v37, $0x7  }
0xb9: {  	p0 =	slt.u32 s21, $0x2;
	s31 =	simm.s32 $0x1;
	v31 =	vand.u32 $0x1F, v16;
	v17 =	vor.u32 v0, v36  }
0xba: {  	s26 =	simm.s32 $0x3;
	s25 =	simm.s32 @!p0 $0x3;
	v16 =	vadd.s32 s31, v0;
	v30 =	vshll.u32 v31, $0x7  }
0xbb: {  	v18 =	vadd.s32 s26, v0;
	_ =	swait.ge @!p0 [sflag:s25], $0x1000;
	v34 =	vand.u32 $0x1F, v16;
	v16 =	vor.u32 v0, v30  }
0xbc: {  	v32 =	vand.u32 $0x1F, v18;
	[sflag:s25] =	ssyncset.done @!p0 $0x0;
	v35 =	vshll.u32 v34, $0x7  }
0xbd: {  	v33 =	vshll.u32 v32, $0x7;
	[sflag:s25] =	ssyncadd.s32 @!p0 $0xFFFFF000;
	v18 =	vor.u32 v0, v35  }
0xbe: {  	v20 =	vor.u32 v1, v37;
	v19 =	vor.u32 v0, v33;
	v17 =	vld.idx.msk [tilespmem:v17+s23+$0x0], $0xffff  }
0xbf: {  	v21 =	vor.u32 v2, v36  }
0xc0: {  	v22 =	vor.u32 v1, v31;
	v16 =	vld.idx.msk [tilespmem:v16+s23+$0x0], $0xffff  }
0xc1: {  	v23 =	vor.u32 v2, v30  }
0xc2: {  	v24 =	vor.u32 v1, v34;
	v18 =	vld.idx.msk [tilespmem:v18+s23+$0x0], $0xffff  }
0xc3: {  	v19 =	vld.idx.msk [tilespmem:v19+s23+$0x0], $0xffff;
	[tilespmem:v20+s16+$0x0] =	vst.idx.msk $0xffff, v17;
	v17 =	vor.u32 v1, v32;
	v20 =	vor.u32 v2, v35  }
0xc4: {  	v25 =	vor.u32 v3, v37;
	v26 =	vor.u32 v2, v33;
	v21 =	vld.idx.msk [tilespmem:v21+s23+$0x0], $0xffff  }
0xc5: {  	[tilespmem:v22+s16+$0x0] =	vst.idx.msk $0xffff, v16;
	v16 =	vor.u32 v4, v36  }
0xc6: {  	v22 =	vld.idx.msk [tilespmem:v23+s23+$0x0], $0xffff;
	v23 =	vor.u32 v3, v31  }
0xc7: {  	[tilespmem:v24+s16+$0x0] =	vst.idx.msk $0xffff, v18;
	v18 =	vor.u32 v4, v30  }
0xc8: {  	[tilespmem:v17+s16+$0x0] =	vst.idx.msk $0xffff, v19;
	v17 =	vld.idx.msk [tilespmem:v20+s23+$0x0], $0xffff;
	v19 =	vor.u32 v3, v34  }
0xc9: {  	v24 =	vor.u32 v3, v32;
	[tilespmem:v25+s16+$0x0] =	vst.idx.msk $0xffff, v21;
	v20 =	vld.idx.msk [tilespmem:v26+s23+$0x0], $0xffff;
	v21 =	vor.u32 v4, v35  }
0xca: {  	v26 =	vor.u32 v5, v37;
	v25 =	vld.idx.msk [tilespmem:v16+s23+$0x0], $0xffff  }
0xcb: {  	[tilespmem:v23+s16+$0x0] =	vst.idx.msk $0xffff, v22;
	v22 =	vor.u32 v6, v36  }
0xcc: {  	v27 =	vor.u32 v5, v31;
	v23 =	vor.u32 v4, v33;
	v18 =	vld.idx.msk [tilespmem:v18+s23+$0x0], $0xffff  }
0xcd: {  	v38 =	vor.u32 v9, v37;
	v58 =	vor.u32 v7, v32;
	[tilespmem:v19+s16+$0x0] =	vst.idx.msk $0xffff, v17  }
0xce: {  	v19 =	vor.u32 v6, v30;
	v21 =	vld.idx.msk [tilespmem:v21+s23+$0x0], $0xffff;
	[tilespmem:v24+s16+$0x0] =	vst.idx.msk $0xffff, v20;
	v20 =	vor.u32 v5, v34  }
0xcf: {  	v50 =	vor.u32 v15, v37;
	v24 =	vor.u32 v6, v35;
	[tilespmem:v26+s16+$0x0] =	vst.idx.msk $0xffff, v25  }
0xd0: {  	v62 =	vor.u32 v11, v37;
	v29 =	vor.u32 v10, v36;
	v26 =	vor.u32 v7, v37;
	v22 =	vld.idx.msk [tilespmem:v22+s23+$0x0], $0xffff  }
0xd1: {  	v25 =	vor.u32 v5, v32;
	v28 =	vld.idx.msk [tilespmem:v23+s23+$0x0], $0xffff;
	[tilespmem:v27+s16+$0x0] =	vst.idx.msk $0xffff, v18;
	v27 =	vor.u32 v8, v36  }
0xd2: {  	s28 =	simm.s32 $0x4;
	v40 =	vor.u32 v7, v31;
	v42 =	vor.u32 v6, v33;
	v46 =	vor.u32 v9, v31  }
0xd3: {  	v48 =	vor.u32 v8, v33;
	v18 =	vadd.s32 s28, v0;
	v19 =	vld.idx.msk [tilespmem:v19+s23+$0x0], $0xffff;
	[tilespmem:v20+s16+$0x0] =	vst.idx.msk $0xffff, v21  }
0xd4: {  	s29 =	simm.s32 $0x5;
	v39 =	vor.u32 v7, v34;
	v18 =	vand.u32 $0x1F, v18;
	v21 =	vor.u32 v8, v30;
	v43 =	vld.idx.msk [tilespmem:v24+s23+$0x0], $0xffff  }
0xd5: {  	s31 =	simm.s32 $0x6;
	v41 =	vor.u32 v8, v35;
	v23 =	vshll.u32 v18, $0x7;
	v20 =	vadd.s32 s29, v0;
	[tilespmem:v26+s16+$0x0] =	vst.idx.msk $0xffff, v22  }
0xd6: {  	s30 =	simm.s32 $0x7;
	v44 =	vor.u32 v0, v23;
	v20 =	vand.u32 $0x1F, v20;
	[tilespmem:v25+s16+$0x0] =	vst.idx.msk $0xffff, v28;
	v22 =	vadd.s32 s31, v0;
	v28 =	vld.idx.msk [tilespmem:v27+s23+$0x0], $0xffff  }
0xd7: {  	v24 =	vadd.s32 s30, v0;
	v26 =	vand.u32 $0x1F, v22;
	v27 =	vshll.u32 v20, $0x7  }
0xd8: {  	v25 =	vand.u32 $0x1F, v24;
	v63 =	vld.idx.msk [tilespmem:v42+s23+$0x0], $0xffff;
	[tilespmem:v40+s16+$0x0] =	vst.idx.msk $0xffff, v19;
	v24 =	vshll.u32 v26, $0x7;
	v57 =	vor.u32 v0, v27  }
0xd9: {  	v54 =	vor.u32 v12, v36;
	v40 =	vld.idx.msk [tilespmem:v21+s23+$0x0], $0xffff;
	v45 =	vor.u32 v0, v24;
	[tilespmem:v39+s16+$0x0] =	vst.idx.msk $0xffff, v43  }
0xda: {  	v47 =	vor.u32 v9, v34;
	v52 =	vor.u32 v10, v35;
	v22 =	vshll.u32 v25, $0x7;
	v41 =	vld.idx.msk [tilespmem:v41+s23+$0x0], $0xffff  }
0xdb: {  	v60 =	vor.u32 v1, v18;
	v49 =	vor.u32 v0, v22;
	v59 =	vld.idx.msk [tilespmem:v44+s23+$0x0], $0xffff;
	[tilespmem:v38+s16+$0x0] =	vst.idx.msk $0xffff, v28  }
0xdc: {  	v16 =	vor.u32 v15, v32;
	v17 =	vor.u32 v15, v31;
	v61 =	vor.u32 v2, v23;
	v51 =	vld.idx.msk [tilespmem:v29+s23+$0x0], $0xffff  }
0xdd: {  	v37 =	vor.u32 v13, v37;
	v36 =	vor.u32 v14, v36;
	v19 =	vor.u32 v15, v26;
	v42 =	vld.idx.msk [tilespmem:v57+s23+$0x0], $0xffff  }
0xde: {  	v53 =	vor.u32 v1, v26;
	v55 =	vor.u32 v2, v27;
	[tilespmem:v58+s16+$0x0] =	vst.idx.msk $0xffff, v63;
	v45 =	vld.idx.msk [tilespmem:v45+s23+$0x0], $0xffff  }
0xdf: {  	v39 =	vor.u32 v1, v20;
	v63 =	vor.u32 v2, v24;
	[tilespmem:v47+s16+$0x0] =	vst.idx.msk $0xffff, v41;
	v41 =	vld.idx.msk [tilespmem:v48+s23+$0x0], $0xffff  }
0xe0: {  	[tilespmem:v60+s16+$0x0] =	vst.idx.msk $0xffff, v59;
	v47 =	vld.idx.msk [tilespmem:v49+s23+$0x0], $0xffff;
	v48 =	vor.u32 v10, v30;
	v49 =	vor.u32 v9, v32  }
0xe1: {  	v21 =	vor.u32 v15, v25;
	v57 =	vor.u32 v1, v25;
	[tilespmem:v46+s16+$0x0] =	vst.idx.msk $0xffff, v40;
	v40 =	vld.idx.msk [tilespmem:v61+s23+$0x0], $0xffff  }
0xe2: {  	v58 =	vor.u32 v10, v33;
	v60 =	vor.u32 v3, v18;
	v44 =	vld.idx.msk [tilespmem:v52+s23+$0x0], $0xffff;
	[tilespmem:v62+s16+$0x0] =	vst.idx.msk $0xffff, v51  }
0xe3: {  	v59 =	vor.u32 v11, v34;
	v61 =	vor.u32 v2, v22;
	[tilespmem:v53+s16+$0x0] =	vst.idx.msk $0xffff, v45;
	v53 =	vld.idx.msk [tilespmem:v54+s23+$0x0], $0xffff  }
0xe4: {  	v43 =	vor.u32 v12, v35;
	v62 =	vor.u32 v4, v23;
	[tilespmem:v39+s16+$0x0] =	vst.idx.msk $0xffff, v42;
	v39 =	vld.idx.msk [tilespmem:v63+s23+$0x0], $0xffff  }
0xe5: {  	v35 =	vor.u32 v14, v35;
	v63 =	vor.u32 v3, v26;
	v48 =	vld.idx.msk [tilespmem:v48+s23+$0x0], $0xffff;
	[tilespmem:v49+s16+$0x0] =	vst.idx.msk $0xffff, v41  }
0xe6: {  	v41 =	vor.u32 v4, v24;
	[tilespmem:v57+s16+$0x0] =	vst.idx.msk $0xffff, v47;
	v57 =	vor.u32 v11, v31;
	v49 =	vld.idx.msk [tilespmem:v55+s23+$0x0], $0xffff  }
0xe7: {  	v28 =	vor.u32 v15, v34;
	[tilespmem:v60+s16+$0x0] =	vst.idx.msk $0xffff, v40;
	v47 =	vld.idx.msk [tilespmem:v58+s23+$0x0], $0xffff;
	v58 =	vor.u32 v11, v32  }
0xe8: {  	v60 =	vor.u32 v12, v30;
	[tilespmem:v59+s16+$0x0] =	vst.idx.msk $0xffff, v44;
	v59 =	vor.u32 v3, v20;
	v45 =	vld.idx.msk [tilespmem:v61+s23+$0x0], $0xffff  }
0xe9: {  	v52 =	vor.u32 v4, v27;
	v61 =	vor.u32 v3, v25;
	v51 =	vld.idx.msk [tilespmem:v62+s23+$0x0], $0xffff;
	[tilespmem:v37+s16+$0x0] =	vst.idx.msk $0xffff, v53  }
0xea: {  	v62 =	vor.u32 v5, v18;
	v42 =	vld.idx.msk [tilespmem:v43+s23+$0x0], $0xffff;
	[tilespmem:v63+s16+$0x0] =	vst.idx.msk $0xffff, v39;
	v63 =	vor.u32 v4, v22  }
0xeb: {  	v43 =	vor.u32 v6, v23;
	v53 =	vor.u32 v13, v34;
	v41 =	vld.idx.msk [tilespmem:v41+s23+$0x0], $0xffff;
	[tilespmem:v57+s16+$0x0] =	vst.idx.msk $0xffff, v48  }
0xec: {  	v38 =	vor.u32 v5, v26;
	v29 =	vor.u32 v14, v33;
	v57 =	vld.idx.msk [tilespmem:v36+s23+$0x0], $0xffff;
	[tilespmem:v58+s16+$0x0] =	vst.idx.msk $0xffff, v47  }
0xed: {  	[tilespmem:v59+s16+$0x0] =	vst.idx.msk $0xffff, v49;
	v58 =	vor.u32 v6, v24;
	v59 =	vld.idx.msk [tilespmem:v60+s23+$0x0], $0xffff;
	v60 =	vor.u32 v12, v33  }
0xee: {  	[tilespmem:v61+s16+$0x0] =	vst.idx.msk $0xffff, v45;
	v61 =	vor.u32 v13, v31;
	v31 =	vor.u32 v13, v32;
	v52 =	vld.idx.msk [tilespmem:v52+s23+$0x0], $0xffff  }
0xef: {  	[tilespmem:v62+s16+$0x0] =	vst.idx.msk $0xffff, v51;
	v62 =	vor.u32 v5, v20;
	v32 =	vld.idx.msk [tilespmem:v63+s23+$0x0], $0xffff;
	v63 =	vor.u32 v14, v30  }
0xf0: {  	v46 =	vor.u32 v7, v26;
	v33 =	vld.idx.msk [tilespmem:v43+s23+$0x0], $0xffff;
	[tilespmem:v53+s16+$0x0] =	vst.idx.msk $0xffff, v42;
	v30 =	vor.u32 v6, v27  }
0xf1: {  	v34 =	vor.u32 v5, v25;
	v37 =	vor.u32 v10, v23;
	v39 =	vld.idx.msk [tilespmem:v35+s23+$0x0], $0xffff;
	[tilespmem:v38+s16+$0x0] =	vst.idx.msk $0xffff, v41  }
0xf2: {  	v36 =	vor.u32 v7, v18;
	v45 =	vor.u32 v8, v23;
	[tilespmem:v50+s16+$0x0] =	vst.idx.msk $0xffff, v57;
	v44 =	vld.idx.msk [tilespmem:v58+s23+$0x0], $0xffff  }
0xf3: {  	v47 =	vor.u32 v8, v24;
	v42 =	vor.u32 v7, v20;
	[tilespmem:v61+s16+$0x0] =	vst.idx.msk $0xffff, v59;
	v40 =	vld.idx.msk [tilespmem:v60+s23+$0x0], $0xffff  }
0xf4: {  	s25 =	simm.s32 $0x8;
	v43 =	vor.u32 v8, v27;
	v41 =	vor.u32 v9, v18;
	[tilespmem:v62+s16+$0x0] =	vst.idx.msk $0xffff, v52;
	v38 =	vld.idx.msk [tilespmem:v63+s23+$0x0], $0xffff  }
.LBB2_8:
0xf5: {  	v48 =	vadd.s32 s25, v0;
	s26 =	sadd.s32 $0x1, s25;
	v49 =	vld.idx.msk [tilespmem:v30+s23+$0x0], $0xffff;
	v50 =	vor.u32 v6, v22;
	v51 =	vmov v18  }
0xf6: {  	s28 =	sadd.s32 $0x3, s25;
	[tilespmem:v34+s16+$0x0] =	vst.idx.msk $0xffff, v32;
	v52 =	vmovc v23;
	v35 =	vmovc v20;
	v30 =	vmov v26;
	v32 =	vmov v25;
	v34 =	vmov v27;
	s29 =	smov.u32 s25;
	s24 =	sadd.s32 $0x4, s25  }
0xf7: {  	p0 =	slt.u32 s25, $0x1C;
	v18 =	vand.u32 $0x1F, v48;
	v20 =	vadd.s32 s26, v0;
	s26 =	sadd.s32 $0x2, s29;
	v25 =	vadd.s32 s28, v0;
	[tilespmem:v36+s16+$0x0] =	vst.idx.msk $0xffff, v33;
	v33 =	vmovc v24;
	v36 =	vmovc v22  }
0xf8: {  	v23 =	vshll.u32 v18, $0x7;
	v20 =	vand.u32 $0x1F, v20;
	v22 =	vadd.s32 s26, v0;
	v45 =	vld.idx.msk [tilespmem:v45+s23+$0x0], $0xffff;
	[tilespmem:v28+s16+$0x0] =	vst.idx.msk $0xffff, v39;
	v39 =	vmovc v16  }
0xf9: {  	v25 =	vand.u32 $0x1F, v25;
	v16 =	vmovc v21;
	v28 =	vor.u32 v0, v23;
	v26 =	vand.u32 $0x1F, v22;
	[tilespmem:v46+s16+$0x0] =	vst.idx.msk $0xffff, v44  }
0xfa: {  	v27 =	vshll.u32 v20, $0x7;
	v22 =	vshll.u32 v25, $0x7;
	v24 =	vshll.u32 v26, $0x7;
	v44 =	vld.idx.msk [tilespmem:v47+s23+$0x0], $0xffff;
	[tilespmem:v31+s16+$0x0] =	vst.idx.msk $0xffff, v40  }
0xfb: {  	v40 =	vor.u32 v9, v30;
	v31 =	vor.u32 v0, v24;
	[tilespmem:v17+s16+$0x0] =	vst.idx.msk $0xffff, v38;
	v29 =	vld.idx.msk [tilespmem:v29+s23+$0x0], $0xffff  }
0xfc: {  	v21 =	vor.u32 v15, v25;
	v38 =	vor.u32 v15, v26;
	[tilespmem:v42+s16+$0x0] =	vst.idx.msk $0xffff, v49;
	v42 =	vld.idx.msk [tilespmem:v50+s23+$0x0], $0xffff  }
0xfd: {  	v48 =	vor.u32 v7, v32;
	v46 =	vor.u32 v0, v27;
	v47 =	vor.u32 v9, v35;
	v43 =	vld.idx.msk [tilespmem:v43+s23+$0x0], $0xffff  }
0xfe: {  	v17 =	vmov v19;
	v49 =	vor.u32 v0, v22;
	[tilespmem:v41+s16+$0x0] =	vst.idx.msk $0xffff, v45;
	v41 =	vor.u32 v8, v36  }
0xff: {  	v50 =	vor.u32 v15, v51;
	v19 =	vmov v38;
	v45 =	vld.idx.msk [tilespmem:v28+s23+$0x0], $0xffff;
	v28 =	vor.u32 v15, v35  }
0x100: {  	v53 =	vor.u32 v10, v34;
	v38 =	vor.u32 v1, v18;
	v37 =	vld.idx.msk [tilespmem:v37+s23+$0x0], $0xffff;
	[tilespmem:v40+s16+$0x0] =	vst.idx.msk $0xffff, v44  }
0x101: {  	v40 =	vor.u32 v2, v23;
	v44 =	vor.u32 v11, v51;
	v31 =	vld.idx.msk [tilespmem:v31+s23+$0x0], $0xffff;
	[tilespmem:v39+s16+$0x0] =	vst.idx.msk $0xffff, v29  }
0x102: {  	v54 =	vor.u32 v12, v52;
	v39 =	vld.idx.msk [tilespmem:v46+s23+$0x0], $0xffff;
	v46 =	vor.u32 v1, v26;
	[tilespmem:v48+s16+$0x0] =	vst.idx.msk $0xffff, v42  }
0x103: {  	v42 =	vor.u32 v1, v20;
	v48 =	vor.u32 v2, v24;
	[tilespmem:v47+s16+$0x0] =	vst.idx.msk $0xffff, v43;
	v41 =	vld.idx.msk [tilespmem:v41+s23+$0x0], $0xffff  }
0x104: {  	v29 =	vor.u32 v14, v36;
	v47 =	vor.u32 v10, v33;
	v43 =	vld.idx.msk [tilespmem:v49+s23+$0x0], $0xffff;
	v49 =	vor.u32 v9, v32  }
0x105: {  	[tilespmem:v38+s16+$0x0] =	vst.idx.msk $0xffff, v45;
	v38 =	vor.u32 v1, v25;
	v45 =	vld.idx.msk [tilespmem:v53+s23+$0x0], $0xffff;
	v53 =	vor.u32 v10, v36  }
0x106: {  	v55 =	vor.u32 v2, v27;
	v40 =	vld.idx.msk [tilespmem:v40+s23+$0x0], $0xffff;
	[tilespmem:v44+s16+$0x0] =	vst.idx.msk $0xffff, v37;
	v37 =	vor.u32 v11, v35  }
0x107: {  	v44 =	vor.u32 v3, v18;
	[tilespmem:v46+s16+$0x0] =	vst.idx.msk $0xffff, v31;
	v31 =	vor.u32 v2, v22;
	v46 =	vld.idx.msk [tilespmem:v54+s23+$0x0], $0xffff  }
0x108: {  	v54 =	vor.u32 v4, v23;
	[tilespmem:v42+s16+$0x0] =	vst.idx.msk $0xffff, v39;
	v39 =	vld.idx.msk [tilespmem:v48+s23+$0x0], $0xffff;
	v42 =	vor.u32 v13, v51  }
0x109: {  	v48 =	vor.u32 v3, v26;
	v51 =	vor.u32 v12, v34;
	v47 =	vld.idx.msk [tilespmem:v47+s23+$0x0], $0xffff;
	[tilespmem:v49+s16+$0x0] =	vst.idx.msk $0xffff, v41  }
0x10a: {  	v41 =	vor.u32 v4, v24;
	[tilespmem:v38+s16+$0x0] =	vst.idx.msk $0xffff, v43;
	v38 =	vor.u32 v11, v30;
	v43 =	vld.idx.msk [tilespmem:v53+s23+$0x0], $0xffff  }
0x10b: {  	v52 =	vor.u32 v14, v52;
	v49 =	vld.idx.msk [tilespmem:v55+s23+$0x0], $0xffff;
	[tilespmem:v37+s16+$0x0] =	vst.idx.msk $0xffff, v45;
	v37 =	vor.u32 v11, v32  }
0x10c: {  	[tilespmem:v44+s16+$0x0] =	vst.idx.msk $0xffff, v40;
	v40 =	vor.u32 v3, v20;
	v31 =	vld.idx.msk [tilespmem:v31+s23+$0x0], $0xffff;
	v44 =	vor.u32 v12, v33  }
0x10d: {  	v53 =	vor.u32 v4, v27;
	v45 =	vld.idx.msk [tilespmem:v54+s23+$0x0], $0xffff;
	v54 =	vor.u32 v3, v25;
	[tilespmem:v42+s16+$0x0] =	vst.idx.msk $0xffff, v46  }
0x10e: {  	v42 =	vor.u32 v5, v18;
	[tilespmem:v48+s16+$0x0] =	vst.idx.msk $0xffff, v39;
	v39 =	vor.u32 v4, v22;
	v46 =	vld.idx.msk [tilespmem:v51+s23+$0x0], $0xffff  }
0x10f: {  	v35 =	vor.u32 v13, v35;
	v48 =	vor.u32 v6, v23;
	v41 =	vld.idx.msk [tilespmem:v41+s23+$0x0], $0xffff;
	[tilespmem:v38+s16+$0x0] =	vst.idx.msk $0xffff, v47  }
0x110: {  	v51 =	vor.u32 v14, v34;
	v38 =	vor.u32 v5, v26;
	v47 =	vld.idx.msk [tilespmem:v52+s23+$0x0], $0xffff;
	[tilespmem:v37+s16+$0x0] =	vst.idx.msk $0xffff, v43  }
0x111: {  	[tilespmem:v40+s16+$0x0] =	vst.idx.msk $0xffff, v49;
	v40 =	vor.u32 v6, v24;
	v43 =	vld.idx.msk [tilespmem:v44+s23+$0x0], $0xffff;
	v49 =	vor.u32 v12, v36  }
0x112: {  	v52 =	vld.idx.msk [tilespmem:v53+s23+$0x0], $0xffff;
	[tilespmem:v54+s16+$0x0] =	vst.idx.msk $0xffff, v31;
	v53 =	vor.u32 v13, v30;
	v31 =	vor.u32 v13, v32  }
0x113: {  	v55 =	vor.u32 v14, v33;
	v54 =	vor.u32 v5, v20;
	[tilespmem:v42+s16+$0x0] =	vst.idx.msk $0xffff, v45;
	v32 =	vld.idx.msk [tilespmem:v39+s23+$0x0], $0xffff  }
.Ltmp8:
0x114: {  	v34 =	vor.u32 v5, v25;
	v30 =	vor.u32 v6, v27;
	v33 =	vld.idx.msk [tilespmem:v48+s23+$0x0], $0xffff;
	[tilespmem:v35+s16+$0x0] =	vst.idx.msk $0xffff, v46;
	(pc) =	sbr.rel @p0 .LBB2_8-.Ltmp8, $4  }
0x115: {  	v37 =	vor.u32 v10, v23;
	v36 =	vor.u32 v7, v18;
	[tilespmem:v38+s16+$0x0] =	vst.idx.msk $0xffff, v41;
	v39 =	vld.idx.msk [tilespmem:v51+s23+$0x0], $0xffff  }
0x116: {  	v45 =	vor.u32 v8, v23;
	v41 =	vor.u32 v9, v18;
	v44 =	vld.idx.msk [tilespmem:v40+s23+$0x0], $0xffff;
	[tilespmem:v50+s16+$0x0] =	vst.idx.msk $0xffff, v47  }
0x117: {  	v42 =	vor.u32 v7, v20;
	v46 =	vor.u32 v7, v26;
	[tilespmem:v53+s16+$0x0] =	vst.idx.msk $0xffff, v43;
	v40 =	vld.idx.msk [tilespmem:v49+s23+$0x0], $0xffff  }
0x118: {  	s25 =	smov.u32 s24;
	v47 =	vor.u32 v8, v24;
	v43 =	vor.u32 v8, v27;
	[tilespmem:v54+s16+$0x0] =	vst.idx.msk $0xffff, v52;
	v38 =	vld.idx.msk [tilespmem:v55+s23+$0x0], $0xffff  }
0x119: {  	v35 =	vor.u32 v6, v22;
	_ =	sdelay $0x3  }
0x11a: {  	v30 =	vld.idx.msk [tilespmem:v30+s23+$0x0], $0xffff;
	[tilespmem:v34+s16+$0x0] =	vst.idx.msk $0xffff, v32  }
0x11b: {  	v52 =	vor.u32 v7, v25;
	v32 =	vld.idx.msk [tilespmem:v35+s23+$0x0], $0xffff  }
0x11c: {  	v53 =	vor.u32 v8, v22  }
0x11d: {  	[tilespmem:v36+s16+$0x0] =	vst.idx.msk $0xffff, v33  }
0x11e: {  	v33 =	vld.idx.msk [tilespmem:v45+s23+$0x0], $0xffff;
	[tilespmem:v46+s16+$0x0] =	vst.idx.msk $0xffff, v44  }
0x11f: {  	v56 =	vor.u32 v9, v26;
	v55 =	vld.idx.msk [tilespmem:v47+s23+$0x0], $0xffff;
	[tilespmem:v42+s16+$0x0] =	vst.idx.msk $0xffff, v30  }
0x120: {  	v54 =	vor.u32 v9, v20;
	v58 =	vor.u32 v10, v24;
	v30 =	vld.idx.msk [tilespmem:v43+s23+$0x0], $0xffff;
	[tilespmem:v52+s16+$0x0] =	vst.idx.msk $0xffff, v32  }
0x121: {  	v57 =	vor.u32 v10, v27;
	v59 =	vor.u32 v9, v25;
	v32 =	vld.idx.msk [tilespmem:v53+s23+$0x0], $0xffff  }
0x122: {  	v60 =	vor.u32 v10, v22  }
0x123: {  	[tilespmem:v41+s16+$0x0] =	vst.idx.msk $0xffff, v33  }
0x124: {  	v61 =	vor.u32 v11, v18;
	v33 =	vld.idx.msk [tilespmem:v37+s23+$0x0], $0xffff;
	[tilespmem:v56+s16+$0x0] =	vst.idx.msk $0xffff, v55  }
0x125: {  	v62 =	vor.u32 v12, v23;
	v49 =	vor.u32 v11, v26;
	v34 =	vld.idx.msk [tilespmem:v58+s23+$0x0], $0xffff;
	[tilespmem:v54+s16+$0x0] =	vst.idx.msk $0xffff, v30  }
0x126: {  	v63 =	vor.u32 v11, v20;
	v51 =	vor.u32 v12, v24;
	v36 =	vld.idx.msk [tilespmem:v57+s23+$0x0], $0xffff;
	[tilespmem:v59+s16+$0x0] =	vst.idx.msk $0xffff, v32  }
0x127: {  	v48 =	vor.u32 v12, v27;
	v50 =	vor.u32 v11, v25;
	v35 =	vld.idx.msk [tilespmem:v60+s23+$0x0], $0xffff  }
0x128: {  	v52 =	vor.u32 v12, v22  }
0x129: {  	[tilespmem:v61+s16+$0x0] =	vst.idx.msk $0xffff, v33  }
0x12a: {  	v53 =	vor.u32 v13, v18;
	v30 =	vld.idx.msk [tilespmem:v62+s23+$0x0], $0xffff;
	[tilespmem:v49+s16+$0x0] =	vst.idx.msk $0xffff, v34  }
0x12b: {  	v54 =	vor.u32 v14, v23;
	v57 =	vor.u32 v13, v26;
	v32 =	vld.idx.msk [tilespmem:v51+s23+$0x0], $0xffff;
	[tilespmem:v63+s16+$0x0] =	vst.idx.msk $0xffff, v36  }
0x12c: {  	v55 =	vor.u32 v13, v20;
	v59 =	vor.u32 v14, v24;
	v36 =	vld.idx.msk [tilespmem:v48+s23+$0x0], $0xffff;
	[tilespmem:v50+s16+$0x0] =	vst.idx.msk $0xffff, v35  }
0x12d: {  	[tilespmem:v28+s16+$0x0] =	vst.idx.msk $0xffff, v39;
	v56 =	vor.u32 v14, v27;
	v58 =	vor.u32 v13, v25;
	v60 =	vld.idx.msk [tilespmem:v52+s23+$0x0], $0xffff  }
0x12e: {  	[tilespmem:v31+s16+$0x0] =	vst.idx.msk $0xffff, v40;
	v61 =	vor.u32 v14, v22  }
0x12f: {  	v29 =	vld.idx.msk [tilespmem:v29+s23+$0x0], $0xffff;
	[tilespmem:v53+s16+$0x0] =	vst.idx.msk $0xffff, v30  }
0x130: {  	v62 =	vor.u32 v15, v18;
	v23 =	vld.idx.msk [tilespmem:v54+s23+$0x0], $0xffff;
	[tilespmem:v57+s16+$0x0] =	vst.idx.msk $0xffff, v32  }
0x131: {  	v24 =	vld.idx.msk [tilespmem:v59+s23+$0x0], $0xffff;
	[tilespmem:v55+s16+$0x0] =	vst.idx.msk $0xffff, v36  }
0x132: {  	v63 =	vor.u32 v15, v20;
	v27 =	vld.idx.msk [tilespmem:v56+s23+$0x0], $0xffff;
	[tilespmem:v58+s16+$0x0] =	vst.idx.msk $0xffff, v60  }
0x133: {  	[tilespmem:v17+s16+$0x0] =	vst.idx.msk $0xffff, v38;
	v17 =	vld.idx.msk [tilespmem:v61+s23+$0x0], $0xffff  }
0x134: {  	[tilespmem:v16+s16+$0x0] =	vst.idx.msk $0xffff, v29  }
.Ltmp9:
0x135: {  	[tilespmem:v62+s16+$0x0] =	vst.idx.msk $0xffff, v23;
	(pc) =	sbr.rel .LBB2_10-.Ltmp9, $4  }
0x136: {  	s22 =	sshll.u32 s22, $0x9;
	[tilespmem:v19+s16+$0x0] =	vst.idx.msk $0xffff, v24  }
0x137: {  	s22 =	sand.u32 $0x1FFFFE00, s22;
	[tilespmem:v63+s16+$0x0] =	vst.idx.msk $0xffff, v27  }
0x138: {  	s22 =	sadd.s32 s5, s22;
	[tilespmem:v21+s16+$0x0] =	vst.idx.msk $0xffff, v17  }
0x139: {  	[hbm4b:s22+s3] =	stream.linear.scatter [tilespmem:s16], [sflag:$0x3], $0x1000, $0x38;
	[tilespmem:$0x6000] =	vst v63  }
.LBB2_12:
0x13a: {  	_ =	sfence.sel $0x180000  }
0x13b: {  	[bflag:$0x0] =	sbarrier.arrive $0xFFFF  }
0x13c: {  	p0 =	sne.s32 s0, $0x0;
	_ =	strace $0x90000047  }
0x13d: {  	s0 =	sadd.s32 @!p0 $0x100000, s1;
	[bflag:$0x2] =	sbarrier.arrive $0xFFFF  }
0x13e: {  	[sflag:s0] =	ssyncadd.tile.s32 @!p0 $0x1;
	_ =	shalt  }
.Lfunc_end2:
_tile_overlayer_lowered:
.L_overlay_start_2:
0x13f: {  	(tag) =	ssettag $0x2  }
0x140: {  	s0 =	rddreg [dreg:$0x0];
	s2 =	stileid.u32  }
0x141: {  	s1 =	rddreg [dreg:$0x1];
	p0 =	sne.s32 s2, $0x0  }
0x142: {  	s3 =	rddreg [dreg:$0x2];
	[bflag:$0x3] =	sbarrier.arrive $0xFFFF;
	s2 =	simm.s32 @!p0 $0x1C04  }
0x143: {  	[timem:s3], [sflag:s2] =	dma.local @!p0 [hbm:s0], s1  }
0x144: {  	s0 =	simm.s32 @!p0 $0x4  }
0x145: {  	_ =	swait.ge @!p0 [sflag:s0], s1  }
0x146: {  	s1 =	ssub.s32 @!p0 $0x0, s1;
	[sflag:s0] =	ssyncset.done @!p0 $0x0  }
0x147: {  	[sflag:s0] =	ssyncadd.s32 @!p0 s1  }
0x148: {  	[bflag:$0x3] =	sbarrier.arrive $0xFFFF  }
0x149: {  	_ =	shalt  }

// kernel: kernel.7.cloned.1.call-start
scs
__scs_entry_jumppad:
0x0: {  	(pc) =	sbr.rel $0x88, $3  }
0x1: {  	(tag) =	ssettag $0x0;
	lr =	simm.s32 $0x1  }
0x2: {  	[smem:$0x3F9F] =	sst lr;
	_ =	strace $0xD0000000  }
0x3: {  	_ = 	snop  }
0x4: {  	_ = 	snop  }
0x5: {  	_ = 	snop  }
0x6: {  	_ = 	snop  }
0x7: {  	_ = 	snop  }
__scs_overlays_trampoline_lowered:
0x8: {  	[smem:$0x3FAE] =	sst s0  }
0x9: {  	[smem:$0x3FAF] =	sst s1  }
0xa: {  	[smem:$0x3FB0] =	sst s2  }
0xb: {  	[smem:$0x3FB1] =	sst s3  }
0xc: {  	[smem:$0x3FB2] =	sst s4  }
0xd: {  	[smem:$0x3FB3] =	sst s5  }
0xe: {  	[smem:$0x3FB4] =	sst s6  }
0xf: {  	[smem:$0x3FB5] =	sst s7  }
0x10: {  	[smem:$0x3FB6] =	sst s8  }
0x11: {  	[smem:$0x3FB7] =	sst s9;
	s0 =	simm.s32 @!p0 $0x0  }
0x12: {  	s1 =	sld [smem:$0x3F9D];
	s0 =	simm.s32 @p0 $0x1  }
0x13: {  	[smem:$0x3FB8] =	sst s0;
	s0 =	simm.s32 @!p1 $0x0  }
0x14: {  	s2 =	sld [smem:$0x3F9C];
	s0 =	simm.s32 @p1 $0x1  }
0x15: {  	[smem:$0x3FB9] =	sst s0;
	s0 =	simm.s32 @!p2 $0x0  }
0x16: {  	s3 =	sld [smem:$0x3FDB];
	s0 =	simm.s32 @p2 $0x1  }
0x17: {  	s4 =	simm.s32 $0x1BF5;
	[smem:$0x3FBB] =	sst s0  }
0x18: {  	s0 =	sld [smem:$0x3F9E];
	_ =	swait.ge [sflag:s4], $0x0  }
0x19: {  	s7 =	sld [smem:$0x3F9F]  }
0x1a: {  	s8 =	sadd.s32 $0xFFFFE003, lr  }
0x1b: {  	s9 =	sadd.s32 $0xFFFFFEF7, lr;
	s5 =	simm.s32 $0xFFFFFFFF;
	p2 =	slt.u32 s8, $0xFFFFF086  }
0x1c: {  	p1 =	slt.u32 s9, $0xF7A;
	s5 =	simm.s32 @!p2 $0x0  }
0x1d: {  	s5 =	simm.s32 @p1 $0x1;
	p0 =	seq.s32 s7, s2  }
0x1e: {  	s7 =	smul.u32 @!p0 $0xF7A, s2;
	p2 =	seq.s32 @!p0 s5, $0x0  }
0x1f: {  	s9 =	smul.u32 $0xF7A, s1;
	s8 =	simm.s32 @!p0 $0x1BF5;
	p2 =	por !p2, p0  }
0x20: {  	[sflag:s8] =	ssyncset.s32 @!p0 $0xFFFFF086;
	s6 =	sadd.s32 @!p0 s3, s7;
	s7 =	simm.s32 @!p0 $0x108  }
0x21: {  	s3 =	sadd.s32 s3, s9;
	s6 =	sadd.s32 @!p0 $0x88, s6;
	s7 =	simm.s32 @p2 $0x1082  }
0x22: {  	[simem:s7], [sflag:s8] =	dma.local @!p0 [hbm:s6], $0xF7A  }
0x23: {  	s9 =	sor.u32 $0xD0000000, s2;
	s6 =	simm.s32 $0x108;
	_ =	swait.ge @!p0 [sflag:s8], $0x0  }
0x24: {  	s3 =	sadd.s32 $0x88, s3;
	s6 =	simm.s32 @!p1 $0x1082;
	[sflag:s4] =	ssyncset.s32 $0xFFFFF086  }
0x25: {  	[simem:s6], [sflag:s4] =	dma.local [hbm:s3], $0xF7A  }
0x26: {  	[smem:$0x3F9F] =	sst s1;
	(tag) =	ssettag s2;
	_ =	strace s9  }
0x27: {  	s1 =	sld [smem:$0x3FAF]  }
0x28: {  	s2 =	sld [smem:$0x3FB0]  }
0x29: {  	s4 =	sld [smem:$0x3FB2]  }
0x2a: {  	p0 =	seq.s32 s5, $0x0;
	s5 =	sld [smem:$0x3FB3]  }
0x2b: {  	s6 =	sld [smem:$0x3FB4]  }
0x2c: {  	s7 =	sld [smem:$0x3FB5]  }
0x2d: {  	s3 =	simm.s32 $0x108;
	s8 =	sld [smem:$0x3FB6]  }
0x2e: {  	s3 =	simm.s32 @!p0 $0x1082;
	s9 =	sld [smem:$0x3FB7]  }
0x2f: {  	lr =	sadd.s32 s0, s3;
	s0 =	sld [smem:$0x3FAE]  }
0x30: {  	s3 =	sld [smem:$0x3FB1]  }
0x31: {  	[smem:$0x3FBA] =	sst s10  }
0x32: {  	s10 =	sld [smem:$0x3FB8];
	_ =	sdelay $0x3  }
0x33: {  	p0 =	seq.s32 s10, $0x1;
	s10 =	sld [smem:$0x3FBA];
	_ =	sdelay $0x3  }
0x34: {  	[smem:$0x3FBA] =	sst s10  }
0x35: {  	s10 =	sld [smem:$0x3FB9];
	_ =	sdelay $0x3  }
0x36: {  	p1 =	seq.s32 s10, $0x1;
	s10 =	sld [smem:$0x3FBA];
	_ =	sdelay $0x3  }
0x37: {  	[smem:$0x3FBA] =	sst s10  }
0x38: {  	s10 =	sld [smem:$0x3FBB]  }
0x39: {  	_ = 	snop;
	(pc) =	sbr.ind lr, $3  }
0x3a: {  	_ = 	snop  }
0x3b: {  	_ = 	snop  }
0x3c: {  	p2 =	seq.s32 s10, $0x1;
	s10 =	sld [smem:$0x3FBA]  }
0x3d: {  	_ =	shalt  }
0x3e: {  	_ =	shalt  }
0x3f: {  	_ =	shalt  }
0x40: {  	_ =	shalt  }
0x41: {  	_ =	shalt  }
0x42: {  	_ =	shalt  }
0x43: {  	_ =	shalt  }
0x44: {  	_ =	shalt  }
0x45: {  	_ =	shalt  }
0x46: {  	_ =	shalt  }
0x47: {  	_ =	shalt  }
0x48: {  	_ =	shalt  }
0x49: {  	_ =	shalt  }
0x4a: {  	_ =	shalt  }
0x4b: {  	_ =	shalt  }
0x4c: {  	_ =	shalt  }
0x4d: {  	_ =	shalt  }
0x4e: {  	_ =	shalt  }
0x4f: {  	_ =	shalt  }
0x50: {  	_ =	shalt  }
0x51: {  	_ =	shalt  }
0x52: {  	_ =	shalt  }
0x53: {  	_ =	shalt  }
0x54: {  	_ =	shalt  }
0x55: {  	_ =	shalt  }
0x56: {  	_ =	shalt  }
0x57: {  	_ =	shalt  }
0x58: {  	_ =	shalt  }
0x59: {  	_ =	shalt  }
0x5a: {  	_ =	shalt  }
0x5b: {  	_ =	shalt  }
0x5c: {  	_ =	shalt  }
0x5d: {  	_ =	shalt  }
0x5e: {  	_ =	shalt  }
0x5f: {  	_ =	shalt  }
0x60: {  	_ =	shalt  }
0x61: {  	_ =	shalt  }
0x62: {  	_ =	shalt  }
0x63: {  	_ =	shalt  }
0x64: {  	_ =	shalt  }
0x65: {  	_ =	shalt  }
0x66: {  	_ =	shalt  }
0x67: {  	_ =	shalt  }
0x68: {  	_ =	shalt  }
0x69: {  	_ =	shalt  }
0x6a: {  	_ =	shalt  }
0x6b: {  	_ =	shalt  }
0x6c: {  	_ =	shalt  }
0x6d: {  	_ =	shalt  }
0x6e: {  	_ =	shalt  }
0x6f: {  	_ =	shalt  }
0x70: {  	_ =	shalt  }
0x71: {  	_ =	shalt  }
0x72: {  	_ =	shalt  }
0x73: {  	_ =	shalt  }
0x74: {  	_ =	shalt  }
0x75: {  	_ =	shalt  }
0x76: {  	_ =	shalt  }
0x77: {  	_ =	shalt  }
0x78: {  	_ =	shalt  }
0x79: {  	_ =	shalt  }
0x7a: {  	_ =	shalt  }
0x7b: {  	_ =	shalt  }
0x7c: {  	_ =	shalt  }
0x7d: {  	_ =	shalt  }
0x7e: {  	_ =	shalt  }
0x7f: {  	_ =	shalt  }
0x80: {  	_ =	shalt  }
0x81: {  	_ =	shalt  }
0x82: {  	_ =	shalt  }
0x83: {  	_ =	shalt  }
0x84: {  	_ =	shalt  }
0x85: {  	_ =	shalt  }
0x86: {  	_ =	shalt  }
0x87: {  	_ =	shalt  }
.Lfunc_end0:
.L_simem_size_0:
called_computation.1_lowered:
.L_overlay_start_0:
0x88: {  	s2 =	sld [smem:$0x3FD9]  }
0x89: {  	s3 =	sld [smem:$0x3FFE];
	_ =	sdelay $0x1  }
0x8a: {  	s1 =	srdreg.scid  }
0x8b: {  	s0 =	sand.u32 $0x1, s1  }
0x8c: {  	s17 =	sshll.u32 s0, $0xA;
	s2 =	sadd.s32 s3, s2  }
0x8d: {  	s2 =	sadd.s32 s2, s17  }
0x8e: {  	[smem:$0x3FC6] =	sst s2  }
0x8f: {  	_ = 	snop  }
0x90: {  	s2 =	sld [smem:$0x3FD0];
	(tm) =	ssettm $0x1  }
0x91: {  	s18 =	sld [smem:$0x3FFB];
	_ =	sdelay $0x3  }
0x92: {  	_ =	strace s18  }
0x93: {  	s3 =	sld [smem:$0x3FFC];
	_ =	sdelay $0x3  }
0x94: {  	_ =	strace s3  }
0x95: {  	s3 =	sld [smem:$0x3FFD];
	_ =	sdelay $0x3  }
0x96: {  	_ =	strace s3  }
0x97: {  	_ =	strace $0x8FFFFFFF  }
0x98: {  	s19 =	sld [smem:$0x3FDB];
	_ =	sdelay $0x1  }
0x99: {  	s4 =	simm.s32 $_scs_section_size  }
0x9a: {  	s5 =	simm.s32 $_size__tile_overlayer_lowered;
	s6 =	simm.s32 $_tile_overlayer_lowered  }
0x9b: {  	s22 =	simm.s32 $0x1BFF;
	s21 =	sshll.u32 s6, $0x1;
	s3 =	sadd.s32 s4, s19  }
0x9c: {  	s7 =	simm.s32 $0x0;
	s20 =	sshll.u32 s5, $0x1;
	s5 =	sadd.s32 s21, s3  }
0x9d: {  	[timem:s7], [sflag:s22] =	dma.local [hbm:s5], s20  }
0x9e: {  	_ =	swait.ge [sflag:s22], s20  }
0x9f: {  	s4 =	ssub.s32 $0x0, s20;
	[sflag:s22] =	ssyncset.done $0x0  }
0xa0: {  	[sflag:s22] =	ssyncadd.s32 s4;
	_ =	sdelay $0x1  }
0xa1: {  	s23 =	simm.s32 $0x1B8B  }
0xa2: {  	_ =	swait.ge [sflag:s23], $0x1  }
0xa3: {  	[sflag:s23] =	ssyncset.done $0x0  }
0xa4: {  	s25 =	simm.s32 $0x1B8E;
	s24 =	sld [smem:$0x3FFE];
	[sflag:s23] =	ssyncadd.s32 $0xFFFFFFFF  }
0xa5: {  	s26 =	simm.s32 $execute0_lowered;
	[smem:$0x3FD2] =	sst s25  }
0xa6: {  	s5 =	sshll.u32 s26, $0x1;
	_ =	strace $0x80000049;
	[dreg:$0x1] =	wrdreg $0xFFFFFFFF  }
0xa7: {  	s28 =	simm.s32 $_size_execute0_lowered;
	s3 =	sadd.s32 s3, s5;
	[dreg:$0x0] =	wrdreg $0x0  }
0xa8: {  	s5 =	sshll.u32 s28, $0x1;
	[dreg:$0x2] =	wrdreg s3  }
0xa9: {  	[dreg:$0x3] =	wrdreg s5  }
0xaa: {  	[dreg:$0x4] =	wrdreg $0xC0  }
0xab: {  	_ =	task [dreg:s7], $0x5FFFF  }
0xac: {  	[dreg:$0x1] =	wrdreg $0xFFFFFFFF  }
0xad: {  	[dreg:$0x0] =	wrdreg $0x60  }
0xae: {  	[dreg:$0x2] =	wrdreg s24  }
0xaf: {  	[dreg:$0x3] =	wrdreg s2  }
0xb0: {  	[dreg:$0x4] =	wrdreg $0x9  }
0xb1: {  	_ =	task.clear_ibuf [dreg:s7], $0x5FFFF;
	_ =	strace $0x90000049  }
0xb2: {  	s29 =	simm.s32 $0x9;
	_ =	strace $0x8000004B  }
0xb3: {  	_ =	swait.ge [sflag:s29], $0x1  }
0xb4: {  	[sflag:s29] =	ssyncadd.s32 $0xFFFFFFFF  }
0xb5: {  	_ =	strace $0x9000004B  }
0xb6: {  	_ =	sfence  }
0xb7: {  	s30 =	sld [smem:$0x0];
	_ =	sdelay $0x2  }
0xb8: {  	s31 =	sshll.u32 s1, $0xD;
	s1 =	sshrl.u32 s1, $0x2  }
0xb9: {  	s3 =	sand.u32 $0x4000, s31;
	s1 =	sadd.s32 s1, s30  }
0xba: {  	s0 =	sor.u32 s3, s0;
	s1 =	sshll.u32 s1, $0x11  }
0xbb: {  	s0 =	sor.u32 s1, s0  }
0xbc: {  	s0 =	sadd.s32 $0x8F2B, s0  }
0xbd: {  	[sflag:s0] =	ssyncadd.remote.s32 $0x1  }
0xbe: {  	_ =	sfence.sel $0xFFFF  }
0xbf: {  	[dreg:$0x0] =	wrdreg $0xFFFFFFFF;
	(pc) =	sbr.abs _section_cstart, $3  }
0xc0: {  	[dreg:$0x1] =	wrdreg $0xFFFFFFFF  }
0xc1: {  	_ =	task.clear_ibuf [dreg:s7], $0x2FFFF;
	_ =	strace $0x9FFFFFFF  }
0xc2: {  	(tm) =	ssettm $0x7FFFFFFF  }
0xc3: {  	_ =	shalt  }
tec
execute0_lowered:
.L_overlay_start_1:
0x0: {  	(tag) =	ssettag $0x1  }
0x1: {  	s0 =	rddreg [dreg:$0x0]  }
0x2: {  	s2 =	rddreg [dreg:$0x1]  }
0x3: {  	s1 =	srdreg.scid;
	s4 =	stileid.u32  }
0x4: {  	s3 =	simm.s32 $0x0;
	s11 =	simm.s32 $0x80;
	s12 =	simm.s32 $0x4000  }
0x5: {  	s13 =	simm.s32 $0x4;
	s18 =	simm.s32 $0x7400;
	s19 =	simm.s32 $0x100  }
0x6: {  	s20 =	simm.s32 $0x8400;
	s21 =	simm.s32 $0x1;
	s22 =	simm.s32 $0xB400  }
0x7: {  	s23 =	simm.s32 $0x400;
	s24 =	simm.s32 $0x20000;
	s25 =	simm.s32 $0x2  }
0x8: {  	v0 =	vlaneseq.u32;
	s26 =	simm.s32 $0x3;
	s28 =	simm.s32 $0xA400;
	s29 =	simm.s32 $0x0  }
0x9: {  	s1 =	sand.u32 $0x1, s1;
	s4 =	sshll.u32 s4, $0x1;
	[smem:$0x7FF] =	sst s3;
	v1 =	vmul.u32 $0x20, v0;
	v3 =	vor.u32 $0x10, v0  }
.Ltmp0:
0xa: {  	v5 =	vor.u32 $0x20, v0;
	v7 =	vor.u32 $0x30, v0;
	v9 =	vor.u32 $0x40, v0;
	s6 =	sor.u32 s1, s4;
	s1 =	ssub.s32 $0x2, s1;
	(pc) =	sbr.rel .LBB2_1-.Ltmp0, $4  }
0xb: {  	v11 =	vor.u32 $0x50, v0;
	v13 =	vor.u32 $0x60, v0;
	v15 =	vor.u32 $0x70, v0;
	_ =	strace $0x8000004A;
	s4 =	sshll.u32 s6, $0x6;
	s5 =	sshrl.u32 s1, $0x1  }
0xc: {  	s6 =	sshll.u32 s6, $0x2;
	v2 =	vor.u32 $0x200, v1;
	v4 =	vor.u32 $0x400, v1;
	v6 =	vor.u32 $0x600, v1;
	s9 =	sadd.s32 s4, s0;
	s4 =	sadd.s32 $0xA00, s0  }
0xd: {  	v8 =	vor.u32 $0x800, v1;
	v10 =	vor.u32 $0xA00, v1;
	s31 =	ssub.s32 s1, s5;
	s5 =	sadd.s32 $0x3D1400, s9;
	s7 =	sadd.s32 $0x3D1410, s9  }
0xe: {  	v12 =	vor.u32 $0xC00, v1;
	v14 =	vor.u32 $0xE00, v1;
	s8 =	sadd.s32 $0x3D1420, s9;
	s9 =	sadd.s32 $0x3D1430, s9;
	s10 =	smax.u32 s31, $0x1  }
.LBB2_10:
0xf: {  	s29 =	sadd.s32 $0x1, s29  }
0x10: {  	_ =	swait.ge [sflag:s25], $0x1000;
	p0 =	sne.s32 s29, s10  }
.Ltmp1:
0x11: {  	[sflag:s25] =	ssyncset.done $0x0;
	(pc) =	sbr.rel @!p0 .LBB2_11-.Ltmp1, $4  }
0x12: {  	[sflag:s25] =	ssyncadd.s32 $0xFFFFF000  }
0x13: {  	_ =	swait.ge [sflag:s26], $0x1000  }
0x14: {  	[sflag:s26] =	ssyncset.done $0x0  }
0x15: {  	[sflag:s26] =	ssyncadd.s32 $0xFFFFF000  }
.LBB2_1:
0x16: {  	[tilespmem:s3], [sflag:$0x4] =	stream.strided.gather [hbm4b:s5+s11], $0x1900, s12, s11, $0x38;
	[tilespmem:$0xC400] =	vst v63  }
0x17: {  	_ =	swait.ge [sflag:s13], $0x1900  }
0x18: {  	[sflag:s13] =	ssyncset.done $0x0  }
0x19: {  	s0 =	simm.s32 $0x1900;
	[sflag:s13] =	ssyncadd.s32 $0xFFFFE700  }
0x1a: {  	[tilespmem:s0], [sflag:$0x4] =	stream.strided.gather [hbm4b:s7+s11], $0x1900, s12, s11, $0x38;
	[tilespmem:$0xC400] =	vst v63  }
0x1b: {  	_ =	swait.ge [sflag:s13], $0x1900  }
0x1c: {  	[sflag:s13] =	ssyncset.done $0x0  }
0x1d: {  	s16 =	simm.s32 $0x3200;
	[sflag:s13] =	ssyncadd.s32 $0xFFFFE700  }
0x1e: {  	[tilespmem:s16], [sflag:$0x4] =	stream.strided.gather [hbm4b:s8+s11], $0x1900, s12, s11, $0x38;
	[tilespmem:$0xC400] =	vst v63  }
0x1f: {  	_ =	swait.ge [sflag:s13], $0x1900  }
0x20: {  	[sflag:s13] =	ssyncset.done $0x0  }
0x21: {  	s17 =	simm.s32 $0x4B00;
	[sflag:s13] =	ssyncadd.s32 $0xFFFFE700  }
0x22: {  	[tilespmem:s17], [sflag:$0x4] =	stream.strided.gather [hbm4b:s9+s11], $0x1900, s12, s11, $0x38;
	[tilespmem:$0xC400] =	vst v63  }
0x23: {  	_ =	swait.ge [sflag:s13], $0x1900  }
0x24: {  	[sflag:s13] =	ssyncset.done $0x0  }
0x25: {  	s31 =	simm.s32 $0x6400;
	[sflag:s13] =	ssyncadd.s32 $0xFFFFE700  }
0x26: {  	[tilespmem:s31], [sflag:$0x1] =	stream.indirect.gather [hbm4b:s4+s11], $0x20, s3, s11, $0xb8;
	[tilespmem:$0xC400] =	vst v63  }
.Ltmp2:
0x27: {  	_ = 	snop;
	(pc) =	sbr.rel .LBB2_2-.Ltmp2, $4  }
0x28: {  	_ = 	snop  }
0x29: {  	[tilespmem:s18], [sflag:$0x1] =	stream.indirect.gather [hbm4b:s4+s11], $0x20, s11, s11, $0xb8;
	[tilespmem:$0xC400] =	vst v63  }
0x2a: {  	s30 =	simm.s32 $0x0  }
0x2b: {  	[tilespmem:s20], [sflag:$0x1] =	stream.indirect.gather [hbm4b:s4+s11], $0x20, s19, s11, $0xb8;
	[tilespmem:$0xC400] =	vst v63  }
.LBB2_9:
0x2c: {  	s30 =	sadd.s32 $0x1, s30  }
0x2d: {  	p0 =	sne.s32 s30, $0xC8  }
.Ltmp3:
0x2e: {  	_ = 	snop;
	(pc) =	sbr.rel @!p0 .LBB2_10-.Ltmp3, $1  }
0x2f: {  	_ =	sdelay $0x3  }
.LBB2_2:
0x30: {  	p0 =	sgt.u32 s30, $0xC4  }
0x31: {  	s0 =	sadd.s32 @!p0 $0x3, s30  }
0x32: {  	s1 =	smul.u32 @!p0 $0x29, s0;
	_ =	sdelay $0x1  }
0x33: {  	s1 =	sshrl.u32 @!p0 s1, $0xB  }
0x34: {  	s1 =	sand.u32 @!p0 $0x1F, s1  }
0x35: {  	s14 =	smul.u32 @!p0 $0x32, s1;
	_ =	sdelay $0x1  }
0x36: {  	s1 =	smul.u32 @!p0 $0x6400, s1;
	s14 =	ssub.s32 @!p0 s0, s14  }
0x37: {  	s0 =	sshll.u32 @!p0 s0, $0xC;
	s14 =	sand.u32 @!p0 $0xFF, s14  }
0x38: {  	s1 =	sshrl.u32 @!p0 s1, $0x2;
	s0 =	sand.u32 @!p0 $0x3000, s0;
	s14 =	sshll.u32 @!p0 s14, $0x7  }
0x39: {  	s0 =	sadd.s32 @!p0 $0x6400, s0;
	s1 =	sadd.s32 @!p0 s14, s1;
	s14 =	simm.s32 @!p0 $0x80  }
0x3a: {  	[tilespmem:s0], [sflag:$0x1] =	stream.indirect.gather @!p0 [hbm4b:s4+s14], $0x20, s1, s14, $0xb8;
	[tilespmem:$0xC400] =	vst v63  }
0x3b: {  	s0 =	sand.u32 $0x1, s30  }
0x3c: {  	p0 =	seq.s32 s0, $0x1  }
.Ltmp4:
0x3d: {  	_ = 	snop;
	(pc) =	sbr.rel @p0 .LBB2_6-.Ltmp4, $4  }
0x3e: {  	_ = 	snop  }
0x3f: {  	_ =	swait.ge [sflag:s21], $0x1000  }
0x40: {  	[sflag:s21] =	ssyncset.done $0x0  }
0x41: {  	s31 =	sand.u32 $0x3, s30;
	[sflag:s21] =	ssyncadd.s32 $0xFFFFF000  }
0x42: {  	s1 =	simm.s32 $0x0  }
0x43: {  	s16 =	simm.s32 $0x3;
	v16 =	vadd.s32 s1, v0  }
0x44: {  	v17 =	vadd.s32 s16, v0;
	v31 =	vand.u32 $0x1F, v16  }
0x45: {  	p0 =	slt.u32 s30, $0x2;
	s17 =	simm.s32 $0x2;
	v33 =	vand.u32 $0x1F, v17;
	v18 =	vor.u32 v1, v31  }
0x46: {  	s15 =	simm.s32 $0x1;
	s14 =	simm.s32 @!p0 $0x2;
	v19 =	vadd.s32 s17, v0;
	v20 =	vor.u32 v1, v33  }
0x47: {  	v22 =	vadd.s32 s15, v0;
	_ =	swait.ge @!p0 [sflag:s14], $0x1000;
	v36 =	vand.u32 $0x1F, v19  }
0x48: {  	s15 =	sshll.u32 s31, $0xC;
	v32 =	vand.u32 $0x1F, v22;
	v16 =	vshll.u32 v16, $0x7;
	[sflag:s14] =	ssyncset.done @!p0 $0x0;
	v23 =	vor.u32 v1, v36  }
0x49: {  	s1 =	sadd.s32 $0x6400, s15;
	v17 =	vshll.u32 v17, $0x7;
	v24 =	vor.u32 v1, v32;
	v21 =	vand.u32 $0xF80, v16;
	[sflag:s14] =	ssyncadd.s32 @!p0 $0xFFFFF000  }
0x4a: {  	v37 =	vand.u32 $0xF80, v17;
	v16 =	vor.u32 v0, v21;
	v17 =	vld.idx.msk [tilespmem:v18+s1+$0x0], $0xffff  }
0x4b: {  	v25 =	vor.u32 v2, v31;
	v18 =	vshll.u32 v19, $0x7;
	v19 =	vor.u32 v0, v37;
	v20 =	vld.idx.msk [tilespmem:v20+s1+$0x0], $0xffff  }
0x4c: {  	v22 =	vshll.u32 v22, $0x7;
	v35 =	vand.u32 $0xF80, v18;
	v18 =	vor.u32 v2, v33  }
0x4d: {  	v34 =	vand.u32 $0xF80, v22;
	v23 =	vld.idx.msk [tilespmem:v23+s1+$0x0], $0xffff;
	v22 =	vor.u32 v0, v35  }
0x4e: {  	v26 =	vor.u32 v2, v36;
	v27 =	vor.u32 v0, v34;
	v24 =	vld.idx.msk [tilespmem:v24+s1+$0x0], $0xffff  }
0x4f: {  	v28 =	vor.u32 v2, v32;
	[tilespmem:v16+s28+$0x0] =	vst.idx.msk $0xffff, v17  }
0x50: {  	[tilespmem:v19+s28+$0x0] =	vst.idx.msk $0xffff, v20;
	v17 =	vor.u32 v3, v21;
	v16 =	vld.idx.msk [tilespmem:v25+s1+$0x0], $0xffff  }
0x51: {  	v19 =	vor.u32 v4, v31;
	v20 =	vor.u32 v3, v37;
	v18 =	vld.idx.msk [tilespmem:v18+s1+$0x0], $0xffff  }
0x52: {  	[tilespmem:v22+s28+$0x0] =	vst.idx.msk $0xffff, v23;
	v22 =	vor.u32 v4, v33  }
0x53: {  	[tilespmem:v27+s28+$0x0] =	vst.idx.msk $0xffff, v24;
	v24 =	vor.u32 v3, v35;
	v23 =	vld.idx.msk [tilespmem:v26+s1+$0x0], $0xffff  }
0x54: {  	v25 =	vld.idx.msk [tilespmem:v28+s1+$0x0], $0xffff;
	v28 =	vor.u32 v4, v36;
	v26 =	vor.u32 v3, v34  }
0x55: {  	[tilespmem:v17+s28+$0x0] =	vst.idx.msk $0xffff, v16;
	v16 =	vor.u32 v4, v32  }
0x56: {  	[tilespmem:v20+s28+$0x0] =	vst.idx.msk $0xffff, v18;
	v18 =	vor.u32 v5, v21;
	v17 =	vld.idx.msk [tilespmem:v19+s1+$0x0], $0xffff  }
0x57: {  	s16 =	simm.s32 $0x5;
	v20 =	vor.u32 v6, v31;
	v19 =	vld.idx.msk [tilespmem:v22+s1+$0x0], $0xffff;
	v22 =	vor.u32 v5, v37  }
0x58: {  	v44 =	vadd.s32 s16, v0;
	v29 =	vor.u32 v6, v33;
	[tilespmem:v24+s28+$0x0] =	vst.idx.msk $0xffff, v23  }
0x59: {  	v38 =	vor.u32 v10, v31;
	[tilespmem:v26+s28+$0x0] =	vst.idx.msk $0xffff, v25;
	v24 =	vor.u32 v5, v35;
	v23 =	vld.idx.msk [tilespmem:v28+s1+$0x0], $0xffff  }
0x5a: {  	s17 =	simm.s32 $0x4;
	v39 =	vor.u32 v10, v36;
	v25 =	vor.u32 v5, v34;
	v26 =	vor.u32 v6, v36;
	v16 =	vld.idx.msk [tilespmem:v16+s1+$0x0], $0xffff  }
0x5b: {  	v45 =	vadd.s32 s17, v0;
	v41 =	vor.u32 v8, v32;
	[tilespmem:v18+s28+$0x0] =	vst.idx.msk $0xffff, v17;
	v17 =	vor.u32 v6, v32  }
0x5c: {  	v42 =	vor.u32 v8, v36;
	[tilespmem:v22+s28+$0x0] =	vst.idx.msk $0xffff, v19;
	v19 =	vor.u32 v7, v21;
	v18 =	vld.idx.msk [tilespmem:v20+s1+$0x0], $0xffff  }
0x5d: {  	s16 =	simm.s32 $0x6;
	v50 =	vor.u32 v10, v33;
	v55 =	vor.u32 v12, v33;
	v30 =	vor.u32 v7, v37;
	v20 =	vld.idx.msk [tilespmem:v29+s1+$0x0], $0xffff  }
0x5e: {  	v47 =	vadd.s32 s16, v0;
	v56 =	vor.u32 v12, v32;
	v29 =	vor.u32 v8, v31;
	[tilespmem:v24+s28+$0x0] =	vst.idx.msk $0xffff, v23  }
0x5f: {  	v23 =	vor.u32 v8, v33;
	[tilespmem:v25+s28+$0x0] =	vst.idx.msk $0xffff, v16;
	v16 =	vld.idx.msk [tilespmem:v26+s1+$0x0], $0xffff;
	v25 =	vor.u32 v7, v35  }
0x60: {  	v40 =	vor.u32 v9, v34;
	v43 =	vor.u32 v7, v34;
	v46 =	vor.u32 v9, v21;
	v26 =	vld.idx.msk [tilespmem:v17+s1+$0x0], $0xffff  }
0x61: {  	v61 =	vor.u32 v9, v35;
	v27 =	vor.u32 v15, v37;
	v22 =	vand.u32 $0x1F, v44;
	[tilespmem:v19+s28+$0x0] =	vst.idx.msk $0xffff, v18  }
0x62: {  	v28 =	vor.u32 v10, v32;
	v17 =	vand.u32 $0x1F, v45;
	[tilespmem:v30+s28+$0x0] =	vst.idx.msk $0xffff, v20;
	v20 =	vor.u32 v1, v22  }
0x63: {  	s17 =	simm.s32 $0x7;
	v24 =	vor.u32 v9, v37;
	v18 =	vand.u32 $0x1F, v47;
	v49 =	vor.u32 v1, v17;
	v29 =	vld.idx.msk [tilespmem:v29+s1+$0x0], $0xffff  }
0x64: {  	v19 =	vadd.s32 s17, v0;
	v48 =	vld.idx.msk [tilespmem:v23+s1+$0x0], $0xffff;
	v51 =	vor.u32 v1, v18;
	[tilespmem:v25+s28+$0x0] =	vst.idx.msk $0xffff, v16  }
0x65: {  	v62 =	vshll.u32 v47, $0x7;
	v32 =	vor.u32 v14, v32;
	v23 =	vand.u32 $0x1F, v19;
	[tilespmem:v43+s28+$0x0] =	vst.idx.msk $0xffff, v26;
	v26 =	vld.idx.msk [tilespmem:v42+s1+$0x0], $0xffff  }
0x66: {  	v54 =	vor.u32 v2, v22;
	v57 =	vor.u32 v1, v23;
	v16 =	vshll.u32 v44, $0x7;
	v41 =	vld.idx.msk [tilespmem:v41+s1+$0x0], $0xffff  }
0x67: {  	v25 =	vshll.u32 v19, $0x7;
	v19 =	vand.u32 $0xF80, v16;
	v16 =	vshll.u32 v45, $0x7;
	v63 =	vld.idx.msk [tilespmem:v20+s1+$0x0], $0xffff  }
0x68: {  	v60 =	vor.u32 v2, v17;
	v16 =	vand.u32 $0xF80, v16;
	v59 =	vld.idx.msk [tilespmem:v49+s1+$0x0], $0xffff;
	v53 =	vor.u32 v0, v19  }
0x69: {  	v20 =	vand.u32 $0xF80, v62;
	v58 =	vor.u32 v0, v16;
	[tilespmem:v24+s28+$0x0] =	vst.idx.msk $0xffff, v48;
	v51 =	vld.idx.msk [tilespmem:v51+s1+$0x0], $0xffff  }
0x6a: {  	v25 =	vand.u32 $0xF80, v25;
	[tilespmem:v46+s28+$0x0] =	vst.idx.msk $0xffff, v29;
	v47 =	vor.u32 v0, v20;
	v50 =	vld.idx.msk [tilespmem:v50+s1+$0x0], $0xffff  }
0x6b: {  	v52 =	vor.u32 v2, v18;
	v48 =	vor.u32 v0, v25;
	v44 =	vld.idx.msk [tilespmem:v57+s1+$0x0], $0xffff;
	[tilespmem:v61+s28+$0x0] =	vst.idx.msk $0xffff, v26  }
0x6c: {  	v30 =	vor.u32 v6, v23;
	v62 =	vor.u32 v11, v37;
	v43 =	vld.idx.msk [tilespmem:v38+s1+$0x0], $0xffff;
	[tilespmem:v40+s28+$0x0] =	vst.idx.msk $0xffff, v41  }
0x6d: {  	v61 =	vor.u32 v2, v23;
	v39 =	vld.idx.msk [tilespmem:v39+s1+$0x0], $0xffff;
	[tilespmem:v53+s28+$0x0] =	vst.idx.msk $0xffff, v63;
	v63 =	vor.u32 v11, v21  }
0x6e: {  	v45 =	vor.u32 v4, v18;
	v53 =	vor.u32 v11, v35;
	v41 =	vld.idx.msk [tilespmem:v28+s1+$0x0], $0xffff;
	[tilespmem:v58+s28+$0x0] =	vst.idx.msk $0xffff, v59  }
0x6f: {  	v46 =	vor.u32 v11, v34;
	v38 =	vld.idx.msk [tilespmem:v54+s1+$0x0], $0xffff;
	v54 =	vor.u32 v12, v36;
	[tilespmem:v47+s28+$0x0] =	vst.idx.msk $0xffff, v51  }
0x70: {  	v24 =	vor.u32 v15, v25;
	v29 =	vor.u32 v14, v31;
	v49 =	vld.idx.msk [tilespmem:v60+s1+$0x0], $0xffff;
	[tilespmem:v48+s28+$0x0] =	vst.idx.msk $0xffff, v44  }
0x71: {  	v44 =	vor.u32 v12, v31;
	v48 =	vor.u32 v3, v16;
	[tilespmem:v62+s28+$0x0] =	vst.idx.msk $0xffff, v50;
	v52 =	vld.idx.msk [tilespmem:v52+s1+$0x0], $0xffff  }
0x72: {  	v40 =	vor.u32 v4, v17;
	v60 =	vor.u32 v3, v25;
	v57 =	vld.idx.msk [tilespmem:v61+s1+$0x0], $0xffff;
	[tilespmem:v63+s28+$0x0] =	vst.idx.msk $0xffff, v43  }
0x73: {  	v58 =	vor.u32 v13, v37;
	v62 =	vor.u32 v4, v23;
	v61 =	vld.idx.msk [tilespmem:v55+s1+$0x0], $0xffff;
	[tilespmem:v53+s28+$0x0] =	vst.idx.msk $0xffff, v39  }
0x74: {  	v59 =	vor.u32 v3, v20;
	v63 =	vor.u32 v14, v33;
	[tilespmem:v46+s28+$0x0] =	vst.idx.msk $0xffff, v41;
	v37 =	vld.idx.msk [tilespmem:v54+s1+$0x0], $0xffff  }
0x75: {  	v26 =	vor.u32 v15, v21;
	v47 =	vor.u32 v3, v19;
	v31 =	vor.u32 v14, v36;
	v36 =	vld.idx.msk [tilespmem:v56+s1+$0x0], $0xffff  }
0x76: {  	v41 =	vor.u32 v13, v34;
	v33 =	vld.idx.msk [tilespmem:v44+s1+$0x0], $0xffff;
	[tilespmem:v48+s28+$0x0] =	vst.idx.msk $0xffff, v49;
	v48 =	vor.u32 v4, v22  }
0x77: {  	v28 =	vor.u32 v15, v35;
	v42 =	vld.idx.msk [tilespmem:v40+s1+$0x0], $0xffff;
	v40 =	vor.u32 v13, v35;
	[tilespmem:v60+s28+$0x0] =	vst.idx.msk $0xffff, v57  }
0x78: {  	v43 =	vor.u32 v5, v16;
	v34 =	vor.u32 v15, v34;
	[tilespmem:v58+s28+$0x0] =	vst.idx.msk $0xffff, v61;
	v46 =	vld.idx.msk [tilespmem:v62+s1+$0x0], $0xffff  }
0x79: {  	s14 =	simm.s32 $0x8;
	v44 =	vor.u32 v6, v17;
	[tilespmem:v59+s28+$0x0] =	vst.idx.msk $0xffff, v52;
	v49 =	vor.u32 v5, v25;
	v39 =	vld.idx.msk [tilespmem:v63+s1+$0x0], $0xffff  }
.LBB2_4:
0x7a: {  	p0 =	slt.u32 s14, $0x1C;
	v35 =	vor.u32 v10, v17;
	[tilespmem:v47+s28+$0x0] =	vst.idx.msk $0xffff, v38;
	v38 =	vld.idx.msk [tilespmem:v45+s1+$0x0], $0xffff;
	v21 =	vor.u32 v13, v21;
	s15 =	smov.u32 s14;
	s14 =	sadd.s32 $0x4, s14  }
0x7b: {  	v47 =	vor.u32 v10, v22;
	v45 =	vld.idx.msk [tilespmem:v48+s1+$0x0], $0xffff;
	v48 =	vor.u32 v5, v20;
	[tilespmem:v41+s28+$0x0] =	vst.idx.msk $0xffff, v36  }
0x7c: {  	v36 =	vor.u32 v5, v19;
	v41 =	vor.u32 v6, v18;
	v50 =	vld.idx.msk [tilespmem:v32+s1+$0x0], $0xffff;
	[tilespmem:v40+s28+$0x0] =	vst.idx.msk $0xffff, v37  }
0x7d: {  	v37 =	vor.u32 v6, v22;
	v40 =	vor.u32 v10, v18;
	[tilespmem:v43+s28+$0x0] =	vst.idx.msk $0xffff, v42;
	v31 =	vld.idx.msk [tilespmem:v31+s1+$0x0], $0xffff  }
0x7e: {  	v43 =	vor.u32 v9, v19;
	v42 =	vld.idx.msk [tilespmem:v44+s1+$0x0], $0xffff;
	[tilespmem:v49+s28+$0x0] =	vst.idx.msk $0xffff, v46;
	v44 =	vor.u32 v10, v23  }
0x7f: {  	v46 =	vor.u32 v7, v16;
	v49 =	vor.u32 v8, v22;
	v30 =	vld.idx.msk [tilespmem:v30+s1+$0x0], $0xffff;
	[tilespmem:v27+s28+$0x0] =	vst.idx.msk $0xffff, v39  }
0x80: {  	v32 =	vmov v22;
	v27 =	vor.u32 v8, v17;
	[tilespmem:v48+s28+$0x0] =	vst.idx.msk $0xffff, v38;
	v38 =	vor.u32 v7, v25  }
0x81: {  	v39 =	vor.u32 v8, v23;
	[tilespmem:v36+s28+$0x0] =	vst.idx.msk $0xffff, v45;
	v36 =	vld.idx.msk [tilespmem:v41+s1+$0x0], $0xffff;
	v41 =	vor.u32 v9, v25  }
0x82: {  	v48 =	vor.u32 v8, v18;
	v45 =	vor.u32 v7, v20;
	v37 =	vld.idx.msk [tilespmem:v37+s1+$0x0], $0xffff;
	[tilespmem:v34+s28+$0x0] =	vst.idx.msk $0xffff, v50  }
0x83: {  	v51 =	vor.u32 v7, v19;
	s16 =	sadd.s32 $0x1, s15;
	s17 =	sadd.s32 $0x2, s15;
	v34 =	vadd.s32 s15, v0;
	s15 =	sadd.s32 $0x3, s15;
	v50 =	vor.u32 v9, v16;
	[tilespmem:v21+s28+$0x0] =	vst.idx.msk $0xffff, v33  }
0x84: {  	v21 =	vadd.s32 s16, v0;
	v33 =	vadd.s32 s17, v0;
	v52 =	vadd.s32 s15, v0;
	[tilespmem:v46+s28+$0x0] =	vst.idx.msk $0xffff, v42;
	v42 =	vmovc v18;
	v46 =	vmovc v17  }
0x85: {  	v55 =	vmovc v23;
	v22 =	vand.u32 $0x1F, v21;
	v18 =	vand.u32 $0x1F, v33;
	v53 =	vshll.u32 v52, $0x7;
	v54 =	vld.idx.msk [tilespmem:v27+s1+$0x0], $0xffff;
	[tilespmem:v38+s28+$0x0] =	vst.idx.msk $0xffff, v30  }
0x86: {  	v57 =	vmovc v19;
	v17 =	vand.u32 $0x1F, v34;
	v38 =	vor.u32 v1, v22;
	v56 =	vor.u32 v1, v18;
	v39 =	vld.idx.msk [tilespmem:v39+s1+$0x0], $0xffff  }
0x87: {  	v19 =	vshll.u32 v21, $0x7;
	v23 =	vand.u32 $0x1F, v52;
	v58 =	vor.u32 v1, v17;
	[tilespmem:v45+s28+$0x0] =	vst.idx.msk $0xffff, v36;
	v29 =	vld.idx.msk [tilespmem:v29+s1+$0x0], $0xffff  }
0x88: {  	v19 =	vand.u32 $0xF80, v19;
	v36 =	vor.u32 v1, v23;
	[tilespmem:v51+s28+$0x0] =	vst.idx.msk $0xffff, v37;
	v37 =	vmovc v25;
	v25 =	vand.u32 $0xF80, v53  }
0x89: {  	v30 =	vor.u32 v6, v23;
	v21 =	vmov v16;
	v45 =	vshll.u32 v34, $0x7;
	v34 =	vld.idx.msk [tilespmem:v48+s1+$0x0], $0xffff;
	[tilespmem:v28+s28+$0x0] =	vst.idx.msk $0xffff, v31  }
0x8a: {  	v27 =	vmovc v24;
	v16 =	vand.u32 $0xF80, v45;
	v28 =	vshll.u32 v33, $0x7;
	v33 =	vor.u32 v9, v20;
	v31 =	vld.idx.msk [tilespmem:v49+s1+$0x0], $0xffff;
	v49 =	vmovc v20  }
0x8b: {  	v45 =	vor.u32 v0, v16;
	v20 =	vand.u32 $0xF80, v28;
	v38 =	vld.idx.msk [tilespmem:v38+s1+$0x0], $0xffff;
	[tilespmem:v50+s28+$0x0] =	vst.idx.msk $0xffff, v54  }
0x8c: {  	v51 =	vor.u32 v0, v25;
	v50 =	vor.u32 v0, v20;
	v48 =	vld.idx.msk [tilespmem:v58+s1+$0x0], $0xffff;
	[tilespmem:v41+s28+$0x0] =	vst.idx.msk $0xffff, v39  }
0x8d: {  	v39 =	vor.u32 v2, v17;
	v41 =	vor.u32 v2, v18;
	v44 =	vld.idx.msk [tilespmem:v44+s1+$0x0], $0xffff;
	[tilespmem:v26+s28+$0x0] =	vst.idx.msk $0xffff, v29  }
0x8e: {  	v52 =	vor.u32 v0, v19;
	v24 =	vor.u32 v15, v25;
	v36 =	vld.idx.msk [tilespmem:v36+s1+$0x0], $0xffff  }
0x8f: {  	v53 =	vor.u32 v2, v22;
	v29 =	vor.u32 v14, v46;
	v54 =	vld.idx.msk [tilespmem:v56+s1+$0x0], $0xffff;
	[tilespmem:v33+s28+$0x0] =	vst.idx.msk $0xffff, v34  }
0x90: {  	v33 =	vor.u32 v2, v23;
	[tilespmem:v43+s28+$0x0] =	vst.idx.msk $0xffff, v31;
	v34 =	vld.idx.msk [tilespmem:v40+s1+$0x0], $0xffff;
	v40 =	vor.u32 v11, v37  }
0x91: {  	v28 =	vor.u32 v15, v49;
	v26 =	vor.u32 v15, v21;
	v43 =	vld.idx.msk [tilespmem:v47+s1+$0x0], $0xffff;
	v47 =	vor.u32 v12, v55  }
0x92: {  	[tilespmem:v45+s28+$0x0] =	vst.idx.msk $0xffff, v48;
	v35 =	vld.idx.msk [tilespmem:v35+s1+$0x0], $0xffff;
	v45 =	vor.u32 v11, v57;
	v48 =	vor.u32 v12, v32  }
0x93: {  	v56 =	vor.u32 v11, v49;
	v39 =	vld.idx.msk [tilespmem:v39+s1+$0x0], $0xffff;
	[tilespmem:v52+s28+$0x0] =	vst.idx.msk $0xffff, v38;
	v52 =	vor.u32 v11, v21  }
0x94: {  	v46 =	vor.u32 v12, v46;
	v38 =	vld.idx.msk [tilespmem:v53+s1+$0x0], $0xffff;
	[tilespmem:v51+s28+$0x0] =	vst.idx.msk $0xffff, v36;
	v51 =	vor.u32 v12, v42  }
0x95: {  	v31 =	vor.u32 v14, v42;
	v53 =	vor.u32 v3, v16;
	v58 =	vld.idx.msk [tilespmem:v33+s1+$0x0], $0xffff;
	[tilespmem:v40+s28+$0x0] =	vst.idx.msk $0xffff, v44  }
0x96: {  	v40 =	vor.u32 v4, v17;
	v44 =	vor.u32 v3, v25;
	[tilespmem:v50+s28+$0x0] =	vst.idx.msk $0xffff, v54;
	v50 =	vld.idx.msk [tilespmem:v47+s1+$0x0], $0xffff  }
0x97: {  	v59 =	vor.u32 v4, v23;
	v60 =	vor.u32 v13, v37;
	v54 =	vld.idx.msk [tilespmem:v41+s1+$0x0], $0xffff;
	[tilespmem:v45+s28+$0x0] =	vst.idx.msk $0xffff, v43  }
0x98: {  	v61 =	vor.u32 v3, v20;
	[tilespmem:v52+s28+$0x0] =	vst.idx.msk $0xffff, v35;
	v36 =	vld.idx.msk [tilespmem:v48+s1+$0x0], $0xffff;
	v35 =	vor.u32 v14, v55  }
.Ltmp5:
0x99: {  	v47 =	vor.u32 v3, v19;
	v45 =	vor.u32 v4, v18;
	v33 =	vld.idx.msk [tilespmem:v46+s1+$0x0], $0xffff;
	[tilespmem:v56+s28+$0x0] =	vst.idx.msk $0xffff, v34;
	(pc) =	sbr.rel @p0 .LBB2_4-.Ltmp5, $4  }
0x9a: {  	v41 =	vor.u32 v13, v57;
	v48 =	vor.u32 v4, v22;
	[tilespmem:v53+s28+$0x0] =	vst.idx.msk $0xffff, v39;
	v37 =	vld.idx.msk [tilespmem:v51+s1+$0x0], $0xffff  }
0x9b: {  	v32 =	vor.u32 v14, v32;
	v42 =	vld.idx.msk [tilespmem:v40+s1+$0x0], $0xffff;
	[tilespmem:v44+s28+$0x0] =	vst.idx.msk $0xffff, v58;
	v40 =	vor.u32 v13, v49  }
0x9c: {  	v43 =	vor.u32 v5, v16;
	v34 =	vor.u32 v15, v57;
	v46 =	vld.idx.msk [tilespmem:v59+s1+$0x0], $0xffff;
	[tilespmem:v60+s28+$0x0] =	vst.idx.msk $0xffff, v50  }
0x9d: {  	v44 =	vor.u32 v6, v17;
	v49 =	vor.u32 v5, v25;
	[tilespmem:v61+s28+$0x0] =	vst.idx.msk $0xffff, v54;
	v39 =	vld.idx.msk [tilespmem:v35+s1+$0x0], $0xffff  }
0x9e: {  	_ =	sdelay $0x3  }
0x9f: {  	[tilespmem:v47+s28+$0x0] =	vst.idx.msk $0xffff, v38;
	v45 =	vld.idx.msk [tilespmem:v45+s1+$0x0], $0xffff;
	v63 =	vor.u32 v5, v20  }
0xa0: {  	v62 =	vor.u32 v5, v19;
	v50 =	vor.u32 v6, v18;
	v35 =	vld.idx.msk [tilespmem:v48+s1+$0x0], $0xffff  }
0xa1: {  	v52 =	vor.u32 v6, v22  }
0xa2: {  	[tilespmem:v49+s28+$0x0] =	vst.idx.msk $0xffff, v46  }
0xa3: {  	v53 =	vor.u32 v7, v25;
	[tilespmem:v43+s28+$0x0] =	vst.idx.msk $0xffff, v42;
	v30 =	vld.idx.msk [tilespmem:v30+s1+$0x0], $0xffff  }
0xa4: {  	v54 =	vor.u32 v8, v23;
	v59 =	vor.u32 v7, v16;
	v44 =	vld.idx.msk [tilespmem:v44+s1+$0x0], $0xffff;
	[tilespmem:v63+s28+$0x0] =	vst.idx.msk $0xffff, v45  }
0xa5: {  	v58 =	vor.u32 v7, v20;
	v61 =	vor.u32 v8, v17;
	[tilespmem:v62+s28+$0x0] =	vst.idx.msk $0xffff, v35;
	v57 =	vld.idx.msk [tilespmem:v50+s1+$0x0], $0xffff  }
0xa6: {  	v55 =	vor.u32 v7, v19;
	v60 =	vor.u32 v8, v18;
	v38 =	vld.idx.msk [tilespmem:v52+s1+$0x0], $0xffff  }
0xa7: {  	v56 =	vor.u32 v8, v22  }
0xa8: {  	[tilespmem:v53+s28+$0x0] =	vst.idx.msk $0xffff, v30  }
0xa9: {  	v62 =	vor.u32 v9, v25;
	[tilespmem:v59+s28+$0x0] =	vst.idx.msk $0xffff, v44;
	v35 =	vld.idx.msk [tilespmem:v54+s1+$0x0], $0xffff  }
0xaa: {  	v52 =	vor.u32 v10, v23;
	[tilespmem:v58+s28+$0x0] =	vst.idx.msk $0xffff, v57;
	v57 =	vor.u32 v9, v16;
	v58 =	vld.idx.msk [tilespmem:v61+s1+$0x0], $0xffff  }
0xab: {  	v59 =	vor.u32 v10, v17;
	[tilespmem:v55+s28+$0x0] =	vst.idx.msk $0xffff, v38;
	v54 =	vld.idx.msk [tilespmem:v60+s1+$0x0], $0xffff;
	v55 =	vor.u32 v9, v20  }
0xac: {  	v63 =	vor.u32 v9, v19;
	v42 =	vld.idx.msk [tilespmem:v56+s1+$0x0], $0xffff;
	v56 =	vor.u32 v10, v18  }
0xad: {  	[tilespmem:v41+s28+$0x0] =	vst.idx.msk $0xffff, v36;
	v53 =	vor.u32 v10, v22  }
0xae: {  	[tilespmem:v62+s28+$0x0] =	vst.idx.msk $0xffff, v35  }
0xaf: {  	v60 =	vor.u32 v11, v25;
	v30 =	vld.idx.msk [tilespmem:v52+s1+$0x0], $0xffff;
	[tilespmem:v57+s28+$0x0] =	vst.idx.msk $0xffff, v58  }
0xb0: {  	v50 =	vor.u32 v11, v16;
	v61 =	vor.u32 v12, v23;
	[tilespmem:v55+s28+$0x0] =	vst.idx.msk $0xffff, v54;
	v36 =	vld.idx.msk [tilespmem:v59+s1+$0x0], $0xffff  }
0xb1: {  	v49 =	vor.u32 v11, v20;
	v52 =	vor.u32 v12, v17;
	[tilespmem:v63+s28+$0x0] =	vst.idx.msk $0xffff, v42;
	v63 =	vld.idx.msk [tilespmem:v56+s1+$0x0], $0xffff  }
0xb2: {  	v51 =	vor.u32 v12, v18;
	[tilespmem:v40+s28+$0x0] =	vst.idx.msk $0xffff, v37;
	v62 =	vor.u32 v11, v19;
	v38 =	vld.idx.msk [tilespmem:v53+s1+$0x0], $0xffff  }
0xb3: {  	v21 =	vor.u32 v13, v21;
	v48 =	vor.u32 v12, v22;
	[tilespmem:v27+s28+$0x0] =	vst.idx.msk $0xffff, v39  }
0xb4: {  	v32 =	vld.idx.msk [tilespmem:v32+s1+$0x0], $0xffff;
	[tilespmem:v60+s28+$0x0] =	vst.idx.msk $0xffff, v30  }
0xb5: {  	v53 =	vor.u32 v13, v25;
	v30 =	vld.idx.msk [tilespmem:v61+s1+$0x0], $0xffff;
	[tilespmem:v50+s28+$0x0] =	vst.idx.msk $0xffff, v36  }
0xb6: {  	v55 =	vor.u32 v14, v23;
	v61 =	vor.u32 v13, v16;
	[tilespmem:v49+s28+$0x0] =	vst.idx.msk $0xffff, v63;
	v27 =	vld.idx.msk [tilespmem:v52+s1+$0x0], $0xffff  }
0xb7: {  	v17 =	vor.u32 v14, v17;
	v59 =	vor.u32 v13, v20;
	[tilespmem:v62+s28+$0x0] =	vst.idx.msk $0xffff, v38;
	v57 =	vld.idx.msk [tilespmem:v51+s1+$0x0], $0xffff  }
0xb8: {  	[tilespmem:v21+s28+$0x0] =	vst.idx.msk $0xffff, v33;
	v56 =	vor.u32 v13, v19;
	v60 =	vor.u32 v14, v18;
	v54 =	vld.idx.msk [tilespmem:v48+s1+$0x0], $0xffff  }
0xb9: {  	v31 =	vld.idx.msk [tilespmem:v31+s1+$0x0], $0xffff;
	[tilespmem:v34+s28+$0x0] =	vst.idx.msk $0xffff, v32;
	v58 =	vor.u32 v14, v22  }
0xba: {  	v21 =	vld.idx.msk [tilespmem:v29+s1+$0x0], $0xffff;
	[tilespmem:v53+s28+$0x0] =	vst.idx.msk $0xffff, v30  }
0xbb: {  	s14 =	smulhi.u32 $0x51EB851F, s30;
	v23 =	vld.idx.msk [tilespmem:v55+s1+$0x0], $0xffff;
	[tilespmem:v61+s28+$0x0] =	vst.idx.msk $0xffff, v27  }
0xbc: {  	v16 =	vor.u32 v15, v16;
	[tilespmem:v59+s28+$0x0] =	vst.idx.msk $0xffff, v57;
	v17 =	vld.idx.msk [tilespmem:v17+s1+$0x0], $0xffff  }
0xbd: {  	s14 =	sshrl.u32 s14, $0x4;
	v63 =	vor.u32 v15, v20;
	[tilespmem:v56+s28+$0x0] =	vst.idx.msk $0xffff, v54;
	v18 =	vld.idx.msk [tilespmem:v60+s1+$0x0], $0xffff  }
0xbe: {  	s17 =	smul.u32 $0x32, s14;
	[tilespmem:v28+s28+$0x0] =	vst.idx.msk $0xffff, v31;
	v62 =	vor.u32 v15, v19;
	v22 =	vld.idx.msk [tilespmem:v58+s1+$0x0], $0xffff  }
0xbf: {  	p0 =	seq.s32 s0, $0x0;
	[tilespmem:v26+s28+$0x0] =	vst.idx.msk $0xffff, v21  }
.Ltmp6:
0xc0: {  	s1 =	ssub.s32 s30, s17;
	[tilespmem:v24+s28+$0x0] =	vst.idx.msk $0xffff, v23;
	(pc) =	sbr.rel @p0 .LBB2_9-.Ltmp6, $4  }
0xc1: {  	s14 =	sadd.s32 s6, s14;
	s1 =	sshll.u32 s1, $0x10;
	[tilespmem:v16+s28+$0x0] =	vst.idx.msk $0xffff, v17  }
0xc2: {  	s14 =	sshll.u32 s14, $0x7;
	s1 =	sadd.s32 s2, s1;
	[tilespmem:v63+s28+$0x0] =	vst.idx.msk $0xffff, v18  }
0xc3: {  	s1 =	sadd.s32 s14, s1;
	[tilespmem:v62+s28+$0x0] =	vst.idx.msk $0xffff, v22  }
0xc4: {  	[hbm4b:s1+s23] =	stream.strided.scatter [tilespmem:s28], [sflag:$0x2], $0x1000, s24, s23, $0x38;
	[tilespmem:$0xC400] =	vst v63  }
.LBB2_6:
0xc5: {  	s0 =	simm.s32 $0x0  }
0xc6: {  	s16 =	simm.s32 $0x3;
	v16 =	vadd.s32 s0, v0  }
0xc7: {  	v17 =	vadd.s32 s16, v0;
	v31 =	vand.u32 $0x1F, v16  }
0xc8: {  	p0 =	slt.u32 s30, $0x2;
	s17 =	simm.s32 $0x2;
	v33 =	vand.u32 $0x1F, v17;
	v18 =	vor.u32 v1, v31  }
0xc9: {  	s14 =	simm.s32 $0x1;
	s1 =	simm.s32 @!p0 $0x3;
	v19 =	vadd.s32 s17, v0;
	v20 =	vor.u32 v1, v33  }
0xca: {  	v22 =	vadd.s32 s14, v0;
	_ =	swait.ge @!p0 [sflag:s1], $0x1000;
	v36 =	vand.u32 $0x1F, v19  }
0xcb: {  	s14 =	sshll.u32 s31, $0xC;
	v32 =	vand.u32 $0x1F, v22;
	v16 =	vshll.u32 v16, $0x7;
	[sflag:s1] =	ssyncset.done @!p0 $0x0;
	v23 =	vor.u32 v1, v36  }
0xcc: {  	s0 =	sadd.s32 $0x6400, s14;
	v17 =	vshll.u32 v17, $0x7;
	v24 =	vor.u32 v1, v32;
	v21 =	vand.u32 $0xF80, v16;
	[sflag:s1] =	ssyncadd.s32 @!p0 $0xFFFFF000  }
0xcd: {  	v37 =	vand.u32 $0xF80, v17;
	v16 =	vor.u32 v0, v21;
	v17 =	vld.idx.msk [tilespmem:v18+s0+$0x0], $0xffff  }
0xce: {  	v25 =	vor.u32 v2, v31;
	v18 =	vshll.u32 v19, $0x7;
	v19 =	vor.u32 v0, v37;
	v20 =	vld.idx.msk [tilespmem:v20+s0+$0x0], $0xffff  }
0xcf: {  	v22 =	vshll.u32 v22, $0x7;
	v35 =	vand.u32 $0xF80, v18;
	v18 =	vor.u32 v2, v33  }
0xd0: {  	v34 =	vand.u32 $0xF80, v22;
	v23 =	vld.idx.msk [tilespmem:v23+s0+$0x0], $0xffff;
	v22 =	vor.u32 v0, v35  }
0xd1: {  	v26 =	vor.u32 v2, v36;
	v27 =	vor.u32 v0, v34;
	v24 =	vld.idx.msk [tilespmem:v24+s0+$0x0], $0xffff  }
0xd2: {  	v28 =	vor.u32 v2, v32;
	[tilespmem:v16+s22+$0x0] =	vst.idx.msk $0xffff, v17  }
0xd3: {  	[tilespmem:v19+s22+$0x0] =	vst.idx.msk $0xffff, v20;
	v17 =	vor.u32 v3, v21;
	v16 =	vld.idx.msk [tilespmem:v25+s0+$0x0], $0xffff  }
0xd4: {  	v19 =	vor.u32 v4, v31;
	v20 =	vor.u32 v3, v37;
	v18 =	vld.idx.msk [tilespmem:v18+s0+$0x0], $0xffff  }
0xd5: {  	[tilespmem:v22+s22+$0x0] =	vst.idx.msk $0xffff, v23;
	v22 =	vor.u32 v4, v33  }
0xd6: {  	[tilespmem:v27+s22+$0x0] =	vst.idx.msk $0xffff, v24;
	v24 =	vor.u32 v3, v35;
	v23 =	vld.idx.msk [tilespmem:v26+s0+$0x0], $0xffff  }
0xd7: {  	v25 =	vld.idx.msk [tilespmem:v28+s0+$0x0], $0xffff;
	v28 =	vor.u32 v4, v36;
	v26 =	vor.u32 v3, v34  }
0xd8: {  	[tilespmem:v17+s22+$0x0] =	vst.idx.msk $0xffff, v16;
	v16 =	vor.u32 v4, v32  }
0xd9: {  	[tilespmem:v20+s22+$0x0] =	vst.idx.msk $0xffff, v18;
	v18 =	vor.u32 v5, v21;
	v17 =	vld.idx.msk [tilespmem:v19+s0+$0x0], $0xffff  }
0xda: {  	s15 =	simm.s32 $0x5;
	v20 =	vor.u32 v6, v31;
	v19 =	vld.idx.msk [tilespmem:v22+s0+$0x0], $0xffff;
	v22 =	vor.u32 v5, v37  }
0xdb: {  	v44 =	vadd.s32 s15, v0;
	v29 =	vor.u32 v6, v33;
	[tilespmem:v24+s22+$0x0] =	vst.idx.msk $0xffff, v23  }
0xdc: {  	v38 =	vor.u32 v10, v31;
	[tilespmem:v26+s22+$0x0] =	vst.idx.msk $0xffff, v25;
	v24 =	vor.u32 v5, v35;
	v23 =	vld.idx.msk [tilespmem:v28+s0+$0x0], $0xffff  }
0xdd: {  	s16 =	simm.s32 $0x4;
	v39 =	vor.u32 v10, v36;
	v25 =	vor.u32 v5, v34;
	v26 =	vor.u32 v6, v36;
	v16 =	vld.idx.msk [tilespmem:v16+s0+$0x0], $0xffff  }
0xde: {  	v45 =	vadd.s32 s16, v0;
	v41 =	vor.u32 v8, v32;
	[tilespmem:v18+s22+$0x0] =	vst.idx.msk $0xffff, v17;
	v17 =	vor.u32 v6, v32  }
0xdf: {  	v42 =	vor.u32 v8, v36;
	[tilespmem:v22+s22+$0x0] =	vst.idx.msk $0xffff, v19;
	v19 =	vor.u32 v7, v21;
	v18 =	vld.idx.msk [tilespmem:v20+s0+$0x0], $0xffff  }
0xe0: {  	s17 =	simm.s32 $0x6;
	v50 =	vor.u32 v10, v33;
	v55 =	vor.u32 v12, v33;
	v30 =	vor.u32 v7, v37;
	v20 =	vld.idx.msk [tilespmem:v29+s0+$0x0], $0xffff  }
0xe1: {  	v47 =	vadd.s32 s17, v0;
	v56 =	vor.u32 v12, v32;
	v29 =	vor.u32 v8, v31;
	[tilespmem:v24+s22+$0x0] =	vst.idx.msk $0xffff, v23  }
0xe2: {  	v23 =	vor.u32 v8, v33;
	[tilespmem:v25+s22+$0x0] =	vst.idx.msk $0xffff, v16;
	v16 =	vld.idx.msk [tilespmem:v26+s0+$0x0], $0xffff;
	v25 =	vor.u32 v7, v35  }
0xe3: {  	v40 =	vor.u32 v9, v34;
	v43 =	vor.u32 v7, v34;
	v46 =	vor.u32 v9, v21;
	v26 =	vld.idx.msk [tilespmem:v17+s0+$0x0], $0xffff  }
0xe4: {  	v61 =	vor.u32 v9, v35;
	v27 =	vor.u32 v15, v37;
	v22 =	vand.u32 $0x1F, v44;
	[tilespmem:v19+s22+$0x0] =	vst.idx.msk $0xffff, v18  }
0xe5: {  	v28 =	vor.u32 v10, v32;
	v17 =	vand.u32 $0x1F, v45;
	[tilespmem:v30+s22+$0x0] =	vst.idx.msk $0xffff, v20;
	v20 =	vor.u32 v1, v22  }
0xe6: {  	s31 =	simm.s32 $0x7;
	v24 =	vor.u32 v9, v37;
	v18 =	vand.u32 $0x1F, v47;
	v49 =	vor.u32 v1, v17;
	v29 =	vld.idx.msk [tilespmem:v29+s0+$0x0], $0xffff  }
0xe7: {  	v19 =	vadd.s32 s31, v0;
	v48 =	vld.idx.msk [tilespmem:v23+s0+$0x0], $0xffff;
	v51 =	vor.u32 v1, v18;
	[tilespmem:v25+s22+$0x0] =	vst.idx.msk $0xffff, v16  }
0xe8: {  	v62 =	vshll.u32 v47, $0x7;
	v32 =	vor.u32 v14, v32;
	v23 =	vand.u32 $0x1F, v19;
	[tilespmem:v43+s22+$0x0] =	vst.idx.msk $0xffff, v26;
	v26 =	vld.idx.msk [tilespmem:v42+s0+$0x0], $0xffff  }
0xe9: {  	v54 =	vor.u32 v2, v22;
	v57 =	vor.u32 v1, v23;
	v16 =	vshll.u32 v44, $0x7;
	v41 =	vld.idx.msk [tilespmem:v41+s0+$0x0], $0xffff  }
0xea: {  	v25 =	vshll.u32 v19, $0x7;
	v19 =	vand.u32 $0xF80, v16;
	v16 =	vshll.u32 v45, $0x7;
	v63 =	vld.idx.msk [tilespmem:v20+s0+$0x0], $0xffff  }
0xeb: {  	v60 =	vor.u32 v2, v17;
	v16 =	vand.u32 $0xF80, v16;
	v59 =	vld.idx.msk [tilespmem:v49+s0+$0x0], $0xffff;
	v53 =	vor.u32 v0, v19  }
0xec: {  	v20 =	vand.u32 $0xF80, v62;
	v58 =	vor.u32 v0, v16;
	[tilespmem:v24+s22+$0x0] =	vst.idx.msk $0xffff, v48;
	v51 =	vld.idx.msk [tilespmem:v51+s0+$0x0], $0xffff  }
0xed: {  	v25 =	vand.u32 $0xF80, v25;
	[tilespmem:v46+s22+$0x0] =	vst.idx.msk $0xffff, v29;
	v47 =	vor.u32 v0, v20;
	v50 =	vld.idx.msk [tilespmem:v50+s0+$0x0], $0xffff  }
0xee: {  	v52 =	vor.u32 v2, v18;
	v48 =	vor.u32 v0, v25;
	v44 =	vld.idx.msk [tilespmem:v57+s0+$0x0], $0xffff;
	[tilespmem:v61+s22+$0x0] =	vst.idx.msk $0xffff, v26  }
0xef: {  	v30 =	vor.u32 v6, v23;
	v62 =	vor.u32 v11, v37;
	v43 =	vld.idx.msk [tilespmem:v38+s0+$0x0], $0xffff;
	[tilespmem:v40+s22+$0x0] =	vst.idx.msk $0xffff, v41  }
0xf0: {  	v61 =	vor.u32 v2, v23;
	v39 =	vld.idx.msk [tilespmem:v39+s0+$0x0], $0xffff;
	[tilespmem:v53+s22+$0x0] =	vst.idx.msk $0xffff, v63;
	v63 =	vor.u32 v11, v21  }
0xf1: {  	v45 =	vor.u32 v4, v18;
	v53 =	vor.u32 v11, v35;
	v41 =	vld.idx.msk [tilespmem:v28+s0+$0x0], $0xffff;
	[tilespmem:v58+s22+$0x0] =	vst.idx.msk $0xffff, v59  }
0xf2: {  	v46 =	vor.u32 v11, v34;
	v38 =	vld.idx.msk [tilespmem:v54+s0+$0x0], $0xffff;
	v54 =	vor.u32 v12, v36;
	[tilespmem:v47+s22+$0x0] =	vst.idx.msk $0xffff, v51  }
0xf3: {  	v24 =	vor.u32 v15, v25;
	v29 =	vor.u32 v14, v31;
	v49 =	vld.idx.msk [tilespmem:v60+s0+$0x0], $0xffff;
	[tilespmem:v48+s22+$0x0] =	vst.idx.msk $0xffff, v44  }
0xf4: {  	v44 =	vor.u32 v12, v31;
	v48 =	vor.u32 v3, v16;
	[tilespmem:v62+s22+$0x0] =	vst.idx.msk $0xffff, v50;
	v52 =	vld.idx.msk [tilespmem:v52+s0+$0x0], $0xffff  }
0xf5: {  	v40 =	vor.u32 v4, v17;
	v60 =	vor.u32 v3, v25;
	v57 =	vld.idx.msk [tilespmem:v61+s0+$0x0], $0xffff;
	[tilespmem:v63+s22+$0x0] =	vst.idx.msk $0xffff, v43  }
0xf6: {  	v58 =	vor.u32 v13, v37;
	v62 =	vor.u32 v4, v23;
	v61 =	vld.idx.msk [tilespmem:v55+s0+$0x0], $0xffff;
	[tilespmem:v53+s22+$0x0] =	vst.idx.msk $0xffff, v39  }
0xf7: {  	v59 =	vor.u32 v3, v20;
	v63 =	vor.u32 v14, v33;
	[tilespmem:v46+s22+$0x0] =	vst.idx.msk $0xffff, v41;
	v37 =	vld.idx.msk [tilespmem:v54+s0+$0x0], $0xffff  }
0xf8: {  	v26 =	vor.u32 v15, v21;
	v47 =	vor.u32 v3, v19;
	v31 =	vor.u32 v14, v36;
	v36 =	vld.idx.msk [tilespmem:v56+s0+$0x0], $0xffff  }
0xf9: {  	v41 =	vor.u32 v13, v34;
	v33 =	vld.idx.msk [tilespmem:v44+s0+$0x0], $0xffff;
	[tilespmem:v48+s22+$0x0] =	vst.idx.msk $0xffff, v49;
	v48 =	vor.u32 v4, v22  }
0xfa: {  	v28 =	vor.u32 v15, v35;
	v42 =	vld.idx.msk [tilespmem:v40+s0+$0x0], $0xffff;
	v40 =	vor.u32 v13, v35;
	[tilespmem:v60+s22+$0x0] =	vst.idx.msk $0xffff, v57  }
0xfb: {  	v43 =	vor.u32 v5, v16;
	v34 =	vor.u32 v15, v34;
	[tilespmem:v58+s22+$0x0] =	vst.idx.msk $0xffff, v61;
	v46 =	vld.idx.msk [tilespmem:v62+s0+$0x0], $0xffff  }
0xfc: {  	s1 =	simm.s32 $0x8;
	v44 =	vor.u32 v6, v17;
	[tilespmem:v59+s22+$0x0] =	vst.idx.msk $0xffff, v52;
	v49 =	vor.u32 v5, v25;
	v39 =	vld.idx.msk [tilespmem:v63+s0+$0x0], $0xffff  }
.LBB2_7:
0xfd: {  	p0 =	slt.u32 s1, $0x1C;
	v35 =	vor.u32 v10, v17;
	[tilespmem:v47+s22+$0x0] =	vst.idx.msk $0xffff, v38;
	v38 =	vld.idx.msk [tilespmem:v45+s0+$0x0], $0xffff;
	v21 =	vor.u32 v13, v21;
	s14 =	smov.u32 s1;
	s1 =	sadd.s32 $0x4, s1  }
0xfe: {  	v47 =	vor.u32 v10, v22;
	v45 =	vld.idx.msk [tilespmem:v48+s0+$0x0], $0xffff;
	v48 =	vor.u32 v5, v20;
	[tilespmem:v41+s22+$0x0] =	vst.idx.msk $0xffff, v36  }
0xff: {  	v36 =	vor.u32 v5, v19;
	v41 =	vor.u32 v6, v18;
	v50 =	vld.idx.msk [tilespmem:v32+s0+$0x0], $0xffff;
	[tilespmem:v40+s22+$0x0] =	vst.idx.msk $0xffff, v37  }
0x100: {  	v37 =	vor.u32 v6, v22;
	v40 =	vor.u32 v10, v18;
	[tilespmem:v43+s22+$0x0] =	vst.idx.msk $0xffff, v42;
	v31 =	vld.idx.msk [tilespmem:v31+s0+$0x0], $0xffff  }
0x101: {  	v43 =	vor.u32 v9, v19;
	v42 =	vld.idx.msk [tilespmem:v44+s0+$0x0], $0xffff;
	[tilespmem:v49+s22+$0x0] =	vst.idx.msk $0xffff, v46;
	v44 =	vor.u32 v10, v23  }
0x102: {  	v46 =	vor.u32 v7, v16;
	v49 =	vor.u32 v8, v22;
	v30 =	vld.idx.msk [tilespmem:v30+s0+$0x0], $0xffff;
	[tilespmem:v27+s22+$0x0] =	vst.idx.msk $0xffff, v39  }
0x103: {  	v32 =	vmov v22;
	v27 =	vor.u32 v8, v17;
	[tilespmem:v48+s22+$0x0] =	vst.idx.msk $0xffff, v38;
	v38 =	vor.u32 v7, v25  }
0x104: {  	v39 =	vor.u32 v8, v23;
	[tilespmem:v36+s22+$0x0] =	vst.idx.msk $0xffff, v45;
	v36 =	vld.idx.msk [tilespmem:v41+s0+$0x0], $0xffff;
	v41 =	vor.u32 v9, v25  }
0x105: {  	v48 =	vor.u32 v8, v18;
	v45 =	vor.u32 v7, v20;
	v37 =	vld.idx.msk [tilespmem:v37+s0+$0x0], $0xffff;
	[tilespmem:v34+s22+$0x0] =	vst.idx.msk $0xffff, v50  }
0x106: {  	v51 =	vor.u32 v7, v19;
	s15 =	sadd.s32 $0x1, s14;
	s16 =	sadd.s32 $0x2, s14;
	v34 =	vadd.s32 s14, v0;
	s14 =	sadd.s32 $0x3, s14;
	v50 =	vor.u32 v9, v16;
	[tilespmem:v21+s22+$0x0] =	vst.idx.msk $0xffff, v33  }
0x107: {  	v21 =	vadd.s32 s15, v0;
	v33 =	vadd.s32 s16, v0;
	v52 =	vadd.s32 s14, v0;
	[tilespmem:v46+s22+$0x0] =	vst.idx.msk $0xffff, v42;
	v42 =	vmovc v18;
	v46 =	vmovc v17  }
0x108: {  	v55 =	vmovc v23;
	v22 =	vand.u32 $0x1F, v21;
	v18 =	vand.u32 $0x1F, v33;
	v53 =	vshll.u32 v52, $0x7;
	v54 =	vld.idx.msk [tilespmem:v27+s0+$0x0], $0xffff;
	[tilespmem:v38+s22+$0x0] =	vst.idx.msk $0xffff, v30  }
0x109: {  	v57 =	vmovc v19;
	v17 =	vand.u32 $0x1F, v34;
	v38 =	vor.u32 v1, v22;
	v56 =	vor.u32 v1, v18;
	v39 =	vld.idx.msk [tilespmem:v39+s0+$0x0], $0xffff  }
0x10a: {  	v19 =	vshll.u32 v21, $0x7;
	v23 =	vand.u32 $0x1F, v52;
	v58 =	vor.u32 v1, v17;
	[tilespmem:v45+s22+$0x0] =	vst.idx.msk $0xffff, v36;
	v29 =	vld.idx.msk [tilespmem:v29+s0+$0x0], $0xffff  }
0x10b: {  	v19 =	vand.u32 $0xF80, v19;
	v36 =	vor.u32 v1, v23;
	[tilespmem:v51+s22+$0x0] =	vst.idx.msk $0xffff, v37;
	v37 =	vmovc v25;
	v25 =	vand.u32 $0xF80, v53  }
0x10c: {  	v30 =	vor.u32 v6, v23;
	v21 =	vmov v16;
	v45 =	vshll.u32 v34, $0x7;
	v34 =	vld.idx.msk [tilespmem:v48+s0+$0x0], $0xffff;
	[tilespmem:v28+s22+$0x0] =	vst.idx.msk $0xffff, v31  }
0x10d: {  	v27 =	vmovc v24;
	v16 =	vand.u32 $0xF80, v45;
	v28 =	vshll.u32 v33, $0x7;
	v33 =	vor.u32 v9, v20;
	v31 =	vld.idx.msk [tilespmem:v49+s0+$0x0], $0xffff;
	v49 =	vmovc v20  }
0x10e: {  	v45 =	vor.u32 v0, v16;
	v20 =	vand.u32 $0xF80, v28;
	v38 =	vld.idx.msk [tilespmem:v38+s0+$0x0], $0xffff;
	[tilespmem:v50+s22+$0x0] =	vst.idx.msk $0xffff, v54  }
0x10f: {  	v51 =	vor.u32 v0, v25;
	v50 =	vor.u32 v0, v20;
	v48 =	vld.idx.msk [tilespmem:v58+s0+$0x0], $0xffff;
	[tilespmem:v41+s22+$0x0] =	vst.idx.msk $0xffff, v39  }
0x110: {  	v39 =	vor.u32 v2, v17;
	v41 =	vor.u32 v2, v18;
	v44 =	vld.idx.msk [tilespmem:v44+s0+$0x0], $0xffff;
	[tilespmem:v26+s22+$0x0] =	vst.idx.msk $0xffff, v29  }
0x111: {  	v52 =	vor.u32 v0, v19;
	v24 =	vor.u32 v15, v25;
	v36 =	vld.idx.msk [tilespmem:v36+s0+$0x0], $0xffff  }
0x112: {  	v53 =	vor.u32 v2, v22;
	v29 =	vor.u32 v14, v46;
	v54 =	vld.idx.msk [tilespmem:v56+s0+$0x0], $0xffff;
	[tilespmem:v33+s22+$0x0] =	vst.idx.msk $0xffff, v34  }
0x113: {  	v33 =	vor.u32 v2, v23;
	[tilespmem:v43+s22+$0x0] =	vst.idx.msk $0xffff, v31;
	v34 =	vld.idx.msk [tilespmem:v40+s0+$0x0], $0xffff;
	v40 =	vor.u32 v11, v37  }
0x114: {  	v28 =	vor.u32 v15, v49;
	v26 =	vor.u32 v15, v21;
	v43 =	vld.idx.msk [tilespmem:v47+s0+$0x0], $0xffff;
	v47 =	vor.u32 v12, v55  }
0x115: {  	[tilespmem:v45+s22+$0x0] =	vst.idx.msk $0xffff, v48;
	v35 =	vld.idx.msk [tilespmem:v35+s0+$0x0], $0xffff;
	v45 =	vor.u32 v11, v57;
	v48 =	vor.u32 v12, v32  }
0x116: {  	v56 =	vor.u32 v11, v49;
	v39 =	vld.idx.msk [tilespmem:v39+s0+$0x0], $0xffff;
	[tilespmem:v52+s22+$0x0] =	vst.idx.msk $0xffff, v38;
	v52 =	vor.u32 v11, v21  }
0x117: {  	v46 =	vor.u32 v12, v46;
	v38 =	vld.idx.msk [tilespmem:v53+s0+$0x0], $0xffff;
	[tilespmem:v51+s22+$0x0] =	vst.idx.msk $0xffff, v36;
	v51 =	vor.u32 v12, v42  }
0x118: {  	v31 =	vor.u32 v14, v42;
	v53 =	vor.u32 v3, v16;
	v58 =	vld.idx.msk [tilespmem:v33+s0+$0x0], $0xffff;
	[tilespmem:v40+s22+$0x0] =	vst.idx.msk $0xffff, v44  }
0x119: {  	v40 =	vor.u32 v4, v17;
	v44 =	vor.u32 v3, v25;
	[tilespmem:v50+s22+$0x0] =	vst.idx.msk $0xffff, v54;
	v50 =	vld.idx.msk [tilespmem:v47+s0+$0x0], $0xffff  }
0x11a: {  	v59 =	vor.u32 v4, v23;
	v60 =	vor.u32 v13, v37;
	v54 =	vld.idx.msk [tilespmem:v41+s0+$0x0], $0xffff;
	[tilespmem:v45+s22+$0x0] =	vst.idx.msk $0xffff, v43  }
0x11b: {  	v61 =	vor.u32 v3, v20;
	[tilespmem:v52+s22+$0x0] =	vst.idx.msk $0xffff, v35;
	v36 =	vld.idx.msk [tilespmem:v48+s0+$0x0], $0xffff;
	v35 =	vor.u32 v14, v55  }
.Ltmp7:
0x11c: {  	v47 =	vor.u32 v3, v19;
	v45 =	vor.u32 v4, v18;
	v33 =	vld.idx.msk [tilespmem:v46+s0+$0x0], $0xffff;
	[tilespmem:v56+s22+$0x0] =	vst.idx.msk $0xffff, v34;
	(pc) =	sbr.rel @p0 .LBB2_7-.Ltmp7, $4  }
0x11d: {  	v41 =	vor.u32 v13, v57;
	v48 =	vor.u32 v4, v22;
	[tilespmem:v53+s22+$0x0] =	vst.idx.msk $0xffff, v39;
	v37 =	vld.idx.msk [tilespmem:v51+s0+$0x0], $0xffff  }
0x11e: {  	v32 =	vor.u32 v14, v32;
	v42 =	vld.idx.msk [tilespmem:v40+s0+$0x0], $0xffff;
	[tilespmem:v44+s22+$0x0] =	vst.idx.msk $0xffff, v58;
	v40 =	vor.u32 v13, v49  }
0x11f: {  	v43 =	vor.u32 v5, v16;
	v34 =	vor.u32 v15, v57;
	v46 =	vld.idx.msk [tilespmem:v59+s0+$0x0], $0xffff;
	[tilespmem:v60+s22+$0x0] =	vst.idx.msk $0xffff, v50  }
0x120: {  	v44 =	vor.u32 v6, v17;
	v49 =	vor.u32 v5, v25;
	[tilespmem:v61+s22+$0x0] =	vst.idx.msk $0xffff, v54;
	v39 =	vld.idx.msk [tilespmem:v35+s0+$0x0], $0xffff  }
0x121: {  	_ =	sdelay $0x3  }
0x122: {  	[tilespmem:v47+s22+$0x0] =	vst.idx.msk $0xffff, v38;
	v45 =	vld.idx.msk [tilespmem:v45+s0+$0x0], $0xffff;
	v63 =	vor.u32 v5, v20  }
0x123: {  	v62 =	vor.u32 v5, v19;
	v50 =	vor.u32 v6, v18;
	v35 =	vld.idx.msk [tilespmem:v48+s0+$0x0], $0xffff  }
0x124: {  	v52 =	vor.u32 v6, v22  }
0x125: {  	[tilespmem:v49+s22+$0x0] =	vst.idx.msk $0xffff, v46  }
0x126: {  	v53 =	vor.u32 v7, v25;
	[tilespmem:v43+s22+$0x0] =	vst.idx.msk $0xffff, v42;
	v30 =	vld.idx.msk [tilespmem:v30+s0+$0x0], $0xffff  }
0x127: {  	v54 =	vor.u32 v8, v23;
	v59 =	vor.u32 v7, v16;
	v44 =	vld.idx.msk [tilespmem:v44+s0+$0x0], $0xffff;
	[tilespmem:v63+s22+$0x0] =	vst.idx.msk $0xffff, v45  }
0x128: {  	v58 =	vor.u32 v7, v20;
	v61 =	vor.u32 v8, v17;
	[tilespmem:v62+s22+$0x0] =	vst.idx.msk $0xffff, v35;
	v57 =	vld.idx.msk [tilespmem:v50+s0+$0x0], $0xffff  }
0x129: {  	v55 =	vor.u32 v7, v19;
	v60 =	vor.u32 v8, v18;
	v38 =	vld.idx.msk [tilespmem:v52+s0+$0x0], $0xffff  }
0x12a: {  	v56 =	vor.u32 v8, v22  }
0x12b: {  	[tilespmem:v53+s22+$0x0] =	vst.idx.msk $0xffff, v30  }
0x12c: {  	v62 =	vor.u32 v9, v25;
	[tilespmem:v59+s22+$0x0] =	vst.idx.msk $0xffff, v44;
	v35 =	vld.idx.msk [tilespmem:v54+s0+$0x0], $0xffff  }
0x12d: {  	v52 =	vor.u32 v10, v23;
	[tilespmem:v58+s22+$0x0] =	vst.idx.msk $0xffff, v57;
	v57 =	vor.u32 v9, v16;
	v58 =	vld.idx.msk [tilespmem:v61+s0+$0x0], $0xffff  }
0x12e: {  	v59 =	vor.u32 v10, v17;
	[tilespmem:v55+s22+$0x0] =	vst.idx.msk $0xffff, v38;
	v54 =	vld.idx.msk [tilespmem:v60+s0+$0x0], $0xffff;
	v55 =	vor.u32 v9, v20  }
0x12f: {  	v63 =	vor.u32 v9, v19;
	v42 =	vld.idx.msk [tilespmem:v56+s0+$0x0], $0xffff;
	v56 =	vor.u32 v10, v18  }
0x130: {  	[tilespmem:v41+s22+$0x0] =	vst.idx.msk $0xffff, v36;
	v53 =	vor.u32 v10, v22  }
0x131: {  	[tilespmem:v62+s22+$0x0] =	vst.idx.msk $0xffff, v35  }
0x132: {  	v60 =	vor.u32 v11, v25;
	v30 =	vld.idx.msk [tilespmem:v52+s0+$0x0], $0xffff;
	[tilespmem:v57+s22+$0x0] =	vst.idx.msk $0xffff, v58  }
0x133: {  	v50 =	vor.u32 v11, v16;
	v61 =	vor.u32 v12, v23;
	[tilespmem:v55+s22+$0x0] =	vst.idx.msk $0xffff, v54;
	v36 =	vld.idx.msk [tilespmem:v59+s0+$0x0], $0xffff  }
0x134: {  	v49 =	vor.u32 v11, v20;
	v52 =	vor.u32 v12, v17;
	[tilespmem:v63+s22+$0x0] =	vst.idx.msk $0xffff, v42;
	v63 =	vld.idx.msk [tilespmem:v56+s0+$0x0], $0xffff  }
0x135: {  	v51 =	vor.u32 v12, v18;
	[tilespmem:v40+s22+$0x0] =	vst.idx.msk $0xffff, v37;
	v62 =	vor.u32 v11, v19;
	v38 =	vld.idx.msk [tilespmem:v53+s0+$0x0], $0xffff  }
0x136: {  	v21 =	vor.u32 v13, v21;
	v48 =	vor.u32 v12, v22;
	[tilespmem:v27+s22+$0x0] =	vst.idx.msk $0xffff, v39  }
0x137: {  	v32 =	vld.idx.msk [tilespmem:v32+s0+$0x0], $0xffff;
	[tilespmem:v60+s22+$0x0] =	vst.idx.msk $0xffff, v30  }
0x138: {  	v53 =	vor.u32 v13, v25;
	v30 =	vld.idx.msk [tilespmem:v61+s0+$0x0], $0xffff;
	[tilespmem:v50+s22+$0x0] =	vst.idx.msk $0xffff, v36  }
0x139: {  	v55 =	vor.u32 v14, v23;
	v61 =	vor.u32 v13, v16;
	[tilespmem:v49+s22+$0x0] =	vst.idx.msk $0xffff, v63;
	v27 =	vld.idx.msk [tilespmem:v52+s0+$0x0], $0xffff  }
0x13a: {  	v17 =	vor.u32 v14, v17;
	v59 =	vor.u32 v13, v20;
	[tilespmem:v62+s22+$0x0] =	vst.idx.msk $0xffff, v38;
	v57 =	vld.idx.msk [tilespmem:v51+s0+$0x0], $0xffff  }
0x13b: {  	[tilespmem:v21+s22+$0x0] =	vst.idx.msk $0xffff, v33;
	v56 =	vor.u32 v13, v19;
	v60 =	vor.u32 v14, v18;
	v54 =	vld.idx.msk [tilespmem:v48+s0+$0x0], $0xffff  }
0x13c: {  	v31 =	vld.idx.msk [tilespmem:v31+s0+$0x0], $0xffff;
	[tilespmem:v34+s22+$0x0] =	vst.idx.msk $0xffff, v32;
	v58 =	vor.u32 v14, v22  }
0x13d: {  	v21 =	vld.idx.msk [tilespmem:v29+s0+$0x0], $0xffff;
	[tilespmem:v53+s22+$0x0] =	vst.idx.msk $0xffff, v30  }
0x13e: {  	s1 =	smulhi.u32 $0x51EB851F, s30;
	v23 =	vld.idx.msk [tilespmem:v55+s0+$0x0], $0xffff;
	[tilespmem:v61+s22+$0x0] =	vst.idx.msk $0xffff, v27  }
0x13f: {  	v16 =	vor.u32 v15, v16;
	[tilespmem:v59+s22+$0x0] =	vst.idx.msk $0xffff, v57;
	v17 =	vld.idx.msk [tilespmem:v17+s0+$0x0], $0xffff  }
0x140: {  	s1 =	sshrl.u32 s1, $0x4;
	v63 =	vor.u32 v15, v20;
	[tilespmem:v56+s22+$0x0] =	vst.idx.msk $0xffff, v54;
	v18 =	vld.idx.msk [tilespmem:v60+s0+$0x0], $0xffff  }
0x141: {  	s31 =	smul.u32 $0x32, s1;
	[tilespmem:v28+s22+$0x0] =	vst.idx.msk $0xffff, v31;
	v62 =	vor.u32 v15, v19;
	v22 =	vld.idx.msk [tilespmem:v58+s0+$0x0], $0xffff  }
0x142: {  	[tilespmem:v26+s22+$0x0] =	vst.idx.msk $0xffff, v21  }
.Ltmp8:
0x143: {  	s0 =	ssub.s32 s30, s31;
	[tilespmem:v24+s22+$0x0] =	vst.idx.msk $0xffff, v23;
	(pc) =	sbr.rel .LBB2_9-.Ltmp8, $4  }
0x144: {  	s1 =	sadd.s32 s6, s1;
	s0 =	sshll.u32 s0, $0x10;
	[tilespmem:v16+s22+$0x0] =	vst.idx.msk $0xffff, v17  }
0x145: {  	s1 =	sshll.u32 s1, $0x7;
	s0 =	sadd.s32 s2, s0;
	[tilespmem:v63+s22+$0x0] =	vst.idx.msk $0xffff, v18  }
0x146: {  	s0 =	sadd.s32 s1, s0;
	[tilespmem:v62+s22+$0x0] =	vst.idx.msk $0xffff, v22  }
0x147: {  	[hbm4b:s0+s23] =	stream.strided.scatter [tilespmem:s22], [sflag:$0x3], $0x1000, s24, s23, $0x38;
	[tilespmem:$0xC400] =	vst v63  }
.LBB2_11:
0x148: {  	_ =	sfence.sel $0x180000  }
0x149: {  	[bflag:$0x0] =	sbarrier.arrive $0xFFFF  }
0x14a: {  	_ =	strace $0x9000004A  }
0x14b: {  	s0 =	stileid.u32;
	[bflag:$0x2] =	sbarrier.arrive $0xFFFF  }
0x14c: {  	p0 =	sne.s32 s0, $0x0;
	s0 =	rddreg [dreg:$0x2]  }
0x14d: {  	s0 =	sadd.s32 @!p0 $0x100000, s0  }
0x14e: {  	[sflag:s0] =	ssyncadd.tile.s32 @!p0 $0x1;
	_ =	shalt  }
.Lfunc_end2:
_tile_overlayer_lowered:
.L_overlay_start_2:
0x14f: {  	(tag) =	ssettag $0x2  }
0x150: {  	s0 =	rddreg [dreg:$0x0];
	s2 =	stileid.u32  }
0x151: {  	s1 =	rddreg [dreg:$0x1];
	p0 =	sne.s32 s2, $0x0  }
0x152: {  	s3 =	rddreg [dreg:$0x2];
	[bflag:$0x3] =	sbarrier.arrive $0xFFFF;
	s2 =	simm.s32 @!p0 $0x1C04  }
0x153: {  	[timem:s3], [sflag:s2] =	dma.local @!p0 [hbm:s0], s1  }
0x154: {  	s0 =	simm.s32 @!p0 $0x4  }
0x155: {  	_ =	swait.ge @!p0 [sflag:s0], s1  }
0x156: {  	s1 =	ssub.s32 @!p0 $0x0, s1;
	[sflag:s0] =	ssyncset.done @!p0 $0x0  }
0x157: {  	[sflag:s0] =	ssyncadd.s32 @!p0 s1  }
0x158: {  	[bflag:$0x3] =	sbarrier.arrive $0xFFFF  }
0x159: {  	_ =	shalt  }

</sc_bundles>
